<compile_context>
chip_gen: v7x
topology: tpu7x:2x2x1
jax: 0.10.2.dev20260603
libtpu: 0.0.44.dev20260713+nightly
codegen_flags: <defaults>
</compile_context>

<pallas_src>
import functools

import jax
import jax.numpy as jnp
from jax import lax
from jax.experimental import pallas as pl
from jax.experimental.pallas import tpu as pltpu

N_NODES = 10000
N_EDGES = 320000
N_GRAPHS = 64
EMB = 128
EMB_ID = 64
M_DIM = 64
MLP = 256
FOURIER = 4
POS = 3

CPAD = 16
PW = 128
NODE_BLK = 2000
EDGE_BLK = 2048
E_PAD = 327680

_call = pl.pallas_call


def _silu(x):
    return x * jax.nn.sigmoid(x)



def _init_body(aid_ref, idn_ref, ea_ref, ei_ref, wa_ref, wb_ref, b_ref,
               out_ref):
    aid = aid_ref[...]
    idn = idn_ref[...]
    B = aid.shape[0]
    oh_a = (aid == lax.broadcasted_iota(jnp.int32, (B, 11), 1)).astype(jnp.float32)
    oh_i = (idn == lax.broadcasted_iota(jnp.int32, (B, 2), 1)).astype(jnp.float32)
    feats = oh_a @ ea_ref[...]
    featid = oh_i @ ei_ref[...]
    out_ref[...] = _silu(featid @ wa_ref[...] + feats @ wb_ref[...] + b_ref[...])


def _init_feats(atomids, identity, params):
    p = params
    wa = p["W_init"][:EMB_ID]
    wb = p["W_init"][EMB_ID:]
    b = p["b_init"].reshape(1, EMB)
    grid = N_NODES // NODE_BLK
    return _call(
        _init_body,
        grid=(grid,),
        in_specs=[
            pl.BlockSpec((NODE_BLK, 1), lambda i: (i, 0)),
            pl.BlockSpec((NODE_BLK, 1), lambda i: (i, 0)),
            pl.BlockSpec((11, EMB), lambda i: (0, 0)),
            pl.BlockSpec((2, EMB_ID), lambda i: (0, 0)),
            pl.BlockSpec((EMB_ID, EMB), lambda i: (0, 0)),
            pl.BlockSpec((EMB, EMB), lambda i: (0, 0)),
            pl.BlockSpec((1, EMB), lambda i: (0, 0)),
        ],
        out_specs=pl.BlockSpec((NODE_BLK, EMB), lambda i: (i, 0)),
        out_shape=jax.ShapeDtypeStruct((N_NODES, EMB), jnp.float32),
    )(atomids.reshape(-1, 1), identity.reshape(-1, 1),
      p["emb_atom"], p["emb_id"], wa, wb, b)



def _edge_body(xj_ref, xi_ref, cs_ref, cd_ref, w1i_ref, w1j_ref, w1f_ref,
               b1_ref, w2_ref, b2_ref, wc1_ref, bc1_ref, wc2_ref, bc2_ref,
               out_ref):
    i = pl.program_id(0)
    x_j = xj_ref[...]
    x_i = xi_ref[...]
    B = x_j.shape[0]
    rel = cs_ref[...] - cd_ref[...]
    d = jnp.sum(rel * rel, axis=1, keepdims=True)
    hs = jnp.concatenate([d * (0.5 ** k) for k in range(FOURIER)], axis=1)
    four = jnp.concatenate(
        [jnp.sin(hs), jnp.cos(hs), d,
         jnp.zeros((B, CPAD - 2 * FOURIER - 1), jnp.float32)], axis=1)
    h1 = _silu(x_i @ w1i_ref[...] + x_j @ w1j_ref[...] + four @ w1f_ref[...]
               + b1_ref[...])
    m = _silu(h1 @ w2_ref[...] + b2_ref[...])
    ch = _silu(m @ wc1_ref[...] + bc1_ref[...])
    cw = ch @ wc2_ref[...] + bc2_ref[...]
    wrel = cw * rel
    eid = i * B + lax.broadcasted_iota(jnp.int32, (B, 1), 0)
    valid = (eid < N_EDGES).astype(jnp.float32)
    payload = jnp.concatenate(
        [m, wrel, jnp.zeros((B, PW - M_DIM - CPAD), jnp.float32)],
        axis=1) * valid
    li = lax.broadcasted_iota(jnp.int32, (B, PW), 1)
    out_ref[...] = payload + jnp.where(li == (M_DIM + 3), valid, 0.0)


def _edge_mlp(xj, xi, csrc, cdst, kp):
    w1i = kp["We1"][:EMB]
    w1j = kp["We1"][EMB:2 * EMB]
    w1f = jnp.pad(kp["We1"][2 * EMB:], ((0, CPAD - 9), (0, 0)))
    H = w1i.shape[1]
    grid = E_PAD // EDGE_BLK
    return _call(
        _edge_body,
        grid=(grid,),
        in_specs=[
            pl.BlockSpec((EDGE_BLK, EMB), lambda i: (i, 0)),
            pl.BlockSpec((EDGE_BLK, EMB), lambda i: (i, 0)),
            pl.BlockSpec((EDGE_BLK, CPAD), lambda i: (i, 0)),
            pl.BlockSpec((EDGE_BLK, CPAD), lambda i: (i, 0)),
            pl.BlockSpec((EMB, H), lambda i: (0, 0)),
            pl.BlockSpec((EMB, H), lambda i: (0, 0)),
            pl.BlockSpec((CPAD, H), lambda i: (0, 0)),
            pl.BlockSpec((1, H), lambda i: (0, 0)),
            pl.BlockSpec((H, M_DIM), lambda i: (0, 0)),
            pl.BlockSpec((1, M_DIM), lambda i: (0, 0)),
            pl.BlockSpec((M_DIM, 4 * M_DIM), lambda i: (0, 0)),
            pl.BlockSpec((1, 4 * M_DIM), lambda i: (0, 0)),
            pl.BlockSpec((4 * M_DIM, 1), lambda i: (0, 0)),
            pl.BlockSpec((1, 1), lambda i: (0, 0)),
        ],
        out_specs=pl.BlockSpec((EDGE_BLK, PW), lambda i: (i, 0)),
        out_shape=jax.ShapeDtypeStruct((E_PAD, PW), jnp.float32),
    )(xj, xi, csrc, cdst, w1i, w1j, w1f, kp["be1"].reshape(1, H),
      kp["We2"], kp["be2"].reshape(1, M_DIM),
      kp["Wc1"], kp["bc1"].reshape(1, 4 * M_DIM),
      kp["Wc2"], kp["bc2"].reshape(1, 1))



def _node_body(f_ref, c_ref, agg_ref, wn1a_ref, wn1b_ref, bn1_ref, wn2_ref,
               bn2_ref, fo_ref, co_ref):
    feats = f_ref[...]
    a = agg_ref[0] + agg_ref[1]
    B = a.shape[0]
    cnt = jnp.maximum(a[:, M_DIM + 3:M_DIM + 4], 1.0)
    m_i = a[:, :M_DIM] / cnt
    mh = a[:, M_DIM:M_DIM + CPAD] / cnt
    li = lax.broadcasted_iota(jnp.int32, (B, CPAD), 1)
    mh = jnp.where(li < POS, mh, 0.0)
    h = _silu(feats @ wn1a_ref[...] + m_i @ wn1b_ref[...] + bn1_ref[...])
    h = h @ wn2_ref[...] + bn2_ref[...]
    fo_ref[...] = feats + h
    co_ref[...] = c_ref[...] + mh


def _node_update(feats, coords16, agg2, kp):
    wn1a = kp["Wn1"][:EMB]
    wn1b = kp["Wn1"][EMB:]
    grid = N_NODES // NODE_BLK
    return _call(
        _node_body,
        grid=(grid,),
        in_specs=[
            pl.BlockSpec((NODE_BLK, EMB), lambda i: (i, 0)),
            pl.BlockSpec((NODE_BLK, CPAD), lambda i: (i, 0)),
            pl.BlockSpec((2, NODE_BLK, PW), lambda i: (0, i, 0)),
            pl.BlockSpec((EMB, 2 * EMB), lambda i: (0, 0)),
            pl.BlockSpec((M_DIM, 2 * EMB), lambda i: (0, 0)),
            pl.BlockSpec((1, 2 * EMB), lambda i: (0, 0)),
            pl.BlockSpec((2 * EMB, EMB), lambda i: (0, 0)),
            pl.BlockSpec((1, EMB), lambda i: (0, 0)),
        ],
        out_specs=[pl.BlockSpec((NODE_BLK, EMB), lambda i: (i, 0)),
                   pl.BlockSpec((NODE_BLK, CPAD), lambda i: (i, 0))],
        out_shape=[jax.ShapeDtypeStruct((N_NODES, EMB), jnp.float32),
                   jax.ShapeDtypeStruct((N_NODES, CPAD), jnp.float32)],
    )(feats, coords16, agg2, wn1a, wn1b, kp["bn1"].reshape(1, 2 * EMB),
      kp["Wn2"], kp["bn2"].reshape(1, EMB))



def _final_body(f0_ref, f1_ref, f2_ref, batch_ref,
                w1_ref, b1_ref, w2_ref, b2_ref, w3_ref, b3_ref,
                v1_ref, c1_ref, v2_ref, c2_ref, v3_ref, c3_ref,
                out_ref, acc_ref, cnt_ref):
    i = pl.program_id(0)
    n = pl.num_programs(0)

    @pl.when(i == 0)
    def _():
        acc_ref[...] = jnp.zeros_like(acc_ref)
        cnt_ref[...] = jnp.zeros_like(cnt_ref)

    h = _silu(jnp.concatenate([f0_ref[...], f1_ref[...], f2_ref[...]], axis=1))
    h = _silu(h @ w1_ref[...] + b1_ref[...])
    h = _silu(h @ w2_ref[...] + b2_ref[...])
    h = _silu(h @ w3_ref[...] + b3_ref[...])
    B = h.shape[0]
    oh = (batch_ref[...] ==
          lax.broadcasted_iota(jnp.int32, (B, N_GRAPHS), 1)).astype(jnp.float32)
    acc_ref[...] += lax.dot_general(oh, h, (((0,), (0,)), ((), ())))
    cnt_ref[...] += jnp.sum(oh, axis=0, keepdims=True)

    @pl.when(i == n - 1)
    def _():
        g = acc_ref[...] / jnp.maximum(cnt_ref[...].reshape(N_GRAPHS, 1), 1.0)
        g = _silu(g @ v1_ref[...] + c1_ref[...])
        g = _silu(g @ v2_ref[...] + c2_ref[...])
        out_ref[...] = g @ v3_ref[...] + c3_ref[...]


def _final_head(f0, f1, f2, batch, params):
    (w1, b1), (w2, b2), (w3, b3) = params["fnn"]
    (v1, c1), (v2, c2), (v3, c3) = params["fnn2"]
    grid = N_NODES // NODE_BLK
    fspec = pl.BlockSpec((NODE_BLK, EMB), lambda i: (i, 0))
    return _call(
        _final_body,
        grid=(grid,),
        in_specs=[
            fspec, fspec, fspec,
            pl.BlockSpec((NODE_BLK, 1), lambda i: (i, 0)),
            pl.BlockSpec((3 * EMB, MLP), lambda i: (0, 0)),
            pl.BlockSpec((1, MLP), lambda i: (0, 0)),
            pl.BlockSpec((MLP, MLP), lambda i: (0, 0)),
            pl.BlockSpec((1, MLP), lambda i: (0, 0)),
            pl.BlockSpec((MLP, MLP), lambda i: (0, 0)),
            pl.BlockSpec((1, MLP), lambda i: (0, 0)),
            pl.BlockSpec((MLP, MLP), lambda i: (0, 0)),
            pl.BlockSpec((1, MLP), lambda i: (0, 0)),
            pl.BlockSpec((MLP, MLP), lambda i: (0, 0)),
            pl.BlockSpec((1, MLP), lambda i: (0, 0)),
            pl.BlockSpec((MLP, 1), lambda i: (0, 0)),
            pl.BlockSpec((1, 1), lambda i: (0, 0)),
        ],
        out_specs=pl.BlockSpec((N_GRAPHS, 1), lambda i: (0, 0)),
        out_shape=jax.ShapeDtypeStruct((N_GRAPHS, 1), jnp.float32),
        scratch_shapes=[pltpu.VMEM((N_GRAPHS, MLP), jnp.float32),
                        pltpu.VMEM((1, N_GRAPHS), jnp.float32)],
    )(f0, f1, f2, batch.reshape(-1, 1),
      w1, b1.reshape(1, -1), w2, b2.reshape(1, -1), w3, b3.reshape(1, -1),
      v1, c1.reshape(1, -1), v2, c2.reshape(1, -1), v3, c3.reshape(1, -1))



NC, NS, LANES = 2, 16, 16
NW = NC * NS
CHUNK = 128
CPT = E_PAD // (NW * CHUNK)
EPW = E_PAD // NW
NSTRIPE = 624
NSTRIPE_LAST = N_NODES - NSTRIPE * (NS - 1)


def _sc_mesh():
    from jax.experimental.pallas import tpu_sc as plsc
    return plsc.VectorSubcoreMesh(core_axis_name="c", subcore_axis_name="s",
                                  num_cores=NC, num_subcores=NS)


def _gather_feats_body(tab_hbm, srcI_hbm, dstI_hbm, xj_hbm, xi_hbm,
                       sidx, didx, bufs, bufd, sem_s, sem_d):
    wid = lax.axis_index("s") * NC + lax.axis_index("c")
    pltpu.sync_copy(srcI_hbm.at[wid], sidx)
    pltpu.sync_copy(dstI_hbm.at[wid], didx)
    base = wid * EPW

    def body(j, carry):
        cs = pltpu.async_copy(tab_hbm.at[sidx.at[j]], bufs, sem_s)
        cd = pltpu.async_copy(tab_hbm.at[didx.at[j]], bufd, sem_d)
        cs.wait()
        cd.wait()
        row0 = base + j * CHUNK
        pltpu.sync_copy(bufs, xj_hbm.at[pl.ds(row0, CHUNK)])
        pltpu.sync_copy(bufd, xi_hbm.at[pl.ds(row0, CHUNK)])
        return carry

    lax.fori_loop(0, CPT, body, 0)


def _gather_feats(table, srcI, dstI):
    f = functools.partial(
        pl.kernel,
        out_type=[jax.ShapeDtypeStruct((E_PAD, EMB), jnp.float32),
                  jax.ShapeDtypeStruct((E_PAD, EMB), jnp.float32)],
        mesh=_sc_mesh(),
        scratch_types=[
            pltpu.VMEM((CPT, CHUNK), jnp.int32),
            pltpu.VMEM((CPT, CHUNK), jnp.int32),
            pltpu.VMEM((CHUNK, EMB), jnp.float32),
            pltpu.VMEM((CHUNK, EMB), jnp.float32),
            pltpu.SemaphoreType.DMA,
            pltpu.SemaphoreType.DMA,
        ],
    )(_gather_feats_body)
    return f(table, srcI, dstI)


def _gather_coords(coords16, srcI, dstI):
    f = functools.partial(
        pl.kernel,
        out_type=[jax.ShapeDtypeStruct((E_PAD, CPAD), jnp.float32),
                  jax.ShapeDtypeStruct((E_PAD, CPAD), jnp.float32)],
        mesh=_sc_mesh(),
        scratch_types=[
            pltpu.VMEM((CPT, CHUNK), jnp.int32),
            pltpu.VMEM((CPT, CHUNK), jnp.int32),
            pltpu.VMEM((CHUNK, CPAD), jnp.float32),
            pltpu.VMEM((CHUNK, CPAD), jnp.float32),
            pltpu.SemaphoreType.DMA,
            pltpu.SemaphoreType.DMA,
        ],
        compiler_params=pltpu.CompilerParams(use_tc_tiling_on_sc=False),
    )(_gather_feats_body)
    return f(coords16, srcI, dstI)


def _scatter_body(pay_hbm, dstI_hbm, zero_hbm, agg_hbm, didx, pbuf, shared):
    from jax.experimental.pallas import tpu_sc as plsc
    cid = lax.axis_index("c")
    sid = lax.axis_index("s")
    wid = sid * NC + cid
    pltpu.sync_copy(dstI_hbm.at[wid], didx)

    @pl.when(sid < NS - 1)
    def _():
        pltpu.sync_copy(zero_hbm.at[pl.ds(sid * NSTRIPE, NSTRIPE)],
                        shared.at[pl.ds(sid * NSTRIPE, NSTRIPE)])

    @pl.when(sid == NS - 1)
    def _():
        pltpu.sync_copy(zero_hbm.at[pl.ds(sid * NSTRIPE, NSTRIPE_LAST)],
                        shared.at[pl.ds(sid * NSTRIPE, NSTRIPE_LAST)])

    plsc.subcore_barrier()
    base = wid * EPW

    def body(j, carry):
        pltpu.sync_copy(pay_hbm.at[pl.ds(base + j * CHUNK, CHUNK)], pbuf)
        pltpu.sync_copy(pbuf, shared.at[didx.at[j]], add=True)
        return carry

    lax.fori_loop(0, CPT, body, 0)
    plsc.subcore_barrier()

    @pl.when(sid < NS - 1)
    def _():
        pltpu.sync_copy(shared.at[pl.ds(sid * NSTRIPE, NSTRIPE)],
                        agg_hbm.at[cid, pl.ds(sid * NSTRIPE, NSTRIPE)])

    @pl.when(sid == NS - 1)
    def _():
        pltpu.sync_copy(shared.at[pl.ds(sid * NSTRIPE, NSTRIPE_LAST)],
                        agg_hbm.at[cid, pl.ds(sid * NSTRIPE, NSTRIPE_LAST)])


def _scatter(payload, dstI, zeros_n):
    f = functools.partial(
        pl.kernel,
        out_type=jax.ShapeDtypeStruct((NC, N_NODES, PW), jnp.float32),
        mesh=_sc_mesh(),
        scratch_types=[
            pltpu.VMEM((CPT, CHUNK), jnp.int32),
            pltpu.VMEM((CHUNK, PW), jnp.float32),
            pltpu.VMEM_SHARED((N_NODES, PW), jnp.float32),
        ],
    )(_scatter_body)
    return f(payload, dstI, zeros_n)



def kernel(atomids, identity, coords, edge_index, batch, params):
    coords16 = jnp.pad(coords, ((0, 0), (0, CPAD - POS)))
    src = edge_index[0].astype(jnp.int32)
    dst = edge_index[1].astype(jnp.int32)
    srcI = jnp.pad(src, (0, E_PAD - N_EDGES)).reshape(NW, CPT, CHUNK)
    dstI = jnp.pad(dst, (0, E_PAD - N_EDGES)).reshape(NW, CPT, CHUNK)
    zeros_n = jnp.zeros((N_NODES, PW), jnp.float32)

    feats = _init_feats(atomids.astype(jnp.int32), identity.astype(jnp.int32),
                        params)
    flist = [feats]
    for kp in params["kernels"]:
        xj, xi = _gather_feats(flist[-1], srcI, dstI)
        csrc, cdst = _gather_coords(coords16, srcI, dstI)
        payload = _edge_mlp(xj, xi, csrc, cdst, kp)
        agg2 = _scatter(payload, dstI, zeros_n)
        fnew, coords16 = _node_update(flist[-1], coords16, agg2, kp)
        flist.append(fnew)

    return _final_head(flist[0], flist[1], flist[2],
                       batch.astype(jnp.int32), params)

# --- scband reference (transcript-rebuilt; emitter-appended) ---
"""Pipeline reference for scband-delta-net-molecular-36438502540092 (READ-ONLY COPY).

The authoritative reference and input builder live on the scoring server;
editing this copy changes nothing except your own understanding.
"""

import jax, jax.numpy as jnp
import numpy as np

N_NODES = 10000
N_EDGES = 320000
N_GRAPHS = 64
EMB = 128
EMB_ID = 64
M_DIM = 64
MLP = 256
FOURIER = 4
POS = 3
N_KERNELS = 2


def _lin_params(key, fan_in, fan_out):
    k1, _ = jax.random.split(key)
    limit = float(np.sqrt(6.0 / (fan_in + fan_out)))
    W = jax.random.uniform(k1, (fan_in, fan_out), minval=-limit, maxval=limit, dtype=jnp.float32)
    b = jnp.zeros((fan_out,), jnp.float32)
    return W, b


def setup_inputs(seed: int = 0):
    key = jax.random.key(seed)
    ks = jax.random.split(key, 40)
    atomids = jax.random.randint(ks[0], (N_NODES,), 0, 11)
    identity = jax.random.randint(ks[1], (N_NODES,), 0, 2)
    coords = jax.random.normal(ks[2], (N_NODES, POS), dtype=jnp.float32)
    edge_index = jax.random.randint(ks[3], (2, N_EDGES), 0, N_NODES)
    batch = jnp.sort(jax.random.randint(ks[4], (N_NODES,), 0, N_GRAPHS))
    i = 5
    params = {}
    params["emb_atom"] = jax.random.normal(ks[i], (11, EMB), dtype=jnp.float32) * 0.1; i += 1
    params["emb_id"] = jax.random.normal(ks[i], (2, EMB_ID), dtype=jnp.float32) * 0.1; i += 1
    params["W_init"], params["b_init"] = _lin_params(ks[i], EMB + EMB_ID, EMB); i += 1
    edge_in = FOURIER * 2 + 1 + EMB * 2
    kernels = []
    for _ in range(N_KERNELS):
        kp = {}
        kp["We1"], kp["be1"] = _lin_params(ks[i], edge_in, edge_in * 2); i += 1
        kp["We2"], kp["be2"] = _lin_params(ks[i], edge_in * 2, M_DIM); i += 1
        kp["Wc1"], kp["bc1"] = _lin_params(ks[i], M_DIM, M_DIM * 4); i += 1
        kp["Wc2"], kp["bc2"] = _lin_params(ks[i], M_DIM * 4, 1); i += 1
        kp["Wn1"], kp["bn1"] = _lin_params(ks[i], EMB + M_DIM, EMB * 2); i += 1
        kp["Wn2"], kp["bn2"] = _lin_params(ks[i], EMB * 2, EMB); i += 1
        kernels.append(kp)
    params["kernels"] = kernels
    fnn = []
    for (a, b) in [(EMB * (N_KERNELS + 1), MLP), (MLP, MLP), (MLP, MLP)]:
        fnn.append(_lin_params(ks[i], a, b)); i += 1
    params["fnn"] = fnn
    fnn2 = []
    for (a, b) in [(MLP, MLP), (MLP, MLP), (MLP, 1)]:
        fnn2.append(_lin_params(ks[i], a, b)); i += 1
    params["fnn2"] = fnn2
    return {"atomids": atomids, "identity": identity, "coords": coords,
            "edge_index": edge_index, "batch": batch, "params": params}


def _seg_mean(data, idx, n):
    s = jax.ops.segment_sum(data, idx, num_segments=n)
    c = jax.ops.segment_sum(jnp.ones((data.shape[0], 1), data.dtype), idx, num_segments=n)
    return s / jnp.clip(c, 1.0)


def _fourier_encode_dist(x, num_encodings=4):
    # x: [E, 1] -> [E, 2*num_encodings + 1]  (matches egnn fourier_encode_dist + rearrange)
    orig = x[..., None]
    scales = 2.0 ** jnp.arange(num_encodings, dtype=x.dtype)
    h = orig / scales
    h = jnp.concatenate([jnp.sin(h), jnp.cos(h)], axis=-1)
    h = jnp.concatenate([h, orig], axis=-1)
    return h.reshape(x.shape[0], -1)


def _egnn_kernel(x, edge_index, kp):
    coors, feats = x[:, :POS], x[:, POS:]
    src, dst = edge_index[0], edge_index[1]
    rel_coors = coors[src] - coors[dst]
    rel_dist = jnp.sum(rel_coors ** 2, axis=-1, keepdims=True)
    rel_dist = _fourier_encode_dist(rel_dist, FOURIER)
    x_i = feats[dst]
    x_j = feats[src]
    m_ij = jnp.concatenate([x_i, x_j, rel_dist], axis=-1)
    m_ij = jax.nn.silu(m_ij @ kp["We1"] + kp["be1"])
    m_ij = jax.nn.silu(m_ij @ kp["We2"] + kp["be2"])
    coor_w = jax.nn.silu(m_ij @ kp["Wc1"] + kp["bc1"]) @ kp["Wc2"] + kp["bc2"]
    n = x.shape[0]
    mhat = _seg_mean(coor_w * rel_coors, dst, n)
    coors_out = coors + mhat
    m_i = _seg_mean(m_ij, dst, n)
    h = jnp.concatenate([feats, m_i], axis=-1)
    h = jax.nn.silu(h @ kp["Wn1"] + kp["bn1"]) @ kp["Wn2"] + kp["bn2"]
    hidden_out = feats + h
    return jnp.concatenate([coors_out, hidden_out], axis=-1)


def _forward(atomids, identity, coords, edge_index, batch, params):
    feats = params["emb_atom"][atomids]
    featid = params["emb_id"][identity]
    feats = jax.nn.silu(jnp.concatenate([featid, feats], axis=1) @ params["W_init"] + params["b_init"])
    x = jnp.concatenate([coords, feats], axis=1)
    feat_list = [x[:, POS:]]
    for kp in params["kernels"]:
        x = _egnn_kernel(x, edge_index, kp)
        feat_list.append(x[:, POS:])
    h = jax.nn.silu(jnp.concatenate(feat_list, axis=1))
    for (W, b) in params["fnn"]:
        h = jax.nn.silu(h @ W + b)
    h = _seg_mean(h, batch, N_GRAPHS)
    for (W, b) in params["fnn2"][:-1]:
        h = jax.nn.silu(h @ W + b)
    W, b = params["fnn2"][-1]
    return h @ W + b


def reference(atomids, identity, coords, edge_index, batch, params):
    return _forward(atomids, identity, coords, edge_index, batch, params)

if __name__ == "__main__":
    import jax
    _d = setup_inputs()
    print(jax.jit(kernel)(*tuple(_d.values())))

</pallas_src>

<mosaic_0001>
#map = affine_map<(d0, d1) -> (0, 0)>
#map1 = affine_map<(d0, d1) -> (0, 0, 0)>
module attributes {stable_mosaic.version = 14 : i64} {
  func.func @_gather_feats_body(%arg0: i32, %arg1: i32, %arg2: memref<10000x16xf32, #tpu.memory_space<hbm>>, %arg3: memref<32x80x128xi32, #tpu.memory_space<hbm>>, %arg4: memref<32x80x128xi32, #tpu.memory_space<hbm>>, %arg5: memref<327680x16xf32, #tpu.memory_space<hbm>>, %arg6: memref<327680x16xf32, #tpu.memory_space<hbm>>, %arg7: memref<80x128xi32, #tpu.memory_space<vmem>>, %arg8: memref<80x128xi32, #tpu.memory_space<vmem>>, %arg9: memref<128x16xf32, #tpu.memory_space<vmem>>, %arg10: memref<128x16xf32, #tpu.memory_space<vmem>>, %arg11: memref<!tpu.dma_semaphore, #tpu.memory_space<semaphore_mem>>, %arg12: memref<!tpu.dma_semaphore, #tpu.memory_space<semaphore_mem>>) attributes {dimension_semantics = [#tpu.dimension_semantics<core_parallel>, #tpu.dimension_semantics<subcore_parallel>], iteration_bounds = array<i64: 2, 16>, scalar_prefetch = 0 : i64, scratch_operands = 6 : i64, tpu.core_type = #tpu.core_type<sc_vector_subcore>, window_params = [{transform_indices = #map}, {transform_indices = #map1}, {transform_indices = #map1}, {transform_indices = #map}, {transform_indices = #map}]} {
    %mul3A = arith.constant 2 : i32
    %mul3A_0 = arith.muli %arg1, %mul3A : i32
    %add3A = arith.addi %mul3A_0, %arg0 : i32
    "tpu.region"() ({
      %run_scoped3A = tpu.sem_alloc : memref<!tpu.dma_semaphore, #tpu.memory_space<semaphore_mem>>
      %dma_start3A = arith.constant 0 : i32
      %dma_start3A_8 = arith.constant 0 : i32
      %dma_start3A_9 = tpu.memref_slice %arg3[%add3A, %dma_start3A, %dma_start3A_8] : memref<32x80x128xi32, #tpu.memory_space<hbm>> -> memref<1x80x128xi32, #tpu.memory_space<hbm>>
      %dma_start3A_10 = tpu.memref_squeeze %dma_start3A_9 : memref<1x80x128xi32, #tpu.memory_space<hbm>> -> memref<80x128xi32, #tpu.memory_space<hbm>>
      %dma_start3A_11 = arith.constant 0 : i32
      %dma_start3A_12 = arith.constant 0 : i32
      %dma_start3A_13 = tpu.memref_slice %arg3[%add3A, %dma_start3A_11, %dma_start3A_12] : memref<32x80x128xi32, #tpu.memory_space<hbm>> -> memref<1x80x128xi32, #tpu.memory_space<hbm>>
      %dma_start3A_14 = tpu.memref_squeeze %dma_start3A_13 : memref<1x80x128xi32, #tpu.memory_space<hbm>> -> memref<80x128xi32, #tpu.memory_space<hbm>>
      tpu.enqueue_dma source(%dma_start3A_14 : memref<80x128xi32, #tpu.memory_space<hbm>>) target(%arg7 : memref<80x128xi32, #tpu.memory_space<vmem>>) target_semaphore(%run_scoped3A : memref<!tpu.dma_semaphore, #tpu.memory_space<semaphore_mem>>)
      %dma_wait3A = arith.constant 0 : i32
      %dma_wait3A_15 = arith.constant 0 : i32
      %dma_wait3A_16 = tpu.memref_slice %arg3[%add3A, %dma_wait3A, %dma_wait3A_15] : memref<32x80x128xi32, #tpu.memory_space<hbm>> -> memref<1x80x128xi32, #tpu.memory_space<hbm>>
      %dma_wait3A_17 = tpu.memref_squeeze %dma_wait3A_16 : memref<1x80x128xi32, #tpu.memory_space<hbm>> -> memref<80x128xi32, #tpu.memory_space<hbm>>
      %dma_wait3A_18 = arith.constant 0 : i32
      %dma_wait3A_19 = arith.constant 0 : i32
      %dma_wait3A_20 = tpu.memref_slice %arg3[%add3A, %dma_wait3A_18, %dma_wait3A_19] : memref<32x80x128xi32, #tpu.memory_space<hbm>> -> memref<1x80x128xi32, #tpu.memory_space<hbm>>
      %dma_wait3A_21 = tpu.memref_squeeze %dma_wait3A_20 : memref<1x80x128xi32, #tpu.memory_space<hbm>> -> memref<80x128xi32, #tpu.memory_space<hbm>>
      tpu.wait_dma2 semaphore(%run_scoped3A : memref<!tpu.dma_semaphore, #tpu.memory_space<semaphore_mem>>) src(%dma_wait3A_21 : memref<80x128xi32, #tpu.memory_space<hbm>>) dst(%arg7 : memref<80x128xi32, #tpu.memory_space<vmem>>)
      tpu.yield
    }) : () -> ()
    "tpu.region"() ({
      %run_scoped3A = tpu.sem_alloc : memref<!tpu.dma_semaphore, #tpu.memory_space<semaphore_mem>>
      %dma_start3A = arith.constant 0 : i32
      %dma_start3A_8 = arith.constant 0 : i32
      %dma_start3A_9 = tpu.memref_slice %arg4[%add3A, %dma_start3A, %dma_start3A_8] : memref<32x80x128xi32, #tpu.memory_space<hbm>> -> memref<1x80x128xi32, #tpu.memory_space<hbm>>
      %dma_start3A_10 = tpu.memref_squeeze %dma_start3A_9 : memref<1x80x128xi32, #tpu.memory_space<hbm>> -> memref<80x128xi32, #tpu.memory_space<hbm>>
      %dma_start3A_11 = arith.constant 0 : i32
      %dma_start3A_12 = arith.constant 0 : i32
      %dma_start3A_13 = tpu.memref_slice %arg4[%add3A, %dma_start3A_11, %dma_start3A_12] : memref<32x80x128xi32, #tpu.memory_space<hbm>> -> memref<1x80x128xi32, #tpu.memory_space<hbm>>
      %dma_start3A_14 = tpu.memref_squeeze %dma_start3A_13 : memref<1x80x128xi32, #tpu.memory_space<hbm>> -> memref<80x128xi32, #tpu.memory_space<hbm>>
      tpu.enqueue_dma source(%dma_start3A_14 : memref<80x128xi32, #tpu.memory_space<hbm>>) target(%arg8 : memref<80x128xi32, #tpu.memory_space<vmem>>) target_semaphore(%run_scoped3A : memref<!tpu.dma_semaphore, #tpu.memory_space<semaphore_mem>>)
      %dma_wait3A = arith.constant 0 : i32
      %dma_wait3A_15 = arith.constant 0 : i32
      %dma_wait3A_16 = tpu.memref_slice %arg4[%add3A, %dma_wait3A, %dma_wait3A_15] : memref<32x80x128xi32, #tpu.memory_space<hbm>> -> memref<1x80x128xi32, #tpu.memory_space<hbm>>
      %dma_wait3A_17 = tpu.memref_squeeze %dma_wait3A_16 : memref<1x80x128xi32, #tpu.memory_space<hbm>> -> memref<80x128xi32, #tpu.memory_space<hbm>>
      %dma_wait3A_18 = arith.constant 0 : i32
      %dma_wait3A_19 = arith.constant 0 : i32
      %dma_wait3A_20 = tpu.memref_slice %arg4[%add3A, %dma_wait3A_18, %dma_wait3A_19] : memref<32x80x128xi32, #tpu.memory_space<hbm>> -> memref<1x80x128xi32, #tpu.memory_space<hbm>>
      %dma_wait3A_21 = tpu.memref_squeeze %dma_wait3A_20 : memref<1x80x128xi32, #tpu.memory_space<hbm>> -> memref<80x128xi32, #tpu.memory_space<hbm>>
      tpu.wait_dma2 semaphore(%run_scoped3A : memref<!tpu.dma_semaphore, #tpu.memory_space<semaphore_mem>>) src(%dma_wait3A_21 : memref<80x128xi32, #tpu.memory_space<hbm>>) dst(%arg8 : memref<80x128xi32, #tpu.memory_space<vmem>>)
      tpu.yield
    }) : () -> ()
    %mul3A_1 = arith.constant 10240 : i32
    %mul3A_2 = arith.muli %add3A, %mul3A_1 : i32
    %scan3A = arith.constant 0 : i32
    %scan3A_3 = arith.constant 0 : i32
    %scan3A_4 = arith.constant 80 : i32
    %scan3A_5 = arith.addi %scan3A_3, %scan3A_4 : i32
    %scan3A_6 = arith.constant 1 : i32
    scf.for %scan3A_8 = %scan3A_3 to %scan3A_5 step %scan3A_6  : i32 {
      %dma_start3A = arith.constant 0 : i32
      %dma_start3A_9 = tpu.memref_slice %arg7[%scan3A_8, %dma_start3A] : memref<80x128xi32, #tpu.memory_space<vmem>> -> memref<1x128xi32, #tpu.memory_space<vmem>>
      %dma_start3A_10 = tpu.memref_squeeze %dma_start3A_9 : memref<1x128xi32, #tpu.memory_space<vmem>> -> memref<128xi32, #tpu.memory_space<vmem>>
      %dma_start3A_11 = arith.constant 0 : i32
      %dma_start3A_12 = arith.constant 0 : i32
      %dma_start3A_13 = tpu.memref_slice %arg2[%dma_start3A_11, %dma_start3A_12] : memref<10000x16xf32, #tpu.memory_space<hbm>> -> memref<10000x16xf32, #tpu.memory_space<hbm>>
      tpu.enqueue_indirect_dma source(%dma_start3A_13 : memref<10000x16xf32, #tpu.memory_space<hbm>>) target(%arg9 : memref<128x16xf32, #tpu.memory_space<vmem>>) offsets(%dma_start3A_10 : memref<128xi32, #tpu.memory_space<vmem>>) semaphore(%arg11 : memref<!tpu.dma_semaphore, #tpu.memory_space<semaphore_mem>>)
      %dma_start3A_14 = arith.constant 0 : i32
      %dma_start3A_15 = tpu.memref_slice %arg8[%scan3A_8, %dma_start3A_14] : memref<80x128xi32, #tpu.memory_space<vmem>> -> memref<1x128xi32, #tpu.memory_space<vmem>>
      %dma_start3A_16 = tpu.memref_squeeze %dma_start3A_15 : memref<1x128xi32, #tpu.memory_space<vmem>> -> memref<128xi32, #tpu.memory_space<vmem>>
      %dma_start3A_17 = arith.constant 0 : i32
      %dma_start3A_18 = arith.constant 0 : i32
      %dma_start3A_19 = tpu.memref_slice %arg2[%dma_start3A_17, %dma_start3A_18] : memref<10000x16xf32, #tpu.memory_space<hbm>> -> memref<10000x16xf32, #tpu.memory_space<hbm>>
      tpu.enqueue_indirect_dma source(%dma_start3A_19 : memref<10000x16xf32, #tpu.memory_space<hbm>>) target(%arg10 : memref<128x16xf32, #tpu.memory_space<vmem>>) offsets(%dma_start3A_16 : memref<128xi32, #tpu.memory_space<vmem>>) semaphore(%arg12 : memref<!tpu.dma_semaphore, #tpu.memory_space<semaphore_mem>>)
      %dma_wait3A = arith.constant 0 : i32
      %dma_wait3A_20 = tpu.memref_slice %arg7[%scan3A_8, %dma_wait3A] : memref<80x128xi32, #tpu.memory_space<vmem>> -> memref<1x128xi32, #tpu.memory_space<vmem>>
      %dma_wait3A_21 = tpu.memref_squeeze %dma_wait3A_20 : memref<1x128xi32, #tpu.memory_space<vmem>> -> memref<128xi32, #tpu.memory_space<vmem>>
      %dma_wait3A_22 = arith.constant 0 : i32
      %dma_wait3A_23 = arith.constant 0 : i32
      %dma_wait3A_24 = tpu.memref_slice %arg2[%dma_wait3A_22, %dma_wait3A_23] : memref<10000x16xf32, #tpu.memory_space<hbm>> -> memref<10000x16xf32, #tpu.memory_space<hbm>>
      tpu.wait_indirect_dma semaphore(%arg11 : memref<!tpu.dma_semaphore, #tpu.memory_space<semaphore_mem>>) src(%dma_wait3A_24 : memref<10000x16xf32, #tpu.memory_space<hbm>>) dst(%arg9 : memref<128x16xf32, #tpu.memory_space<vmem>>)
      %dma_wait3A_25 = arith.constant 0 : i32
      %dma_wait3A_26 = tpu.memref_slice %arg8[%scan3A_8, %dma_wait3A_25] : memref<80x128xi32, #tpu.memory_space<vmem>> -> memref<1x128xi32, #tpu.memory_space<vmem>>
      %dma_wait3A_27 = tpu.memref_squeeze %dma_wait3A_26 : memref<1x128xi32, #tpu.memory_space<vmem>> -> memref<128xi32, #tpu.memory_space<vmem>>
      %dma_wait3A_28 = arith.constant 0 : i32
      %dma_wait3A_29 = arith.constant 0 : i32
      %dma_wait3A_30 = tpu.memref_slice %arg2[%dma_wait3A_28, %dma_wait3A_29] : memref<10000x16xf32, #tpu.memory_space<hbm>> -> memref<10000x16xf32, #tpu.memory_space<hbm>>
      tpu.wait_indirect_dma semaphore(%arg12 : memref<!tpu.dma_semaphore, #tpu.memory_space<semaphore_mem>>) src(%dma_wait3A_30 : memref<10000x16xf32, #tpu.memory_space<hbm>>) dst(%arg10 : memref<128x16xf32, #tpu.memory_space<vmem>>)
      %mul3A_31 = arith.constant 128 : i32
      %mul3A_32 = arith.muli %scan3A_8, %mul3A_31 : i32
      %add3A_33 = arith.addi %mul3A_2, %mul3A_32 : i32
      "tpu.region"() ({
        %run_scoped3A = tpu.sem_alloc : memref<!tpu.dma_semaphore, #tpu.memory_space<semaphore_mem>>
        %dma_start3A_34 = arith.constant 0 : i32
        %dma_start3A_35 = tpu.memref_slice %arg5[%add3A_33, %dma_start3A_34] : memref<327680x16xf32, #tpu.memory_space<hbm>> -> memref<128x16xf32, #tpu.memory_space<hbm>>
        %dma_start3A_36 = arith.constant 0 : i32
        %dma_start3A_37 = tpu.memref_slice %arg5[%add3A_33, %dma_start3A_36] : memref<327680x16xf32, #tpu.memory_space<hbm>> -> memref<128x16xf32, #tpu.memory_space<hbm>>
        tpu.enqueue_dma source(%arg9 : memref<128x16xf32, #tpu.memory_space<vmem>>) target(%dma_start3A_37 : memref<128x16xf32, #tpu.memory_space<hbm>>) target_semaphore(%run_scoped3A : memref<!tpu.dma_semaphore, #tpu.memory_space<semaphore_mem>>)
        %dma_wait3A_38 = arith.constant 0 : i32
        %dma_wait3A_39 = tpu.memref_slice %arg5[%add3A_33, %dma_wait3A_38] : memref<327680x16xf32, #tpu.memory_space<hbm>> -> memref<128x16xf32, #tpu.memory_space<hbm>>
        %dma_wait3A_40 = arith.constant 0 : i32
        %dma_wait3A_41 = tpu.memref_slice %arg5[%add3A_33, %dma_wait3A_40] : memref<327680x16xf32, #tpu.memory_space<hbm>> -> memref<128x16xf32, #tpu.memory_space<hbm>>
        tpu.wait_dma2 semaphore(%run_scoped3A : memref<!tpu.dma_semaphore, #tpu.memory_space<semaphore_mem>>) src(%arg9 : memref<128x16xf32, #tpu.memory_space<vmem>>) dst(%dma_wait3A_41 : memref<128x16xf32, #tpu.memory_space<hbm>>)
        tpu.yield
      }) : () -> ()
      "tpu.region"() ({
        %run_scoped3A = tpu.sem_alloc : memref<!tpu.dma_semaphore, #tpu.memory_space<semaphore_mem>>
        %dma_start3A_34 = arith.constant 0 : i32
        %dma_start3A_35 = tpu.memref_slice %arg6[%add3A_33, %dma_start3A_34] : memref<327680x16xf32, #tpu.memory_space<hbm>> -> memref<128x16xf32, #tpu.memory_space<hbm>>
        %dma_start3A_36 = arith.constant 0 : i32
        %dma_start3A_37 = tpu.memref_slice %arg6[%add3A_33, %dma_start3A_36] : memref<327680x16xf32, #tpu.memory_space<hbm>> -> memref<128x16xf32, #tpu.memory_space<hbm>>
        tpu.enqueue_dma source(%arg10 : memref<128x16xf32, #tpu.memory_space<vmem>>) target(%dma_start3A_37 : memref<128x16xf32, #tpu.memory_space<hbm>>) target_semaphore(%run_scoped3A : memref<!tpu.dma_semaphore, #tpu.memory_space<semaphore_mem>>)
        %dma_wait3A_38 = arith.constant 0 : i32
        %dma_wait3A_39 = tpu.memref_slice %arg6[%add3A_33, %dma_wait3A_38] : memref<327680x16xf32, #tpu.memory_space<hbm>> -> memref<128x16xf32, #tpu.memory_space<hbm>>
        %dma_wait3A_40 = arith.constant 0 : i32
        %dma_wait3A_41 = tpu.memref_slice %arg6[%add3A_33, %dma_wait3A_40] : memref<327680x16xf32, #tpu.memory_space<hbm>> -> memref<128x16xf32, #tpu.memory_space<hbm>>
        tpu.wait_dma2 semaphore(%run_scoped3A : memref<!tpu.dma_semaphore, #tpu.memory_space<semaphore_mem>>) src(%arg10 : memref<128x16xf32, #tpu.memory_space<vmem>>) dst(%dma_wait3A_41 : memref<128x16xf32, #tpu.memory_space<hbm>>)
        tpu.yield
      }) : () -> ()
    }
    %scan3A_7 = arith.constant 80 : i32
    return
  }
}

#map = affine_map<(d0, d1) -> (0, 0)>
#map1 = affine_map<(d0, d1) -> (0, 0, 0)>
module attributes {stable_mosaic.version = 14 : i64} {
  func.func @_gather_feats_body(%arg0: i32, %arg1: i32, %arg2: memref<10000x16xf32, #tpu.memory_space<hbm>>, %arg3: memref<32x80x128xi32, #tpu.memory_space<hbm>>, %arg4: memref<32x80x128xi32, #tpu.memory_space<hbm>>, %arg5: memref<327680x16xf32, #tpu.memory_space<hbm>>, %arg6: memref<327680x16xf32, #tpu.memory_space<hbm>>, %arg7: memref<80x128xi32, #tpu.memory_space<vmem>>, %arg8: memref<80x128xi32, #tpu.memory_space<vmem>>, %arg9: memref<128x16xf32, #tpu.memory_space<vmem>>, %arg10: memref<128x16xf32, #tpu.memory_space<vmem>>, %arg11: memref<!tpu.dma_semaphore, #tpu.memory_space<semaphore_mem>>, %arg12: memref<!tpu.dma_semaphore, #tpu.memory_space<semaphore_mem>>) attributes {dimension_semantics = [#tpu.dimension_semantics<core_parallel>, #tpu.dimension_semantics<subcore_parallel>], iteration_bounds = array<i64: 2, 16>, scalar_prefetch = 0 : i64, scratch_operands = 6 : i64, tpu.core_type = #tpu.core_type<sc_vector_subcore>, window_params = [{transform_indices = #map}, {transform_indices = #map1}, {transform_indices = #map1}, {transform_indices = #map}, {transform_indices = #map}]} {
    %mul3A = arith.constant 2 : i32
    %mul3A_0 = arith.muli %arg1, %mul3A : i32
    %add3A = arith.addi %mul3A_0, %arg0 : i32
    "tpu.region"() ({
      %run_scoped3A = tpu.sem_alloc : memref<!tpu.dma_semaphore, #tpu.memory_space<semaphore_mem>>
      %dma_start3A = arith.constant 0 : i32
      %dma_start3A_8 = arith.constant 0 : i32
      %dma_start3A_9 = tpu.memref_slice %arg3[%add3A, %dma_start3A, %dma_start3A_8] : memref<32x80x128xi32, #tpu.memory_space<hbm>> -> memref<1x80x128xi32, #tpu.memory_space<hbm>>
      %dma_start3A_10 = tpu.memref_squeeze %dma_start3A_9 : memref<1x80x128xi32, #tpu.memory_space<hbm>> -> memref<80x128xi32, #tpu.memory_space<hbm>>
      %dma_start3A_11 = arith.constant 0 : i32
      %dma_start3A_12 = arith.constant 0 : i32
      %dma_start3A_13 = tpu.memref_slice %arg3[%add3A, %dma_start3A_11, %dma_start3A_12] : memref<32x80x128xi32, #tpu.memory_space<hbm>> -> memref<1x80x128xi32, #tpu.memory_space<hbm>>
      %dma_start3A_14 = tpu.memref_squeeze %dma_start3A_13 : memref<1x80x128xi32, #tpu.memory_space<hbm>> -> memref<80x128xi32, #tpu.memory_space<hbm>>
      tpu.enqueue_dma source(%dma_start3A_14 : memref<80x128xi32, #tpu.memory_space<hbm>>) target(%arg7 : memref<80x128xi32, #tpu.memory_space<vmem>>) target_semaphore(%run_scoped3A : memref<!tpu.dma_semaphore, #tpu.memory_space<semaphore_mem>>)
      %dma_wait3A = arith.constant 0 : i32
      %dma_wait3A_15 = arith.constant 0 : i32
      %dma_wait3A_16 = tpu.memref_slice %arg3[%add3A, %dma_wait3A, %dma_wait3A_15] : memref<32x80x128xi32, #tpu.memory_space<hbm>> -> memref<1x80x128xi32, #tpu.memory_space<hbm>>
      %dma_wait3A_17 = tpu.memref_squeeze %dma_wait3A_16 : memref<1x80x128xi32, #tpu.memory_space<hbm>> -> memref<80x128xi32, #tpu.memory_space<hbm>>
      %dma_wait3A_18 = arith.constant 0 : i32
      %dma_wait3A_19 = arith.constant 0 : i32
      %dma_wait3A_20 = tpu.memref_slice %arg3[%add3A, %dma_wait3A_18, %dma_wait3A_19] : memref<32x80x128xi32, #tpu.memory_space<hbm>> -> memref<1x80x128xi32, #tpu.memory_space<hbm>>
      %dma_wait3A_21 = tpu.memref_squeeze %dma_wait3A_20 : memref<1x80x128xi32, #tpu.memory_space<hbm>> -> memref<80x128xi32, #tpu.memory_space<hbm>>
      tpu.wait_dma2 semaphore(%run_scoped3A : memref<!tpu.dma_semaphore, #tpu.memory_space<semaphore_mem>>) src(%dma_wait3A_21 : memref<80x128xi32, #tpu.memory_space<hbm>>) dst(%arg7 : memref<80x128xi32, #tpu.memory_space<vmem>>)
      tpu.yield
    }) : () -> ()
    "tpu.region"() ({
      %run_scoped3A = tpu.sem_alloc : memref<!tpu.dma_semaphore, #tpu.memory_space<semaphore_mem>>
      %dma_start3A = arith.constant 0 : i32
      %dma_start3A_8 = arith.constant 0 : i32
      %dma_start3A_9 = tpu.memref_slice %arg4[%add3A, %dma_start3A, %dma_start3A_8] : memref<32x80x128xi32, #tpu.memory_space<hbm>> -> memref<1x80x128xi32, #tpu.memory_space<hbm>>
      %dma_start3A_10 = tpu.memref_squeeze %dma_start3A_9 : memref<1x80x128xi32, #tpu.memory_space<hbm>> -> memref<80x128xi32, #tpu.memory_space<hbm>>
      %dma_start3A_11 = arith.constant 0 : i32
      %dma_start3A_12 = arith.constant 0 : i32
      %dma_start3A_13 = tpu.memref_slice %arg4[%add3A, %dma_start3A_11, %dma_start3A_12] : memref<32x80x128xi32, #tpu.memory_space<hbm>> -> memref<1x80x128xi32, #tpu.memory_space<hbm>>
      %dma_start3A_14 = tpu.memref_squeeze %dma_start3A_13 : memref<1x80x128xi32, #tpu.memory_space<hbm>> -> memref<80x128xi32, #tpu.memory_space<hbm>>
      tpu.enqueue_dma source(%dma_start3A_14 : memref<80x128xi32, #tpu.memory_space<hbm>>) target(%arg8 : memref<80x128xi32, #tpu.memory_space<vmem>>) target_semaphore(%run_scoped3A : memref<!tpu.dma_semaphore, #tpu.memory_space<semaphore_mem>>)
      %dma_wait3A = arith.constant 0 : i32
      %dma_wait3A_15 = arith.constant 0 : i32
      %dma_wait3A_16 = tpu.memref_slice %arg4[%add3A, %dma_wait3A, %dma_wait3A_15] : memref<32x80x128xi32, #tpu.memory_space<hbm>> -> memref<1x80x128xi32, #tpu.memory_space<hbm>>
      %dma_wait3A_17 = tpu.memref_squeeze %dma_wait3A_16 : memref<1x80x128xi32, #tpu.memory_space<hbm>> -> memref<80x128xi32, #tpu.memory_space<hbm>>
      %dma_wait3A_18 = arith.constant 0 : i32
      %dma_wait3A_19 = arith.constant 0 : i32
      %dma_wait3A_20 = tpu.memref_slice %arg4[%add3A, %dma_wait3A_18, %dma_wait3A_19] : memref<32x80x128xi32, #tpu.memory_space<hbm>> -> memref<1x80x128xi32, #tpu.memory_space<hbm>>
      %dma_wait3A_21 = tpu.memref_squeeze %dma_wait3A_20 : memref<1x80x128xi32, #tpu.memory_space<hbm>> -> memref<80x128xi32, #tpu.memory_space<hbm>>
      tpu.wait_dma2 semaphore(%run_scoped3A : memref<!tpu.dma_semaphore, #tpu.memory_space<semaphore_mem>>) src(%dma_wait3A_21 : memref<80x128xi32, #tpu.memory_space<hbm>>) dst(%arg8 : memref<80x128xi32, #tpu.memory_space<vmem>>)
      tpu.yield
    }) : () -> ()
    %mul3A_1 = arith.constant 10240 : i32
    %mul3A_2 = arith.muli %add3A, %mul3A_1 : i32
    %scan3A = arith.constant 0 : i32
    %scan3A_3 = arith.constant 0 : i32
    %scan3A_4 = arith.constant 80 : i32
    %scan3A_5 = arith.addi %scan3A_3, %scan3A_4 : i32
    %scan3A_6 = arith.constant 1 : i32
    scf.for %scan3A_8 = %scan3A_3 to %scan3A_5 step %scan3A_6  : i32 {
      %dma_start3A = arith.constant 0 : i32
      %dma_start3A_9 = tpu.memref_slice %arg7[%scan3A_8, %dma_start3A] : memref<80x128xi32, #tpu.memory_space<vmem>> -> memref<1x128xi32, #tpu.memory_space<vmem>>
      %dma_start3A_10 = tpu.memref_squeeze %dma_start3A_9 : memref<1x128xi32, #tpu.memory_space<vmem>> -> memref<128xi32, #tpu.memory_space<vmem>>
      %dma_start3A_11 = arith.constant 0 : i32
      %dma_start3A_12 = arith.constant 0 : i32
      %dma_start3A_13 = tpu.memref_slice %arg2[%dma_start3A_11, %dma_start3A_12] : memref<10000x16xf32, #tpu.memory_space<hbm>> -> memref<10000x16xf32, #tpu.memory_space<hbm>>
      tpu.enqueue_indirect_dma source(%dma_start3A_13 : memref<10000x16xf32, #tpu.memory_space<hbm>>) target(%arg9 : memref<128x16xf32, #tpu.memory_space<vmem>>) offsets(%dma_start3A_10 : memref<128xi32, #tpu.memory_space<vmem>>) semaphore(%arg11 : memref<!tpu.dma_semaphore, #tpu.memory_space<semaphore_mem>>)
      %dma_start3A_14 = arith.constant 0 : i32
      %dma_start3A_15 = tpu.memref_slice %arg8[%scan3A_8, %dma_start3A_14] : memref<80x128xi32, #tpu.memory_space<vmem>> -> memref<1x128xi32, #tpu.memory_space<vmem>>
      %dma_start3A_16 = tpu.memref_squeeze %dma_start3A_15 : memref<1x128xi32, #tpu.memory_space<vmem>> -> memref<128xi32, #tpu.memory_space<vmem>>
      %dma_start3A_17 = arith.constant 0 : i32
      %dma_start3A_18 = arith.constant 0 : i32
      %dma_start3A_19 = tpu.memref_slice %arg2[%dma_start3A_17, %dma_start3A_18] : memref<10000x16xf32, #tpu.memory_space<hbm>> -> memref<10000x16xf32, #tpu.memory_space<hbm>>
      tpu.enqueue_indirect_dma source(%dma_start3A_19 : memref<10000x16xf32, #tpu.memory_space<hbm>>) target(%arg10 : memref<128x16xf32, #tpu.memory_space<vmem>>) offsets(%dma_start3A_16 : memref<128xi32, #tpu.memory_space<vmem>>) semaphore(%arg12 : memref<!tpu.dma_semaphore, #tpu.memory_space<semaphore_mem>>)
      %dma_wait3A = arith.constant 0 : i32
      %dma_wait3A_20 = tpu.memref_slice %arg7[%scan3A_8, %dma_wait3A] : memref<80x128xi32, #tpu.memory_space<vmem>> -> memref<1x128xi32, #tpu.memory_space<vmem>>
      %dma_wait3A_21 = tpu.memref_squeeze %dma_wait3A_20 : memref<1x128xi32, #tpu.memory_space<vmem>> -> memref<128xi32, #tpu.memory_space<vmem>>
      %dma_wait3A_22 = arith.constant 0 : i32
      %dma_wait3A_23 = arith.constant 0 : i32
      %dma_wait3A_24 = tpu.memref_slice %arg2[%dma_wait3A_22, %dma_wait3A_23] : memref<10000x16xf32, #tpu.memory_space<hbm>> -> memref<10000x16xf32, #tpu.memory_space<hbm>>
      tpu.wait_indirect_dma semaphore(%arg11 : memref<!tpu.dma_semaphore, #tpu.memory_space<semaphore_mem>>) src(%dma_wait3A_24 : memref<10000x16xf32, #tpu.memory_space<hbm>>) dst(%arg9 : memref<128x16xf32, #tpu.memory_space<vmem>>)
      %dma_wait3A_25 = arith.constant 0 : i32
      %dma_wait3A_26 = tpu.memref_slice %arg8[%scan3A_8, %dma_wait3A_25] : memref<80x128xi32, #tpu.memory_space<vmem>> -> memref<1x128xi32, #tpu.memory_space<vmem>>
      %dma_wait3A_27 = tpu.memref_squeeze %dma_wait3A_26 : memref<1x128xi32, #tpu.memory_space<vmem>> -> memref<128xi32, #tpu.memory_space<vmem>>
      %dma_wait3A_28 = arith.constant 0 : i32
      %dma_wait3A_29 = arith.constant 0 : i32
      %dma_wait3A_30 = tpu.memref_slice %arg2[%dma_wait3A_28, %dma_wait3A_29] : memref<10000x16xf32, #tpu.memory_space<hbm>> -> memref<10000x16xf32, #tpu.memory_space<hbm>>
      tpu.wait_indirect_dma semaphore(%arg12 : memref<!tpu.dma_semaphore, #tpu.memory_space<semaphore_mem>>) src(%dma_wait3A_30 : memref<10000x16xf32, #tpu.memory_space<hbm>>) dst(%arg10 : memref<128x16xf32, #tpu.memory_space<vmem>>)
      %mul3A_31 = arith.constant 128 : i32
      %mul3A_32 = arith.muli %scan3A_8, %mul3A_31 : i32
      %add3A_33 = arith.addi %mul3A_2, %mul3A_32 : i32
      "tpu.region"() ({
        %run_scoped3A = tpu.sem_alloc : memref<!tpu.dma_semaphore, #tpu.memory_space<semaphore_mem>>
        %dma_start3A_34 = arith.constant 0 : i32
        %dma_start3A_35 = tpu.memref_slice %arg5[%add3A_33, %dma_start3A_34] : memref<327680x16xf32, #tpu.memory_space<hbm>> -> memref<128x16xf32, #tpu.memory_space<hbm>>
        %dma_start3A_36 = arith.constant 0 : i32
        %dma_start3A_37 = tpu.memref_slice %arg5[%add3A_33, %dma_start3A_36] : memref<327680x16xf32, #tpu.memory_space<hbm>> -> memref<128x16xf32, #tpu.memory_space<hbm>>
        tpu.enqueue_dma source(%arg9 : memref<128x16xf32, #tpu.memory_space<vmem>>) target(%dma_start3A_37 : memref<128x16xf32, #tpu.memory_space<hbm>>) target_semaphore(%run_scoped3A : memref<!tpu.dma_semaphore, #tpu.memory_space<semaphore_mem>>)
        %dma_wait3A_38 = arith.constant 0 : i32
        %dma_wait3A_39 = tpu.memref_slice %arg5[%add3A_33, %dma_wait3A_38] : memref<327680x16xf32, #tpu.memory_space<hbm>> -> memref<128x16xf32, #tpu.memory_space<hbm>>
        %dma_wait3A_40 = arith.constant 0 : i32
        %dma_wait3A_41 = tpu.memref_slice %arg5[%add3A_33, %dma_wait3A_40] : memref<327680x16xf32, #tpu.memory_space<hbm>> -> memref<128x16xf32, #tpu.memory_space<hbm>>
        tpu.wait_dma2 semaphore(%run_scoped3A : memref<!tpu.dma_semaphore, #tpu.memory_space<semaphore_mem>>) src(%arg9 : memref<128x16xf32, #tpu.memory_space<vmem>>) dst(%dma_wait3A_41 : memref<128x16xf32, #tpu.memory_space<hbm>>)
        tpu.yield
      }) : () -> ()
      "tpu.region"() ({
        %run_scoped3A = tpu.sem_alloc : memref<!tpu.dma_semaphore, #tpu.memory_space<semaphore_mem>>
        %dma_start3A_34 = arith.constant 0 : i32
        %dma_start3A_35 = tpu.memref_slice %arg6[%add3A_33, %dma_start3A_34] : memref<327680x16xf32, #tpu.memory_space<hbm>> -> memref<128x16xf32, #tpu.memory_space<hbm>>
        %dma_start3A_36 = arith.constant 0 : i32
        %dma_start3A_37 = tpu.memref_slice %arg6[%add3A_33, %dma_start3A_36] : memref<327680x16xf32, #tpu.memory_space<hbm>> -> memref<128x16xf32, #tpu.memory_space<hbm>>
        tpu.enqueue_dma source(%arg10 : memref<128x16xf32, #tpu.memory_space<vmem>>) target(%dma_start3A_37 : memref<128x16xf32, #tpu.memory_space<hbm>>) target_semaphore(%run_scoped3A : memref<!tpu.dma_semaphore, #tpu.memory_space<semaphore_mem>>)
        %dma_wait3A_38 = arith.constant 0 : i32
        %dma_wait3A_39 = tpu.memref_slice %arg6[%add3A_33, %dma_wait3A_38] : memref<327680x16xf32, #tpu.memory_space<hbm>> -> memref<128x16xf32, #tpu.memory_space<hbm>>
        %dma_wait3A_40 = arith.constant 0 : i32
        %dma_wait3A_41 = tpu.memref_slice %arg6[%add3A_33, %dma_wait3A_40] : memref<327680x16xf32, #tpu.memory_space<hbm>> -> memref<128x16xf32, #tpu.memory_space<hbm>>
        tpu.wait_dma2 semaphore(%run_scoped3A : memref<!tpu.dma_semaphore, #tpu.memory_space<semaphore_mem>>) src(%arg10 : memref<128x16xf32, #tpu.memory_space<vmem>>) dst(%dma_wait3A_41 : memref<128x16xf32, #tpu.memory_space<hbm>>)
        tpu.yield
      }) : () -> ()
    }
    %scan3A_7 = arith.constant 80 : i32
    return
  }
}

#map = affine_map<(d0, d1) -> (0, 0)>
#map1 = affine_map<(d0, d1) -> (0, 0, 0)>
module attributes {stable_mosaic.version = 14 : i64} {
  func.func @_gather_feats_body(%arg0: i32, %arg1: i32, %arg2: memref<10000x128xf32, #tpu.memory_space<hbm>>, %arg3: memref<32x80x128xi32, #tpu.memory_space<hbm>>, %arg4: memref<32x80x128xi32, #tpu.memory_space<hbm>>, %arg5: memref<327680x128xf32, #tpu.memory_space<hbm>>, %arg6: memref<327680x128xf32, #tpu.memory_space<hbm>>, %arg7: memref<80x128xi32, #tpu.memory_space<vmem>>, %arg8: memref<80x128xi32, #tpu.memory_space<vmem>>, %arg9: memref<128x128xf32, #tpu.memory_space<vmem>>, %arg10: memref<128x128xf32, #tpu.memory_space<vmem>>, %arg11: memref<!tpu.dma_semaphore, #tpu.memory_space<semaphore_mem>>, %arg12: memref<!tpu.dma_semaphore, #tpu.memory_space<semaphore_mem>>) attributes {dimension_semantics = [#tpu.dimension_semantics<core_parallel>, #tpu.dimension_semantics<subcore_parallel>], iteration_bounds = array<i64: 2, 16>, scalar_prefetch = 0 : i64, scratch_operands = 6 : i64, tpu.core_type = #tpu.core_type<sc_vector_subcore>, window_params = [{transform_indices = #map}, {transform_indices = #map1}, {transform_indices = #map1}, {transform_indices = #map}, {transform_indices = #map}]} {
    %mul3A = arith.constant 2 : i32
    %mul3A_0 = arith.muli %arg1, %mul3A : i32
    %add3A = arith.addi %mul3A_0, %arg0 : i32
    "tpu.region"() ({
      %run_scoped3A = tpu.sem_alloc : memref<!tpu.dma_semaphore, #tpu.memory_space<semaphore_mem>>
      %dma_start3A = arith.constant 0 : i32
      %dma_start3A_8 = arith.constant 0 : i32
      %dma_start3A_9 = tpu.memref_slice %arg3[%add3A, %dma_start3A, %dma_start3A_8] : memref<32x80x128xi32, #tpu.memory_space<hbm>> -> memref<1x80x128xi32, #tpu.memory_space<hbm>>
      %dma_start3A_10 = tpu.memref_squeeze %dma_start3A_9 : memref<1x80x128xi32, #tpu.memory_space<hbm>> -> memref<80x128xi32, #tpu.memory_space<hbm>>
      %dma_start3A_11 = arith.constant 0 : i32
      %dma_start3A_12 = arith.constant 0 : i32
      %dma_start3A_13 = tpu.memref_slice %arg3[%add3A, %dma_start3A_11, %dma_start3A_12] : memref<32x80x128xi32, #tpu.memory_space<hbm>> -> memref<1x80x128xi32, #tpu.memory_space<hbm>>
      %dma_start3A_14 = tpu.memref_squeeze %dma_start3A_13 : memref<1x80x128xi32, #tpu.memory_space<hbm>> -> memref<80x128xi32, #tpu.memory_space<hbm>>
      tpu.enqueue_dma source(%dma_start3A_14 : memref<80x128xi32, #tpu.memory_space<hbm>>) target(%arg7 : memref<80x128xi32, #tpu.memory_space<vmem>>) target_semaphore(%run_scoped3A : memref<!tpu.dma_semaphore, #tpu.memory_space<semaphore_mem>>)
      %dma_wait3A = arith.constant 0 : i32
      %dma_wait3A_15 = arith.constant 0 : i32
      %dma_wait3A_16 = tpu.memref_slice %arg3[%add3A, %dma_wait3A, %dma_wait3A_15] : memref<32x80x128xi32, #tpu.memory_space<hbm>> -> memref<1x80x128xi32, #tpu.memory_space<hbm>>
      %dma_wait3A_17 = tpu.memref_squeeze %dma_wait3A_16 : memref<1x80x128xi32, #tpu.memory_space<hbm>> -> memref<80x128xi32, #tpu.memory_space<hbm>>
      %dma_wait3A_18 = arith.constant 0 : i32
      %dma_wait3A_19 = arith.constant 0 : i32
      %dma_wait3A_20 = tpu.memref_slice %arg3[%add3A, %dma_wait3A_18, %dma_wait3A_19] : memref<32x80x128xi32, #tpu.memory_space<hbm>> -> memref<1x80x128xi32, #tpu.memory_space<hbm>>
      %dma_wait3A_21 = tpu.memref_squeeze %dma_wait3A_20 : memref<1x80x128xi32, #tpu.memory_space<hbm>> -> memref<80x128xi32, #tpu.memory_space<hbm>>
      tpu.wait_dma2 semaphore(%run_scoped3A : memref<!tpu.dma_semaphore, #tpu.memory_space<semaphore_mem>>) src(%dma_wait3A_21 : memref<80x128xi32, #tpu.memory_space<hbm>>) dst(%arg7 : memref<80x128xi32, #tpu.memory_space<vmem>>)
      tpu.yield
    }) : () -> ()
    "tpu.region"() ({
      %run_scoped3A = tpu.sem_alloc : memref<!tpu.dma_semaphore, #tpu.memory_space<semaphore_mem>>
      %dma_start3A = arith.constant 0 : i32
      %dma_start3A_8 = arith.constant 0 : i32
      %dma_start3A_9 = tpu.memref_slice %arg4[%add3A, %dma_start3A, %dma_start3A_8] : memref<32x80x128xi32, #tpu.memory_space<hbm>> -> memref<1x80x128xi32, #tpu.memory_space<hbm>>
      %dma_start3A_10 = tpu.memref_squeeze %dma_start3A_9 : memref<1x80x128xi32, #tpu.memory_space<hbm>> -> memref<80x128xi32, #tpu.memory_space<hbm>>
      %dma_start3A_11 = arith.constant 0 : i32
      %dma_start3A_12 = arith.constant 0 : i32
      %dma_start3A_13 = tpu.memref_slice %arg4[%add3A, %dma_start3A_11, %dma_start3A_12] : memref<32x80x128xi32, #tpu.memory_space<hbm>> -> memref<1x80x128xi32, #tpu.memory_space<hbm>>
      %dma_start3A_14 = tpu.memref_squeeze %dma_start3A_13 : memref<1x80x128xi32, #tpu.memory_space<hbm>> -> memref<80x128xi32, #tpu.memory_space<hbm>>
      tpu.enqueue_dma source(%dma_start3A_14 : memref<80x128xi32, #tpu.memory_space<hbm>>) target(%arg8 : memref<80x128xi32, #tpu.memory_space<vmem>>) target_semaphore(%run_scoped3A : memref<!tpu.dma_semaphore, #tpu.memory_space<semaphore_mem>>)
      %dma_wait3A = arith.constant 0 : i32
      %dma_wait3A_15 = arith.constant 0 : i32
      %dma_wait3A_16 = tpu.memref_slice %arg4[%add3A, %dma_wait3A, %dma_wait3A_15] : memref<32x80x128xi32, #tpu.memory_space<hbm>> -> memref<1x80x128xi32, #tpu.memory_space<hbm>>
      %dma_wait3A_17 = tpu.memref_squeeze %dma_wait3A_16 : memref<1x80x128xi32, #tpu.memory_space<hbm>> -> memref<80x128xi32, #tpu.memory_space<hbm>>
      %dma_wait3A_18 = arith.constant 0 : i32
      %dma_wait3A_19 = arith.constant 0 : i32
      %dma_wait3A_20 = tpu.memref_slice %arg4[%add3A, %dma_wait3A_18, %dma_wait3A_19] : memref<32x80x128xi32, #tpu.memory_space<hbm>> -> memref<1x80x128xi32, #tpu.memory_space<hbm>>
      %dma_wait3A_21 = tpu.memref_squeeze %dma_wait3A_20 : memref<1x80x128xi32, #tpu.memory_space<hbm>> -> memref<80x128xi32, #tpu.memory_space<hbm>>
      tpu.wait_dma2 semaphore(%run_scoped3A : memref<!tpu.dma_semaphore, #tpu.memory_space<semaphore_mem>>) src(%dma_wait3A_21 : memref<80x128xi32, #tpu.memory_space<hbm>>) dst(%arg8 : memref<80x128xi32, #tpu.memory_space<vmem>>)
      tpu.yield
    }) : () -> ()
    %mul3A_1 = arith.constant 10240 : i32
    %mul3A_2 = arith.muli %add3A, %mul3A_1 : i32
    %scan3A = arith.constant 0 : i32
    %scan3A_3 = arith.constant 0 : i32
    %scan3A_4 = arith.constant 80 : i32
    %scan3A_5 = arith.addi %scan3A_3, %scan3A_4 : i32
    %scan3A_6 = arith.constant 1 : i32
    scf.for %scan3A_8 = %scan3A_3 to %scan3A_5 step %scan3A_6  : i32 {
      %dma_start3A = arith.constant 0 : i32
      %dma_start3A_9 = tpu.memref_slice %arg7[%scan3A_8, %dma_start3A] : memref<80x128xi32, #tpu.memory_space<vmem>> -> memref<1x128xi32, #tpu.memory_space<vmem>>
      %dma_start3A_10 = tpu.memref_squeeze %dma_start3A_9 : memref<1x128xi32, #tpu.memory_space<vmem>> -> memref<128xi32, #tpu.memory_space<vmem>>
      %dma_start3A_11 = arith.constant 0 : i32
      %dma_start3A_12 = arith.constant 0 : i32
      %dma_start3A_13 = tpu.memref_slice %arg2[%dma_start3A_11, %dma_start3A_12] : memref<10000x128xf32, #tpu.memory_space<hbm>> -> memref<10000x128xf32, #tpu.memory_space<hbm>>
      tpu.enqueue_indirect_dma source(%dma_start3A_13 : memref<10000x128xf32, #tpu.memory_space<hbm>>) target(%arg9 : memref<128x128xf32, #tpu.memory_space<vmem>>) offsets(%dma_start3A_10 : memref<128xi32, #tpu.memory_space<vmem>>) semaphore(%arg11 : memref<!tpu.dma_semaphore, #tpu.memory_space<semaphore_mem>>)
      %dma_start3A_14 = arith.constant 0 : i32
      %dma_start3A_15 = tpu.memref_slice %arg8[%scan3A_8, %dma_start3A_14] : memref<80x128xi32, #tpu.memory_space<vmem>> -> memref<1x128xi32, #tpu.memory_space<vmem>>
      %dma_start3A_16 = tpu.memref_squeeze %dma_start3A_15 : memref<1x128xi32, #tpu.memory_space<vmem>> -> memref<128xi32, #tpu.memory_space<vmem>>
      %dma_start3A_17 = arith.constant 0 : i32
      %dma_start3A_18 = arith.constant 0 : i32
      %dma_start3A_19 = tpu.memref_slice %arg2[%dma_start3A_17, %dma_start3A_18] : memref<10000x128xf32, #tpu.memory_space<hbm>> -> memref<10000x128xf32, #tpu.memory_space<hbm>>
      tpu.enqueue_indirect_dma source(%dma_start3A_19 : memref<10000x128xf32, #tpu.memory_space<hbm>>) target(%arg10 : memref<128x128xf32, #tpu.memory_space<vmem>>) offsets(%dma_start3A_16 : memref<128xi32, #tpu.memory_space<vmem>>) semaphore(%arg12 : memref<!tpu.dma_semaphore, #tpu.memory_space<semaphore_mem>>)
      %dma_wait3A = arith.constant 0 : i32
      %dma_wait3A_20 = tpu.memref_slice %arg7[%scan3A_8, %dma_wait3A] : memref<80x128xi32, #tpu.memory_space<vmem>> -> memref<1x128xi32, #tpu.memory_space<vmem>>
      %dma_wait3A_21 = tpu.memref_squeeze %dma_wait3A_20 : memref<1x128xi32, #tpu.memory_space<vmem>> -> memref<128xi32, #tpu.memory_space<vmem>>
      %dma_wait3A_22 = arith.constant 0 : i32
      %dma_wait3A_23 = arith.constant 0 : i32
      %dma_wait3A_24 = tpu.memref_slice %arg2[%dma_wait3A_22, %dma_wait3A_23] : memref<10000x128xf32, #tpu.memory_space<hbm>> -> memref<10000x128xf32, #tpu.memory_space<hbm>>
      tpu.wait_indirect_dma semaphore(%arg11 : memref<!tpu.dma_semaphore, #tpu.memory_space<semaphore_mem>>) src(%dma_wait3A_24 : memref<10000x128xf32, #tpu.memory_space<hbm>>) dst(%arg9 : memref<128x128xf32, #tpu.memory_space<vmem>>)
      %dma_wait3A_25 = arith.constant 0 : i32
      %dma_wait3A_26 = tpu.memref_slice %arg8[%scan3A_8, %dma_wait3A_25] : memref<80x128xi32, #tpu.memory_space<vmem>> -> memref<1x128xi32, #tpu.memory_space<vmem>>
      %dma_wait3A_27 = tpu.memref_squeeze %dma_wait3A_26 : memref<1x128xi32, #tpu.memory_space<vmem>> -> memref<128xi32, #tpu.memory_space<vmem>>
      %dma_wait3A_28 = arith.constant 0 : i32
      %dma_wait3A_29 = arith.constant 0 : i32
      %dma_wait3A_30 = tpu.memref_slice %arg2[%dma_wait3A_28, %dma_wait3A_29] : memref<10000x128xf32, #tpu.memory_space<hbm>> -> memref<10000x128xf32, #tpu.memory_space<hbm>>
      tpu.wait_indirect_dma semaphore(%arg12 : memref<!tpu.dma_semaphore, #tpu.memory_space<semaphore_mem>>) src(%dma_wait3A_30 : memref<10000x128xf32, #tpu.memory_space<hbm>>) dst(%arg10 : memref<128x128xf32, #tpu.memory_space<vmem>>)
      %mul3A_31 = arith.constant 128 : i32
      %mul3A_32 = arith.muli %scan3A_8, %mul3A_31 : i32
      %add3A_33 = arith.addi %mul3A_2, %mul3A_32 : i32
      "tpu.region"() ({
        %run_scoped3A = tpu.sem_alloc : memref<!tpu.dma_semaphore, #tpu.memory_space<semaphore_mem>>
        %dma_start3A_34 = arith.constant 0 : i32
        %dma_start3A_35 = tpu.memref_slice %arg5[%add3A_33, %dma_start3A_34] : memref<327680x128xf32, #tpu.memory_space<hbm>> -> memref<128x128xf32, #tpu.memory_space<hbm>>
        %dma_start3A_36 = arith.constant 0 : i32
        %dma_start3A_37 = tpu.memref_slice %arg5[%add3A_33, %dma_start3A_36] : memref<327680x128xf32, #tpu.memory_space<hbm>> -> memref<128x128xf32, #tpu.memory_space<hbm>>
        tpu.enqueue_dma source(%arg9 : memref<128x128xf32, #tpu.memory_space<vmem>>) target(%dma_start3A_37 : memref<128x128xf32, #tpu.memory_space<hbm>>) target_semaphore(%run_scoped3A : memref<!tpu.dma_semaphore, #tpu.memory_space<semaphore_mem>>)
        %dma_wait3A_38 = arith.constant 0 : i32
        %dma_wait3A_39 = tpu.memref_slice %arg5[%add3A_33, %dma_wait3A_38] : memref<327680x128xf32, #tpu.memory_space<hbm>> -> memref<128x128xf32, #tpu.memory_space<hbm>>
        %dma_wait3A_40 = arith.constant 0 : i32
        %dma_wait3A_41 = tpu.memref_slice %arg5[%add3A_33, %dma_wait3A_40] : memref<327680x128xf32, #tpu.memory_space<hbm>> -> memref<128x128xf32, #tpu.memory_space<hbm>>
        tpu.wait_dma2 semaphore(%run_scoped3A : memref<!tpu.dma_semaphore, #tpu.memory_space<semaphore_mem>>) src(%arg9 : memref<128x128xf32, #tpu.memory_space<vmem>>) dst(%dma_wait3A_41 : memref<128x128xf32, #tpu.memory_space<hbm>>)
        tpu.yield
      }) : () -> ()
      "tpu.region"() ({
        %run_scoped3A = tpu.sem_alloc : memref<!tpu.dma_semaphore, #tpu.memory_space<semaphore_mem>>
        %dma_start3A_34 = arith.constant 0 : i32
        %dma_start3A_35 = tpu.memref_slice %arg6[%add3A_33, %dma_start3A_34] : memref<327680x128xf32, #tpu.memory_space<hbm>> -> memref<128x128xf32, #tpu.memory_space<hbm>>
        %dma_start3A_36 = arith.constant 0 : i32
        %dma_start3A_37 = tpu.memref_slice %arg6[%add3A_33, %dma_start3A_36] : memref<327680x128xf32, #tpu.memory_space<hbm>> -> memref<128x128xf32, #tpu.memory_space<hbm>>
        tpu.enqueue_dma source(%arg10 : memref<128x128xf32, #tpu.memory_space<vmem>>) target(%dma_start3A_37 : memref<128x128xf32, #tpu.memory_space<hbm>>) target_semaphore(%run_scoped3A : memref<!tpu.dma_semaphore, #tpu.memory_space<semaphore_mem>>)
        %dma_wait3A_38 = arith.constant 0 : i32
        %dma_wait3A_39 = tpu.memref_slice %arg6[%add3A_33, %dma_wait3A_38] : memref<327680x128xf32, #tpu.memory_space<hbm>> -> memref<128x128xf32, #tpu.memory_space<hbm>>
        %dma_wait3A_40 = arith.constant 0 : i32
        %dma_wait3A_41 = tpu.memref_slice %arg6[%add3A_33, %dma_wait3A_40] : memref<327680x128xf32, #tpu.memory_space<hbm>> -> memref<128x128xf32, #tpu.memory_space<hbm>>
        tpu.wait_dma2 semaphore(%run_scoped3A : memref<!tpu.dma_semaphore, #tpu.memory_space<semaphore_mem>>) src(%arg10 : memref<128x128xf32, #tpu.memory_space<vmem>>) dst(%dma_wait3A_41 : memref<128x128xf32, #tpu.memory_space<hbm>>)
        tpu.yield
      }) : () -> ()
    }
    %scan3A_7 = arith.constant 80 : i32
    return
  }
}

#map = affine_map<(d0, d1) -> (0, 0)>
#map1 = affine_map<(d0, d1) -> (0, 0, 0)>
module attributes {stable_mosaic.version = 14 : i64} {
  func.func @_scatter_body(%arg0: i32, %arg1: i32, %arg2: memref<327680x128xf32, #tpu.memory_space<hbm>>, %arg3: memref<32x80x128xi32, #tpu.memory_space<hbm>>, %arg4: memref<10000x128xf32, #tpu.memory_space<hbm>>, %arg5: memref<2x10000x128xf32, #tpu.memory_space<hbm>>, %arg6: memref<80x128xi32, #tpu.memory_space<vmem>>, %arg7: memref<128x128xf32, #tpu.memory_space<vmem>>, %arg8: memref<10000x128xf32, #tpu.memory_space<vmem_shared>>) attributes {dimension_semantics = [#tpu.dimension_semantics<core_parallel>, #tpu.dimension_semantics<subcore_parallel>], iteration_bounds = array<i64: 2, 16>, scalar_prefetch = 0 : i64, scratch_operands = 3 : i64, tpu.core_type = #tpu.core_type<sc_vector_subcore>, window_params = [{transform_indices = #map}, {transform_indices = #map1}, {transform_indices = #map}, {transform_indices = #map1}]} {
    %mul3A = arith.constant 2 : i32
    %mul3A_0 = arith.muli %arg1, %mul3A : i32
    %add3A = arith.addi %mul3A_0, %arg0 : i32
    "tpu.region"() ({
      %run_scoped3A = tpu.sem_alloc : memref<!tpu.dma_semaphore, #tpu.memory_space<semaphore_mem>>
      %dma_start3A = arith.constant 0 : i32
      %dma_start3A_25 = arith.constant 0 : i32
      %dma_start3A_26 = tpu.memref_slice %arg3[%add3A, %dma_start3A, %dma_start3A_25] : memref<32x80x128xi32, #tpu.memory_space<hbm>> -> memref<1x80x128xi32, #tpu.memory_space<hbm>>
      %dma_start3A_27 = tpu.memref_squeeze %dma_start3A_26 : memref<1x80x128xi32, #tpu.memory_space<hbm>> -> memref<80x128xi32, #tpu.memory_space<hbm>>
      %dma_start3A_28 = arith.constant 0 : i32
      %dma_start3A_29 = arith.constant 0 : i32
      %dma_start3A_30 = tpu.memref_slice %arg3[%add3A, %dma_start3A_28, %dma_start3A_29] : memref<32x80x128xi32, #tpu.memory_space<hbm>> -> memref<1x80x128xi32, #tpu.memory_space<hbm>>
      %dma_start3A_31 = tpu.memref_squeeze %dma_start3A_30 : memref<1x80x128xi32, #tpu.memory_space<hbm>> -> memref<80x128xi32, #tpu.memory_space<hbm>>
      tpu.enqueue_dma source(%dma_start3A_31 : memref<80x128xi32, #tpu.memory_space<hbm>>) target(%arg6 : memref<80x128xi32, #tpu.memory_space<vmem>>) target_semaphore(%run_scoped3A : memref<!tpu.dma_semaphore, #tpu.memory_space<semaphore_mem>>)
      %dma_wait3A = arith.constant 0 : i32
      %dma_wait3A_32 = arith.constant 0 : i32
      %dma_wait3A_33 = tpu.memref_slice %arg3[%add3A, %dma_wait3A, %dma_wait3A_32] : memref<32x80x128xi32, #tpu.memory_space<hbm>> -> memref<1x80x128xi32, #tpu.memory_space<hbm>>
      %dma_wait3A_34 = tpu.memref_squeeze %dma_wait3A_33 : memref<1x80x128xi32, #tpu.memory_space<hbm>> -> memref<80x128xi32, #tpu.memory_space<hbm>>
      %dma_wait3A_35 = arith.constant 0 : i32
      %dma_wait3A_36 = arith.constant 0 : i32
      %dma_wait3A_37 = tpu.memref_slice %arg3[%add3A, %dma_wait3A_35, %dma_wait3A_36] : memref<32x80x128xi32, #tpu.memory_space<hbm>> -> memref<1x80x128xi32, #tpu.memory_space<hbm>>
      %dma_wait3A_38 = tpu.memref_squeeze %dma_wait3A_37 : memref<1x80x128xi32, #tpu.memory_space<hbm>> -> memref<80x128xi32, #tpu.memory_space<hbm>>
      tpu.wait_dma2 semaphore(%run_scoped3A : memref<!tpu.dma_semaphore, #tpu.memory_space<semaphore_mem>>) src(%dma_wait3A_38 : memref<80x128xi32, #tpu.memory_space<hbm>>) dst(%arg6 : memref<80x128xi32, #tpu.memory_space<vmem>>)
      tpu.yield
    }) : () -> ()
    %lt3A = arith.constant 15 : i32
    %lt3A_1 = arith.cmpi slt, %arg1, %lt3A : i32
    %convert_element_type3A = arith.extui %lt3A_1 : i1 to i32
    %cond3A = arith.constant 0 : i32
    %cond3A_2 = arith.cmpi ne, %convert_element_type3A, %cond3A : i32
    scf.if %cond3A_2 {
      %mul3A_25 = arith.constant 624 : i32
      %mul3A_26 = arith.muli %arg1, %mul3A_25 : i32
      %mul3A_27 = arith.constant 624 : i32
      %mul3A_28 = arith.muli %arg1, %mul3A_27 : i32
      "tpu.region"() ({
        %run_scoped3A = tpu.sem_alloc : memref<!tpu.dma_semaphore, #tpu.memory_space<semaphore_mem>>
        %dma_start3A = arith.constant 0 : i32
        %dma_start3A_29 = tpu.memref_slice %arg8[%mul3A_28, %dma_start3A] : memref<10000x128xf32, #tpu.memory_space<vmem_shared>> -> memref<624x128xf32, #tpu.memory_space<vmem_shared>>
        %dma_start3A_30 = arith.constant 0 : i32
        %dma_start3A_31 = tpu.memref_slice %arg4[%mul3A_26, %dma_start3A_30] : memref<10000x128xf32, #tpu.memory_space<hbm>> -> memref<624x128xf32, #tpu.memory_space<hbm>>
        tpu.enqueue_dma source(%dma_start3A_31 : memref<624x128xf32, #tpu.memory_space<hbm>>) target(%dma_start3A_29 : memref<624x128xf32, #tpu.memory_space<vmem_shared>>) target_semaphore(%run_scoped3A : memref<!tpu.dma_semaphore, #tpu.memory_space<semaphore_mem>>)
        %dma_wait3A = arith.constant 0 : i32
        %dma_wait3A_32 = tpu.memref_slice %arg8[%mul3A_28, %dma_wait3A] : memref<10000x128xf32, #tpu.memory_space<vmem_shared>> -> memref<624x128xf32, #tpu.memory_space<vmem_shared>>
        %dma_wait3A_33 = arith.constant 0 : i32
        %dma_wait3A_34 = tpu.memref_slice %arg4[%mul3A_26, %dma_wait3A_33] : memref<10000x128xf32, #tpu.memory_space<hbm>> -> memref<624x128xf32, #tpu.memory_space<hbm>>
        tpu.wait_dma2 semaphore(%run_scoped3A : memref<!tpu.dma_semaphore, #tpu.memory_space<semaphore_mem>>) src(%dma_wait3A_34 : memref<624x128xf32, #tpu.memory_space<hbm>>) dst(%dma_wait3A_32 : memref<624x128xf32, #tpu.memory_space<vmem_shared>>)
        tpu.yield
      }) : () -> ()
    } else {
    }
    %eq3A = arith.constant 15 : i32
    %eq3A_3 = arith.cmpi eq, %arg1, %eq3A : i32
    %convert_element_type3A_4 = arith.extui %eq3A_3 : i1 to i32
    %cond3A_5 = arith.constant 0 : i32
    %cond3A_6 = arith.cmpi ne, %convert_element_type3A_4, %cond3A_5 : i32
    scf.if %cond3A_6 {
      %mul3A_25 = arith.constant 624 : i32
      %mul3A_26 = arith.muli %arg1, %mul3A_25 : i32
      %mul3A_27 = arith.constant 624 : i32
      %mul3A_28 = arith.muli %arg1, %mul3A_27 : i32
      "tpu.region"() ({
        %run_scoped3A = tpu.sem_alloc : memref<!tpu.dma_semaphore, #tpu.memory_space<semaphore_mem>>
        %dma_start3A = arith.constant 0 : i32
        %dma_start3A_29 = tpu.memref_slice %arg8[%mul3A_28, %dma_start3A] : memref<10000x128xf32, #tpu.memory_space<vmem_shared>> -> memref<640x128xf32, #tpu.memory_space<vmem_shared>>
        %dma_start3A_30 = arith.constant 0 : i32
        %dma_start3A_31 = tpu.memref_slice %arg4[%mul3A_26, %dma_start3A_30] : memref<10000x128xf32, #tpu.memory_space<hbm>> -> memref<640x128xf32, #tpu.memory_space<hbm>>
        tpu.enqueue_dma source(%dma_start3A_31 : memref<640x128xf32, #tpu.memory_space<hbm>>) target(%dma_start3A_29 : memref<640x128xf32, #tpu.memory_space<vmem_shared>>) target_semaphore(%run_scoped3A : memref<!tpu.dma_semaphore, #tpu.memory_space<semaphore_mem>>)
        %dma_wait3A = arith.constant 0 : i32
        %dma_wait3A_32 = tpu.memref_slice %arg8[%mul3A_28, %dma_wait3A] : memref<10000x128xf32, #tpu.memory_space<vmem_shared>> -> memref<640x128xf32, #tpu.memory_space<vmem_shared>>
        %dma_wait3A_33 = arith.constant 0 : i32
        %dma_wait3A_34 = tpu.memref_slice %arg4[%mul3A_26, %dma_wait3A_33] : memref<10000x128xf32, #tpu.memory_space<hbm>> -> memref<640x128xf32, #tpu.memory_space<hbm>>
        tpu.wait_dma2 semaphore(%run_scoped3A : memref<!tpu.dma_semaphore, #tpu.memory_space<semaphore_mem>>) src(%dma_wait3A_34 : memref<640x128xf32, #tpu.memory_space<hbm>>) dst(%dma_wait3A_32 : memref<640x128xf32, #tpu.memory_space<vmem_shared>>)
        tpu.yield
      }) : () -> ()
    } else {
    }
    %barrier3A = arith.constant 0 : index
    tpu.barrier barrier_id(%barrier3A)
    %mul3A_7 = arith.constant 10240 : i32
    %mul3A_8 = arith.muli %add3A, %mul3A_7 : i32
    %scan3A = arith.constant 0 : i32
    %scan3A_9 = arith.constant 0 : i32
    %scan3A_10 = arith.constant 80 : i32
    %scan3A_11 = arith.addi %scan3A_9, %scan3A_10 : i32
    %scan3A_12 = arith.constant 1 : i32
    scf.for %scan3A_25 = %scan3A_9 to %scan3A_11 step %scan3A_12  : i32 {
      %mul3A_26 = arith.constant 128 : i32
      %mul3A_27 = arith.muli %scan3A_25, %mul3A_26 : i32
      %add3A_28 = arith.addi %mul3A_8, %mul3A_27 : i32
      "tpu.region"() ({
        %run_scoped3A = tpu.sem_alloc : memref<!tpu.dma_semaphore, #tpu.memory_space<semaphore_mem>>
        %dma_start3A = arith.constant 0 : i32
        %dma_start3A_29 = tpu.memref_slice %arg2[%add3A_28, %dma_start3A] : memref<327680x128xf32, #tpu.memory_space<hbm>> -> memref<128x128xf32, #tpu.memory_space<hbm>>
        %dma_start3A_30 = arith.constant 0 : i32
        %dma_start3A_31 = tpu.memref_slice %arg2[%add3A_28, %dma_start3A_30] : memref<327680x128xf32, #tpu.memory_space<hbm>> -> memref<128x128xf32, #tpu.memory_space<hbm>>
        tpu.enqueue_dma source(%dma_start3A_31 : memref<128x128xf32, #tpu.memory_space<hbm>>) target(%arg7 : memref<128x128xf32, #tpu.memory_space<vmem>>) target_semaphore(%run_scoped3A : memref<!tpu.dma_semaphore, #tpu.memory_space<semaphore_mem>>)
        %dma_wait3A = arith.constant 0 : i32
        %dma_wait3A_32 = tpu.memref_slice %arg2[%add3A_28, %dma_wait3A] : memref<327680x128xf32, #tpu.memory_space<hbm>> -> memref<128x128xf32, #tpu.memory_space<hbm>>
        %dma_wait3A_33 = arith.constant 0 : i32
        %dma_wait3A_34 = tpu.memref_slice %arg2[%add3A_28, %dma_wait3A_33] : memref<327680x128xf32, #tpu.memory_space<hbm>> -> memref<128x128xf32, #tpu.memory_space<hbm>>
        tpu.wait_dma2 semaphore(%run_scoped3A : memref<!tpu.dma_semaphore, #tpu.memory_space<semaphore_mem>>) src(%dma_wait3A_34 : memref<128x128xf32, #tpu.memory_space<hbm>>) dst(%arg7 : memref<128x128xf32, #tpu.memory_space<vmem>>)
        tpu.yield
      }) : () -> ()
      "tpu.region"() ({
        %run_scoped3A = tpu.sem_alloc : memref<!tpu.dma_semaphore, #tpu.memory_space<semaphore_mem>>
        %dma_start3A = arith.constant 0 : i32
        %dma_start3A_29 = tpu.memref_slice %arg6[%scan3A_25, %dma_start3A] : memref<80x128xi32, #tpu.memory_space<vmem>> -> memref<1x128xi32, #tpu.memory_space<vmem>>
        %dma_start3A_30 = tpu.memref_squeeze %dma_start3A_29 : memref<1x128xi32, #tpu.memory_space<vmem>> -> memref<128xi32, #tpu.memory_space<vmem>>
        %dma_start3A_31 = arith.constant 0 : i32
        %dma_start3A_32 = arith.constant 0 : i32
        %dma_start3A_33 = tpu.memref_slice %arg8[%dma_start3A_31, %dma_start3A_32] : memref<10000x128xf32, #tpu.memory_space<vmem_shared>> -> memref<10000x128xf32, #tpu.memory_space<vmem_shared>>
        tpu.enqueue_indirect_dma source(%arg7 : memref<128x128xf32, #tpu.memory_space<vmem>>) target(%dma_start3A_33 : memref<10000x128xf32, #tpu.memory_space<vmem_shared>>) offsets(%dma_start3A_30 : memref<128xi32, #tpu.memory_space<vmem>>) semaphore(%run_scoped3A : memref<!tpu.dma_semaphore, #tpu.memory_space<semaphore_mem>>) {add = true}
        %dma_wait3A = arith.constant 0 : i32
        %dma_wait3A_34 = tpu.memref_slice %arg6[%scan3A_25, %dma_wait3A] : memref<80x128xi32, #tpu.memory_space<vmem>> -> memref<1x128xi32, #tpu.memory_space<vmem>>
        %dma_wait3A_35 = tpu.memref_squeeze %dma_wait3A_34 : memref<1x128xi32, #tpu.memory_space<vmem>> -> memref<128xi32, #tpu.memory_space<vmem>>
        %dma_wait3A_36 = arith.constant 0 : i32
        %dma_wait3A_37 = arith.constant 0 : i32
        %dma_wait3A_38 = tpu.memref_slice %arg8[%dma_wait3A_36, %dma_wait3A_37] : memref<10000x128xf32, #tpu.memory_space<vmem_shared>> -> memref<10000x128xf32, #tpu.memory_space<vmem_shared>>
        tpu.wait_indirect_dma semaphore(%run_scoped3A : memref<!tpu.dma_semaphore, #tpu.memory_space<semaphore_mem>>) src(%arg7 : memref<128x128xf32, #tpu.memory_space<vmem>>) dst(%dma_wait3A_38 : memref<10000x128xf32, #tpu.memory_space<vmem_shared>>)
        tpu.yield
      }) : () -> ()
    }
    %scan3A_13 = arith.constant 80 : i32
    %barrier3A_14 = arith.constant 0 : index
    tpu.barrier barrier_id(%barrier3A_14)
    %lt3A_15 = arith.constant 15 : i32
    %lt3A_16 = arith.cmpi slt, %arg1, %lt3A_15 : i32
    %convert_element_type3A_17 = arith.extui %lt3A_16 : i1 to i32
    %cond3A_18 = arith.constant 0 : i32
    %cond3A_19 = arith.cmpi ne, %convert_element_type3A_17, %cond3A_18 : i32
    scf.if %cond3A_19 {
      %mul3A_25 = arith.constant 624 : i32
      %mul3A_26 = arith.muli %arg1, %mul3A_25 : i32
      %mul3A_27 = arith.constant 624 : i32
      %mul3A_28 = arith.muli %arg1, %mul3A_27 : i32
      "tpu.region"() ({
        %run_scoped3A = tpu.sem_alloc : memref<!tpu.dma_semaphore, #tpu.memory_space<semaphore_mem>>
        %dma_start3A = arith.constant 0 : i32
        %dma_start3A_29 = tpu.memref_slice %arg5[%arg0, %mul3A_28, %dma_start3A] : memref<2x10000x128xf32, #tpu.memory_space<hbm>> -> memref<1x624x128xf32, #tpu.memory_space<hbm>>
        %dma_start3A_30 = tpu.memref_squeeze %dma_start3A_29 : memref<1x624x128xf32, #tpu.memory_space<hbm>> -> memref<624x128xf32, #tpu.memory_space<hbm>>
        %dma_start3A_31 = arith.constant 0 : i32
        %dma_start3A_32 = tpu.memref_slice %arg8[%mul3A_26, %dma_start3A_31] : memref<10000x128xf32, #tpu.memory_space<vmem_shared>> -> memref<624x128xf32, #tpu.memory_space<vmem_shared>>
        tpu.enqueue_dma source(%dma_start3A_32 : memref<624x128xf32, #tpu.memory_space<vmem_shared>>) target(%dma_start3A_30 : memref<624x128xf32, #tpu.memory_space<hbm>>) target_semaphore(%run_scoped3A : memref<!tpu.dma_semaphore, #tpu.memory_space<semaphore_mem>>)
        %dma_wait3A = arith.constant 0 : i32
        %dma_wait3A_33 = tpu.memref_slice %arg5[%arg0, %mul3A_28, %dma_wait3A] : memref<2x10000x128xf32, #tpu.memory_space<hbm>> -> memref<1x624x128xf32, #tpu.memory_space<hbm>>
        %dma_wait3A_34 = tpu.memref_squeeze %dma_wait3A_33 : memref<1x624x128xf32, #tpu.memory_space<hbm>> -> memref<624x128xf32, #tpu.memory_space<hbm>>
        %dma_wait3A_35 = arith.constant 0 : i32
        %dma_wait3A_36 = tpu.memref_slice %arg8[%mul3A_26, %dma_wait3A_35] : memref<10000x128xf32, #tpu.memory_space<vmem_shared>> -> memref<624x128xf32, #tpu.memory_space<vmem_shared>>
        tpu.wait_dma2 semaphore(%run_scoped3A : memref<!tpu.dma_semaphore, #tpu.memory_space<semaphore_mem>>) src(%dma_wait3A_36 : memref<624x128xf32, #tpu.memory_space<vmem_shared>>) dst(%dma_wait3A_34 : memref<624x128xf32, #tpu.memory_space<hbm>>)
        tpu.yield
      }) : () -> ()
    } else {
    }
    %eq3A_20 = arith.constant 15 : i32
    %eq3A_21 = arith.cmpi eq, %arg1, %eq3A_20 : i32
    %convert_element_type3A_22 = arith.extui %eq3A_21 : i1 to i32
    %cond3A_23 = arith.constant 0 : i32
    %cond3A_24 = arith.cmpi ne, %convert_element_type3A_22, %cond3A_23 : i32
    scf.if %cond3A_24 {
      %mul3A_25 = arith.constant 624 : i32
      %mul3A_26 = arith.muli %arg1, %mul3A_25 : i32
      %mul3A_27 = arith.constant 624 : i32
      %mul3A_28 = arith.muli %arg1, %mul3A_27 : i32
      "tpu.region"() ({
        %run_scoped3A = tpu.sem_alloc : memref<!tpu.dma_semaphore, #tpu.memory_space<semaphore_mem>>
        %dma_start3A = arith.constant 0 : i32
        %dma_start3A_29 = tpu.memref_slice %arg5[%arg0, %mul3A_28, %dma_start3A] : memref<2x10000x128xf32, #tpu.memory_space<hbm>> -> memref<1x640x128xf32, #tpu.memory_space<hbm>>
        %dma_start3A_30 = tpu.memref_squeeze %dma_start3A_29 : memref<1x640x128xf32, #tpu.memory_space<hbm>> -> memref<640x128xf32, #tpu.memory_space<hbm>>
        %dma_start3A_31 = arith.constant 0 : i32
        %dma_start3A_32 = tpu.memref_slice %arg8[%mul3A_26, %dma_start3A_31] : memref<10000x128xf32, #tpu.memory_space<vmem_shared>> -> memref<640x128xf32, #tpu.memory_space<vmem_shared>>
        tpu.enqueue_dma source(%dma_start3A_32 : memref<640x128xf32, #tpu.memory_space<vmem_shared>>) target(%dma_start3A_30 : memref<640x128xf32, #tpu.memory_space<hbm>>) target_semaphore(%run_scoped3A : memref<!tpu.dma_semaphore, #tpu.memory_space<semaphore_mem>>)
        %dma_wait3A = arith.constant 0 : i32
        %dma_wait3A_33 = tpu.memref_slice %arg5[%arg0, %mul3A_28, %dma_wait3A] : memref<2x10000x128xf32, #tpu.memory_space<hbm>> -> memref<1x640x128xf32, #tpu.memory_space<hbm>>
        %dma_wait3A_34 = tpu.memref_squeeze %dma_wait3A_33 : memref<1x640x128xf32, #tpu.memory_space<hbm>> -> memref<640x128xf32, #tpu.memory_space<hbm>>
        %dma_wait3A_35 = arith.constant 0 : i32
        %dma_wait3A_36 = tpu.memref_slice %arg8[%mul3A_26, %dma_wait3A_35] : memref<10000x128xf32, #tpu.memory_space<vmem_shared>> -> memref<640x128xf32, #tpu.memory_space<vmem_shared>>
        tpu.wait_dma2 semaphore(%run_scoped3A : memref<!tpu.dma_semaphore, #tpu.memory_space<semaphore_mem>>) src(%dma_wait3A_36 : memref<640x128xf32, #tpu.memory_space<vmem_shared>>) dst(%dma_wait3A_34 : memref<640x128xf32, #tpu.memory_space<hbm>>)
        tpu.yield
      }) : () -> ()
    } else {
    }
    return
  }
}

#map = affine_map<(d0, d1) -> (0, 0)>
#map1 = affine_map<(d0, d1) -> (0, 0, 0)>
module attributes {stable_mosaic.version = 14 : i64} {
  func.func @_gather_feats_body(%arg0: i32, %arg1: i32, %arg2: memref<10000x128xf32, #tpu.memory_space<hbm>>, %arg3: memref<32x80x128xi32, #tpu.memory_space<hbm>>, %arg4: memref<32x80x128xi32, #tpu.memory_space<hbm>>, %arg5: memref<327680x128xf32, #tpu.memory_space<hbm>>, %arg6: memref<327680x128xf32, #tpu.memory_space<hbm>>, %arg7: memref<80x128xi32, #tpu.memory_space<vmem>>, %arg8: memref<80x128xi32, #tpu.memory_space<vmem>>, %arg9: memref<128x128xf32, #tpu.memory_space<vmem>>, %arg10: memref<128x128xf32, #tpu.memory_space<vmem>>, %arg11: memref<!tpu.dma_semaphore, #tpu.memory_space<semaphore_mem>>, %arg12: memref<!tpu.dma_semaphore, #tpu.memory_space<semaphore_mem>>) attributes {dimension_semantics = [#tpu.dimension_semantics<core_parallel>, #tpu.dimension_semantics<subcore_parallel>], iteration_bounds = array<i64: 2, 16>, scalar_prefetch = 0 : i64, scratch_operands = 6 : i64, tpu.core_type = #tpu.core_type<sc_vector_subcore>, window_params = [{transform_indices = #map}, {transform_indices = #map1}, {transform_indices = #map1}, {transform_indices = #map}, {transform_indices = #map}]} {
    %mul3A = arith.constant 2 : i32
    %mul3A_0 = arith.muli %arg1, %mul3A : i32
    %add3A = arith.addi %mul3A_0, %arg0 : i32
    "tpu.region"() ({
      %run_scoped3A = tpu.sem_alloc : memref<!tpu.dma_semaphore, #tpu.memory_space<semaphore_mem>>
      %dma_start3A = arith.constant 0 : i32
      %dma_start3A_8 = arith.constant 0 : i32
      %dma_start3A_9 = tpu.memref_slice %arg3[%add3A, %dma_start3A, %dma_start3A_8] : memref<32x80x128xi32, #tpu.memory_space<hbm>> -> memref<1x80x128xi32, #tpu.memory_space<hbm>>
      %dma_start3A_10 = tpu.memref_squeeze %dma_start3A_9 : memref<1x80x128xi32, #tpu.memory_space<hbm>> -> memref<80x128xi32, #tpu.memory_space<hbm>>
      %dma_start3A_11 = arith.constant 0 : i32
      %dma_start3A_12 = arith.constant 0 : i32
      %dma_start3A_13 = tpu.memref_slice %arg3[%add3A, %dma_start3A_11, %dma_start3A_12] : memref<32x80x128xi32, #tpu.memory_space<hbm>> -> memref<1x80x128xi32, #tpu.memory_space<hbm>>
      %dma_start3A_14 = tpu.memref_squeeze %dma_start3A_13 : memref<1x80x128xi32, #tpu.memory_space<hbm>> -> memref<80x128xi32, #tpu.memory_space<hbm>>
      tpu.enqueue_dma source(%dma_start3A_14 : memref<80x128xi32, #tpu.memory_space<hbm>>) target(%arg7 : memref<80x128xi32, #tpu.memory_space<vmem>>) target_semaphore(%run_scoped3A : memref<!tpu.dma_semaphore, #tpu.memory_space<semaphore_mem>>)
      %dma_wait3A = arith.constant 0 : i32
      %dma_wait3A_15 = arith.constant 0 : i32
      %dma_wait3A_16 = tpu.memref_slice %arg3[%add3A, %dma_wait3A, %dma_wait3A_15] : memref<32x80x128xi32, #tpu.memory_space<hbm>> -> memref<1x80x128xi32, #tpu.memory_space<hbm>>
      %dma_wait3A_17 = tpu.memref_squeeze %dma_wait3A_16 : memref<1x80x128xi32, #tpu.memory_space<hbm>> -> memref<80x128xi32, #tpu.memory_space<hbm>>
      %dma_wait3A_18 = arith.constant 0 : i32
      %dma_wait3A_19 = arith.constant 0 : i32
      %dma_wait3A_20 = tpu.memref_slice %arg3[%add3A, %dma_wait3A_18, %dma_wait3A_19] : memref<32x80x128xi32, #tpu.memory_space<hbm>> -> memref<1x80x128xi32, #tpu.memory_space<hbm>>
      %dma_wait3A_21 = tpu.memref_squeeze %dma_wait3A_20 : memref<1x80x128xi32, #tpu.memory_space<hbm>> -> memref<80x128xi32, #tpu.memory_space<hbm>>
      tpu.wait_dma2 semaphore(%run_scoped3A : memref<!tpu.dma_semaphore, #tpu.memory_space<semaphore_mem>>) src(%dma_wait3A_21 : memref<80x128xi32, #tpu.memory_space<hbm>>) dst(%arg7 : memref<80x128xi32, #tpu.memory_space<vmem>>)
      tpu.yield
    }) : () -> ()
    "tpu.region"() ({
      %run_scoped3A = tpu.sem_alloc : memref<!tpu.dma_semaphore, #tpu.memory_space<semaphore_mem>>
      %dma_start3A = arith.constant 0 : i32
      %dma_start3A_8 = arith.constant 0 : i32
      %dma_start3A_9 = tpu.memref_slice %arg4[%add3A, %dma_start3A, %dma_start3A_8] : memref<32x80x128xi32, #tpu.memory_space<hbm>> -> memref<1x80x128xi32, #tpu.memory_space<hbm>>
      %dma_start3A_10 = tpu.memref_squeeze %dma_start3A_9 : memref<1x80x128xi32, #tpu.memory_space<hbm>> -> memref<80x128xi32, #tpu.memory_space<hbm>>
      %dma_start3A_11 = arith.constant 0 : i32
      %dma_start3A_12 = arith.constant 0 : i32
      %dma_start3A_13 = tpu.memref_slice %arg4[%add3A, %dma_start3A_11, %dma_start3A_12] : memref<32x80x128xi32, #tpu.memory_space<hbm>> -> memref<1x80x128xi32, #tpu.memory_space<hbm>>
      %dma_start3A_14 = tpu.memref_squeeze %dma_start3A_13 : memref<1x80x128xi32, #tpu.memory_space<hbm>> -> memref<80x128xi32, #tpu.memory_space<hbm>>
      tpu.enqueue_dma source(%dma_start3A_14 : memref<80x128xi32, #tpu.memory_space<hbm>>) target(%arg8 : memref<80x128xi32, #tpu.memory_space<vmem>>) target_semaphore(%run_scoped3A : memref<!tpu.dma_semaphore, #tpu.memory_space<semaphore_mem>>)
      %dma_wait3A = arith.constant 0 : i32
      %dma_wait3A_15 = arith.constant 0 : i32
      %dma_wait3A_16 = tpu.memref_slice %arg4[%add3A, %dma_wait3A, %dma_wait3A_15] : memref<32x80x128xi32, #tpu.memory_space<hbm>> -> memref<1x80x128xi32, #tpu.memory_space<hbm>>
      %dma_wait3A_17 = tpu.memref_squeeze %dma_wait3A_16 : memref<1x80x128xi32, #tpu.memory_space<hbm>> -> memref<80x128xi32, #tpu.memory_space<hbm>>
      %dma_wait3A_18 = arith.constant 0 : i32
      %dma_wait3A_19 = arith.constant 0 : i32
      %dma_wait3A_20 = tpu.memref_slice %arg4[%add3A, %dma_wait3A_18, %dma_wait3A_19] : memref<32x80x128xi32, #tpu.memory_space<hbm>> -> memref<1x80x128xi32, #tpu.memory_space<hbm>>
      %dma_wait3A_21 = tpu.memref_squeeze %dma_wait3A_20 : memref<1x80x128xi32, #tpu.memory_space<hbm>> -> memref<80x128xi32, #tpu.memory_space<hbm>>
      tpu.wait_dma2 semaphore(%run_scoped3A : memref<!tpu.dma_semaphore, #tpu.memory_space<semaphore_mem>>) src(%dma_wait3A_21 : memref<80x128xi32, #tpu.memory_space<hbm>>) dst(%arg8 : memref<80x128xi32, #tpu.memory_space<vmem>>)
      tpu.yield
    }) : () -> ()
    %mul3A_1 = arith.constant 10240 : i32
    %mul3A_2 = arith.muli %add3A, %mul3A_1 : i32
    %scan3A = arith.constant 0 : i32
    %scan3A_3 = arith.constant 0 : i32
    %scan3A_4 = arith.constant 80 : i32
    %scan3A_5 = arith.addi %scan3A_3, %scan3A_4 : i32
    %scan3A_6 = arith.constant 1 : i32
    scf.for %scan3A_8 = %scan3A_3 to %scan3A_5 step %scan3A_6  : i32 {
      %dma_start3A = arith.constant 0 : i32
      %dma_start3A_9 = tpu.memref_slice %arg7[%scan3A_8, %dma_start3A] : memref<80x128xi32, #tpu.memory_space<vmem>> -> memref<1x128xi32, #tpu.memory_space<vmem>>
      %dma_start3A_10 = tpu.memref_squeeze %dma_start3A_9 : memref<1x128xi32, #tpu.memory_space<vmem>> -> memref<128xi32, #tpu.memory_space<vmem>>
      %dma_start3A_11 = arith.constant 0 : i32
      %dma_start3A_12 = arith.constant 0 : i32
      %dma_start3A_13 = tpu.memref_slice %arg2[%dma_start3A_11, %dma_start3A_12] : memref<10000x128xf32, #tpu.memory_space<hbm>> -> memref<10000x128xf32, #tpu.memory_space<hbm>>
      tpu.enqueue_indirect_dma source(%dma_start3A_13 : memref<10000x128xf32, #tpu.memory_space<hbm>>) target(%arg9 : memref<128x128xf32, #tpu.memory_space<vmem>>) offsets(%dma_start3A_10 : memref<128xi32, #tpu.memory_space<vmem>>) semaphore(%arg11 : memref<!tpu.dma_semaphore, #tpu.memory_space<semaphore_mem>>)
      %dma_start3A_14 = arith.constant 0 : i32
      %dma_start3A_15 = tpu.memref_slice %arg8[%scan3A_8, %dma_start3A_14] : memref<80x128xi32, #tpu.memory_space<vmem>> -> memref<1x128xi32, #tpu.memory_space<vmem>>
      %dma_start3A_16 = tpu.memref_squeeze %dma_start3A_15 : memref<1x128xi32, #tpu.memory_space<vmem>> -> memref<128xi32, #tpu.memory_space<vmem>>
      %dma_start3A_17 = arith.constant 0 : i32
      %dma_start3A_18 = arith.constant 0 : i32
      %dma_start3A_19 = tpu.memref_slice %arg2[%dma_start3A_17, %dma_start3A_18] : memref<10000x128xf32, #tpu.memory_space<hbm>> -> memref<10000x128xf32, #tpu.memory_space<hbm>>
      tpu.enqueue_indirect_dma source(%dma_start3A_19 : memref<10000x128xf32, #tpu.memory_space<hbm>>) target(%arg10 : memref<128x128xf32, #tpu.memory_space<vmem>>) offsets(%dma_start3A_16 : memref<128xi32, #tpu.memory_space<vmem>>) semaphore(%arg12 : memref<!tpu.dma_semaphore, #tpu.memory_space<semaphore_mem>>)
      %dma_wait3A = arith.constant 0 : i32
      %dma_wait3A_20 = tpu.memref_slice %arg7[%scan3A_8, %dma_wait3A] : memref<80x128xi32, #tpu.memory_space<vmem>> -> memref<1x128xi32, #tpu.memory_space<vmem>>
      %dma_wait3A_21 = tpu.memref_squeeze %dma_wait3A_20 : memref<1x128xi32, #tpu.memory_space<vmem>> -> memref<128xi32, #tpu.memory_space<vmem>>
      %dma_wait3A_22 = arith.constant 0 : i32
      %dma_wait3A_23 = arith.constant 0 : i32
      %dma_wait3A_24 = tpu.memref_slice %arg2[%dma_wait3A_22, %dma_wait3A_23] : memref<10000x128xf32, #tpu.memory_space<hbm>> -> memref<10000x128xf32, #tpu.memory_space<hbm>>
      tpu.wait_indirect_dma semaphore(%arg11 : memref<!tpu.dma_semaphore, #tpu.memory_space<semaphore_mem>>) src(%dma_wait3A_24 : memref<10000x128xf32, #tpu.memory_space<hbm>>) dst(%arg9 : memref<128x128xf32, #tpu.memory_space<vmem>>)
      %dma_wait3A_25 = arith.constant 0 : i32
      %dma_wait3A_26 = tpu.memref_slice %arg8[%scan3A_8, %dma_wait3A_25] : memref<80x128xi32, #tpu.memory_space<vmem>> -> memref<1x128xi32, #tpu.memory_space<vmem>>
      %dma_wait3A_27 = tpu.memref_squeeze %dma_wait3A_26 : memref<1x128xi32, #tpu.memory_space<vmem>> -> memref<128xi32, #tpu.memory_space<vmem>>
      %dma_wait3A_28 = arith.constant 0 : i32
      %dma_wait3A_29 = arith.constant 0 : i32
      %dma_wait3A_30 = tpu.memref_slice %arg2[%dma_wait3A_28, %dma_wait3A_29] : memref<10000x128xf32, #tpu.memory_space<hbm>> -> memref<10000x128xf32, #tpu.memory_space<hbm>>
      tpu.wait_indirect_dma semaphore(%arg12 : memref<!tpu.dma_semaphore, #tpu.memory_space<semaphore_mem>>) src(%dma_wait3A_30 : memref<10000x128xf32, #tpu.memory_space<hbm>>) dst(%arg10 : memref<128x128xf32, #tpu.memory_space<vmem>>)
      %mul3A_31 = arith.constant 128 : i32
      %mul3A_32 = arith.muli %scan3A_8, %mul3A_31 : i32
      %add3A_33 = arith.addi %mul3A_2, %mul3A_32 : i32
      "tpu.region"() ({
        %run_scoped3A = tpu.sem_alloc : memref<!tpu.dma_semaphore, #tpu.memory_space<semaphore_mem>>
        %dma_start3A_34 = arith.constant 0 : i32
        %dma_start3A_35 = tpu.memref_slice %arg5[%add3A_33, %dma_start3A_34] : memref<327680x128xf32, #tpu.memory_space<hbm>> -> memref<128x128xf32, #tpu.memory_space<hbm>>
        %dma_start3A_36 = arith.constant 0 : i32
        %dma_start3A_37 = tpu.memref_slice %arg5[%add3A_33, %dma_start3A_36] : memref<327680x128xf32, #tpu.memory_space<hbm>> -> memref<128x128xf32, #tpu.memory_space<hbm>>
        tpu.enqueue_dma source(%arg9 : memref<128x128xf32, #tpu.memory_space<vmem>>) target(%dma_start3A_37 : memref<128x128xf32, #tpu.memory_space<hbm>>) target_semaphore(%run_scoped3A : memref<!tpu.dma_semaphore, #tpu.memory_space<semaphore_mem>>)
        %dma_wait3A_38 = arith.constant 0 : i32
        %dma_wait3A_39 = tpu.memref_slice %arg5[%add3A_33, %dma_wait3A_38] : memref<327680x128xf32, #tpu.memory_space<hbm>> -> memref<128x128xf32, #tpu.memory_space<hbm>>
        %dma_wait3A_40 = arith.constant 0 : i32
        %dma_wait3A_41 = tpu.memref_slice %arg5[%add3A_33, %dma_wait3A_40] : memref<327680x128xf32, #tpu.memory_space<hbm>> -> memref<128x128xf32, #tpu.memory_space<hbm>>
        tpu.wait_dma2 semaphore(%run_scoped3A : memref<!tpu.dma_semaphore, #tpu.memory_space<semaphore_mem>>) src(%arg9 : memref<128x128xf32, #tpu.memory_space<vmem>>) dst(%dma_wait3A_41 : memref<128x128xf32, #tpu.memory_space<hbm>>)
        tpu.yield
      }) : () -> ()
      "tpu.region"() ({
        %run_scoped3A = tpu.sem_alloc : memref<!tpu.dma_semaphore, #tpu.memory_space<semaphore_mem>>
        %dma_start3A_34 = arith.constant 0 : i32
        %dma_start3A_35 = tpu.memref_slice %arg6[%add3A_33, %dma_start3A_34] : memref<327680x128xf32, #tpu.memory_space<hbm>> -> memref<128x128xf32, #tpu.memory_space<hbm>>
        %dma_start3A_36 = arith.constant 0 : i32
        %dma_start3A_37 = tpu.memref_slice %arg6[%add3A_33, %dma_start3A_36] : memref<327680x128xf32, #tpu.memory_space<hbm>> -> memref<128x128xf32, #tpu.memory_space<hbm>>
        tpu.enqueue_dma source(%arg10 : memref<128x128xf32, #tpu.memory_space<vmem>>) target(%dma_start3A_37 : memref<128x128xf32, #tpu.memory_space<hbm>>) target_semaphore(%run_scoped3A : memref<!tpu.dma_semaphore, #tpu.memory_space<semaphore_mem>>)
        %dma_wait3A_38 = arith.constant 0 : i32
        %dma_wait3A_39 = tpu.memref_slice %arg6[%add3A_33, %dma_wait3A_38] : memref<327680x128xf32, #tpu.memory_space<hbm>> -> memref<128x128xf32, #tpu.memory_space<hbm>>
        %dma_wait3A_40 = arith.constant 0 : i32
        %dma_wait3A_41 = tpu.memref_slice %arg6[%add3A_33, %dma_wait3A_40] : memref<327680x128xf32, #tpu.memory_space<hbm>> -> memref<128x128xf32, #tpu.memory_space<hbm>>
        tpu.wait_dma2 semaphore(%run_scoped3A : memref<!tpu.dma_semaphore, #tpu.memory_space<semaphore_mem>>) src(%arg10 : memref<128x128xf32, #tpu.memory_space<vmem>>) dst(%dma_wait3A_41 : memref<128x128xf32, #tpu.memory_space<hbm>>)
        tpu.yield
      }) : () -> ()
    }
    %scan3A_7 = arith.constant 80 : i32
    return
  }
}

#map = affine_map<(d0, d1) -> (0, 0)>
#map1 = affine_map<(d0, d1) -> (0, 0, 0)>
module attributes {stable_mosaic.version = 14 : i64} {
  func.func @_scatter_body(%arg0: i32, %arg1: i32, %arg2: memref<327680x128xf32, #tpu.memory_space<hbm>>, %arg3: memref<32x80x128xi32, #tpu.memory_space<hbm>>, %arg4: memref<10000x128xf32, #tpu.memory_space<hbm>>, %arg5: memref<2x10000x128xf32, #tpu.memory_space<hbm>>, %arg6: memref<80x128xi32, #tpu.memory_space<vmem>>, %arg7: memref<128x128xf32, #tpu.memory_space<vmem>>, %arg8: memref<10000x128xf32, #tpu.memory_space<vmem_shared>>) attributes {dimension_semantics = [#tpu.dimension_semantics<core_parallel>, #tpu.dimension_semantics<subcore_parallel>], iteration_bounds = array<i64: 2, 16>, scalar_prefetch = 0 : i64, scratch_operands = 3 : i64, tpu.core_type = #tpu.core_type<sc_vector_subcore>, window_params = [{transform_indices = #map}, {transform_indices = #map1}, {transform_indices = #map}, {transform_indices = #map1}]} {
    %mul3A = arith.constant 2 : i32
    %mul3A_0 = arith.muli %arg1, %mul3A : i32
    %add3A = arith.addi %mul3A_0, %arg0 : i32
    "tpu.region"() ({
      %run_scoped3A = tpu.sem_alloc : memref<!tpu.dma_semaphore, #tpu.memory_space<semaphore_mem>>
      %dma_start3A = arith.constant 0 : i32
      %dma_start3A_25 = arith.constant 0 : i32
      %dma_start3A_26 = tpu.memref_slice %arg3[%add3A, %dma_start3A, %dma_start3A_25] : memref<32x80x128xi32, #tpu.memory_space<hbm>> -> memref<1x80x128xi32, #tpu.memory_space<hbm>>
      %dma_start3A_27 = tpu.memref_squeeze %dma_start3A_26 : memref<1x80x128xi32, #tpu.memory_space<hbm>> -> memref<80x128xi32, #tpu.memory_space<hbm>>
      %dma_start3A_28 = arith.constant 0 : i32
      %dma_start3A_29 = arith.constant 0 : i32
      %dma_start3A_30 = tpu.memref_slice %arg3[%add3A, %dma_start3A_28, %dma_start3A_29] : memref<32x80x128xi32, #tpu.memory_space<hbm>> -> memref<1x80x128xi32, #tpu.memory_space<hbm>>
      %dma_start3A_31 = tpu.memref_squeeze %dma_start3A_30 : memref<1x80x128xi32, #tpu.memory_space<hbm>> -> memref<80x128xi32, #tpu.memory_space<hbm>>
      tpu.enqueue_dma source(%dma_start3A_31 : memref<80x128xi32, #tpu.memory_space<hbm>>) target(%arg6 : memref<80x128xi32, #tpu.memory_space<vmem>>) target_semaphore(%run_scoped3A : memref<!tpu.dma_semaphore, #tpu.memory_space<semaphore_mem>>)
      %dma_wait3A = arith.constant 0 : i32
      %dma_wait3A_32 = arith.constant 0 : i32
      %dma_wait3A_33 = tpu.memref_slice %arg3[%add3A, %dma_wait3A, %dma_wait3A_32] : memref<32x80x128xi32, #tpu.memory_space<hbm>> -> memref<1x80x128xi32, #tpu.memory_space<hbm>>
      %dma_wait3A_34 = tpu.memref_squeeze %dma_wait3A_33 : memref<1x80x128xi32, #tpu.memory_space<hbm>> -> memref<80x128xi32, #tpu.memory_space<hbm>>
      %dma_wait3A_35 = arith.constant 0 : i32
      %dma_wait3A_36 = arith.constant 0 : i32
      %dma_wait3A_37 = tpu.memref_slice %arg3[%add3A, %dma_wait3A_35, %dma_wait3A_36] : memref<32x80x128xi32, #tpu.memory_space<hbm>> -> memref<1x80x128xi32, #tpu.memory_space<hbm>>
      %dma_wait3A_38 = tpu.memref_squeeze %dma_wait3A_37 : memref<1x80x128xi32, #tpu.memory_space<hbm>> -> memref<80x128xi32, #tpu.memory_space<hbm>>
      tpu.wait_dma2 semaphore(%run_scoped3A : memref<!tpu.dma_semaphore, #tpu.memory_space<semaphore_mem>>) src(%dma_wait3A_38 : memref<80x128xi32, #tpu.memory_space<hbm>>) dst(%arg6 : memref<80x128xi32, #tpu.memory_space<vmem>>)
      tpu.yield
    }) : () -> ()
    %lt3A = arith.constant 15 : i32
    %lt3A_1 = arith.cmpi slt, %arg1, %lt3A : i32
    %convert_element_type3A = arith.extui %lt3A_1 : i1 to i32
    %cond3A = arith.constant 0 : i32
    %cond3A_2 = arith.cmpi ne, %convert_element_type3A, %cond3A : i32
    scf.if %cond3A_2 {
      %mul3A_25 = arith.constant 624 : i32
      %mul3A_26 = arith.muli %arg1, %mul3A_25 : i32
      %mul3A_27 = arith.constant 624 : i32
      %mul3A_28 = arith.muli %arg1, %mul3A_27 : i32
      "tpu.region"() ({
        %run_scoped3A = tpu.sem_alloc : memref<!tpu.dma_semaphore, #tpu.memory_space<semaphore_mem>>
        %dma_start3A = arith.constant 0 : i32
        %dma_start3A_29 = tpu.memref_slice %arg8[%mul3A_28, %dma_start3A] : memref<10000x128xf32, #tpu.memory_space<vmem_shared>> -> memref<624x128xf32, #tpu.memory_space<vmem_shared>>
        %dma_start3A_30 = arith.constant 0 : i32
        %dma_start3A_31 = tpu.memref_slice %arg4[%mul3A_26, %dma_start3A_30] : memref<10000x128xf32, #tpu.memory_space<hbm>> -> memref<624x128xf32, #tpu.memory_space<hbm>>
        tpu.enqueue_dma source(%dma_start3A_31 : memref<624x128xf32, #tpu.memory_space<hbm>>) target(%dma_start3A_29 : memref<624x128xf32, #tpu.memory_space<vmem_shared>>) target_semaphore(%run_scoped3A : memref<!tpu.dma_semaphore, #tpu.memory_space<semaphore_mem>>)
        %dma_wait3A = arith.constant 0 : i32
        %dma_wait3A_32 = tpu.memref_slice %arg8[%mul3A_28, %dma_wait3A] : memref<10000x128xf32, #tpu.memory_space<vmem_shared>> -> memref<624x128xf32, #tpu.memory_space<vmem_shared>>
        %dma_wait3A_33 = arith.constant 0 : i32
        %dma_wait3A_34 = tpu.memref_slice %arg4[%mul3A_26, %dma_wait3A_33] : memref<10000x128xf32, #tpu.memory_space<hbm>> -> memref<624x128xf32, #tpu.memory_space<hbm>>
        tpu.wait_dma2 semaphore(%run_scoped3A : memref<!tpu.dma_semaphore, #tpu.memory_space<semaphore_mem>>) src(%dma_wait3A_34 : memref<624x128xf32, #tpu.memory_space<hbm>>) dst(%dma_wait3A_32 : memref<624x128xf32, #tpu.memory_space<vmem_shared>>)
        tpu.yield
      }) : () -> ()
    } else {
    }
    %eq3A = arith.constant 15 : i32
    %eq3A_3 = arith.cmpi eq, %arg1, %eq3A : i32
    %convert_element_type3A_4 = arith.extui %eq3A_3 : i1 to i32
    %cond3A_5 = arith.constant 0 : i32
    %cond3A_6 = arith.cmpi ne, %convert_element_type3A_4, %cond3A_5 : i32
    scf.if %cond3A_6 {
      %mul3A_25 = arith.constant 624 : i32
      %mul3A_26 = arith.muli %arg1, %mul3A_25 : i32
      %mul3A_27 = arith.constant 624 : i32
      %mul3A_28 = arith.muli %arg1, %mul3A_27 : i32
      "tpu.region"() ({
        %run_scoped3A = tpu.sem_alloc : memref<!tpu.dma_semaphore, #tpu.memory_space<semaphore_mem>>
        %dma_start3A = arith.constant 0 : i32
        %dma_start3A_29 = tpu.memref_slice %arg8[%mul3A_28, %dma_start3A] : memref<10000x128xf32, #tpu.memory_space<vmem_shared>> -> memref<640x128xf32, #tpu.memory_space<vmem_shared>>
        %dma_start3A_30 = arith.constant 0 : i32
        %dma_start3A_31 = tpu.memref_slice %arg4[%mul3A_26, %dma_start3A_30] : memref<10000x128xf32, #tpu.memory_space<hbm>> -> memref<640x128xf32, #tpu.memory_space<hbm>>
        tpu.enqueue_dma source(%dma_start3A_31 : memref<640x128xf32, #tpu.memory_space<hbm>>) target(%dma_start3A_29 : memref<640x128xf32, #tpu.memory_space<vmem_shared>>) target_semaphore(%run_scoped3A : memref<!tpu.dma_semaphore, #tpu.memory_space<semaphore_mem>>)
        %dma_wait3A = arith.constant 0 : i32
        %dma_wait3A_32 = tpu.memref_slice %arg8[%mul3A_28, %dma_wait3A] : memref<10000x128xf32, #tpu.memory_space<vmem_shared>> -> memref<640x128xf32, #tpu.memory_space<vmem_shared>>
        %dma_wait3A_33 = arith.constant 0 : i32
        %dma_wait3A_34 = tpu.memref_slice %arg4[%mul3A_26, %dma_wait3A_33] : memref<10000x128xf32, #tpu.memory_space<hbm>> -> memref<640x128xf32, #tpu.memory_space<hbm>>
        tpu.wait_dma2 semaphore(%run_scoped3A : memref<!tpu.dma_semaphore, #tpu.memory_space<semaphore_mem>>) src(%dma_wait3A_34 : memref<640x128xf32, #tpu.memory_space<hbm>>) dst(%dma_wait3A_32 : memref<640x128xf32, #tpu.memory_space<vmem_shared>>)
        tpu.yield
      }) : () -> ()
    } else {
    }
    %barrier3A = arith.constant 0 : index
    tpu.barrier barrier_id(%barrier3A)
    %mul3A_7 = arith.constant 10240 : i32
    %mul3A_8 = arith.muli %add3A, %mul3A_7 : i32
    %scan3A = arith.constant 0 : i32
    %scan3A_9 = arith.constant 0 : i32
    %scan3A_10 = arith.constant 80 : i32
    %scan3A_11 = arith.addi %scan3A_9, %scan3A_10 : i32
    %scan3A_12 = arith.constant 1 : i32
    scf.for %scan3A_25 = %scan3A_9 to %scan3A_11 step %scan3A_12  : i32 {
      %mul3A_26 = arith.constant 128 : i32
      %mul3A_27 = arith.muli %scan3A_25, %mul3A_26 : i32
      %add3A_28 = arith.addi %mul3A_8, %mul3A_27 : i32
      "tpu.region"() ({
        %run_scoped3A = tpu.sem_alloc : memref<!tpu.dma_semaphore, #tpu.memory_space<semaphore_mem>>
        %dma_start3A = arith.constant 0 : i32
        %dma_start3A_29 = tpu.memref_slice %arg2[%add3A_28, %dma_start3A] : memref<327680x128xf32, #tpu.memory_space<hbm>> -> memref<128x128xf32, #tpu.memory_space<hbm>>
        %dma_start3A_30 = arith.constant 0 : i32
        %dma_start3A_31 = tpu.memref_slice %arg2[%add3A_28, %dma_start3A_30] : memref<327680x128xf32, #tpu.memory_space<hbm>> -> memref<128x128xf32, #tpu.memory_space<hbm>>
        tpu.enqueue_dma source(%dma_start3A_31 : memref<128x128xf32, #tpu.memory_space<hbm>>) target(%arg7 : memref<128x128xf32, #tpu.memory_space<vmem>>) target_semaphore(%run_scoped3A : memref<!tpu.dma_semaphore, #tpu.memory_space<semaphore_mem>>)
        %dma_wait3A = arith.constant 0 : i32
        %dma_wait3A_32 = tpu.memref_slice %arg2[%add3A_28, %dma_wait3A] : memref<327680x128xf32, #tpu.memory_space<hbm>> -> memref<128x128xf32, #tpu.memory_space<hbm>>
        %dma_wait3A_33 = arith.constant 0 : i32
        %dma_wait3A_34 = tpu.memref_slice %arg2[%add3A_28, %dma_wait3A_33] : memref<327680x128xf32, #tpu.memory_space<hbm>> -> memref<128x128xf32, #tpu.memory_space<hbm>>
        tpu.wait_dma2 semaphore(%run_scoped3A : memref<!tpu.dma_semaphore, #tpu.memory_space<semaphore_mem>>) src(%dma_wait3A_34 : memref<128x128xf32, #tpu.memory_space<hbm>>) dst(%arg7 : memref<128x128xf32, #tpu.memory_space<vmem>>)
        tpu.yield
      }) : () -> ()
      "tpu.region"() ({
        %run_scoped3A = tpu.sem_alloc : memref<!tpu.dma_semaphore, #tpu.memory_space<semaphore_mem>>
        %dma_start3A = arith.constant 0 : i32
        %dma_start3A_29 = tpu.memref_slice %arg6[%scan3A_25, %dma_start3A] : memref<80x128xi32, #tpu.memory_space<vmem>> -> memref<1x128xi32, #tpu.memory_space<vmem>>
        %dma_start3A_30 = tpu.memref_squeeze %dma_start3A_29 : memref<1x128xi32, #tpu.memory_space<vmem>> -> memref<128xi32, #tpu.memory_space<vmem>>
        %dma_start3A_31 = arith.constant 0 : i32
        %dma_start3A_32 = arith.constant 0 : i32
        %dma_start3A_33 = tpu.memref_slice %arg8[%dma_start3A_31, %dma_start3A_32] : memref<10000x128xf32, #tpu.memory_space<vmem_shared>> -> memref<10000x128xf32, #tpu.memory_space<vmem_shared>>
        tpu.enqueue_indirect_dma source(%arg7 : memref<128x128xf32, #tpu.memory_space<vmem>>) target(%dma_start3A_33 : memref<10000x128xf32, #tpu.memory_space<vmem_shared>>) offsets(%dma_start3A_30 : memref<128xi32, #tpu.memory_space<vmem>>) semaphore(%run_scoped3A : memref<!tpu.dma_semaphore, #tpu.memory_space<semaphore_mem>>) {add = true}
        %dma_wait3A = arith.constant 0 : i32
        %dma_wait3A_34 = tpu.memref_slice %arg6[%scan3A_25, %dma_wait3A] : memref<80x128xi32, #tpu.memory_space<vmem>> -> memref<1x128xi32, #tpu.memory_space<vmem>>
        %dma_wait3A_35 = tpu.memref_squeeze %dma_wait3A_34 : memref<1x128xi32, #tpu.memory_space<vmem>> -> memref<128xi32, #tpu.memory_space<vmem>>
        %dma_wait3A_36 = arith.constant 0 : i32
        %dma_wait3A_37 = arith.constant 0 : i32
        %dma_wait3A_38 = tpu.memref_slice %arg8[%dma_wait3A_36, %dma_wait3A_37] : memref<10000x128xf32, #tpu.memory_space<vmem_shared>> -> memref<10000x128xf32, #tpu.memory_space<vmem_shared>>
        tpu.wait_indirect_dma semaphore(%run_scoped3A : memref<!tpu.dma_semaphore, #tpu.memory_space<semaphore_mem>>) src(%arg7 : memref<128x128xf32, #tpu.memory_space<vmem>>) dst(%dma_wait3A_38 : memref<10000x128xf32, #tpu.memory_space<vmem_shared>>)
        tpu.yield
      }) : () -> ()
    }
    %scan3A_13 = arith.constant 80 : i32
    %barrier3A_14 = arith.constant 0 : index
    tpu.barrier barrier_id(%barrier3A_14)
    %lt3A_15 = arith.constant 15 : i32
    %lt3A_16 = arith.cmpi slt, %arg1, %lt3A_15 : i32
    %convert_element_type3A_17 = arith.extui %lt3A_16 : i1 to i32
    %cond3A_18 = arith.constant 0 : i32
    %cond3A_19 = arith.cmpi ne, %convert_element_type3A_17, %cond3A_18 : i32
    scf.if %cond3A_19 {
      %mul3A_25 = arith.constant 624 : i32
      %mul3A_26 = arith.muli %arg1, %mul3A_25 : i32
      %mul3A_27 = arith.constant 624 : i32
      %mul3A_28 = arith.muli %arg1, %mul3A_27 : i32
      "tpu.region"() ({
        %run_scoped3A = tpu.sem_alloc : memref<!tpu.dma_semaphore, #tpu.memory_space<semaphore_mem>>
        %dma_start3A = arith.constant 0 : i32
        %dma_start3A_29 = tpu.memref_slice %arg5[%arg0, %mul3A_28, %dma_start3A] : memref<2x10000x128xf32, #tpu.memory_space<hbm>> -> memref<1x624x128xf32, #tpu.memory_space<hbm>>
        %dma_start3A_30 = tpu.memref_squeeze %dma_start3A_29 : memref<1x624x128xf32, #tpu.memory_space<hbm>> -> memref<624x128xf32, #tpu.memory_space<hbm>>
        %dma_start3A_31 = arith.constant 0 : i32
        %dma_start3A_32 = tpu.memref_slice %arg8[%mul3A_26, %dma_start3A_31] : memref<10000x128xf32, #tpu.memory_space<vmem_shared>> -> memref<624x128xf32, #tpu.memory_space<vmem_shared>>
        tpu.enqueue_dma source(%dma_start3A_32 : memref<624x128xf32, #tpu.memory_space<vmem_shared>>) target(%dma_start3A_30 : memref<624x128xf32, #tpu.memory_space<hbm>>) target_semaphore(%run_scoped3A : memref<!tpu.dma_semaphore, #tpu.memory_space<semaphore_mem>>)
        %dma_wait3A = arith.constant 0 : i32
        %dma_wait3A_33 = tpu.memref_slice %arg5[%arg0, %mul3A_28, %dma_wait3A] : memref<2x10000x128xf32, #tpu.memory_space<hbm>> -> memref<1x624x128xf32, #tpu.memory_space<hbm>>
        %dma_wait3A_34 = tpu.memref_squeeze %dma_wait3A_33 : memref<1x624x128xf32, #tpu.memory_space<hbm>> -> memref<624x128xf32, #tpu.memory_space<hbm>>
        %dma_wait3A_35 = arith.constant 0 : i32
        %dma_wait3A_36 = tpu.memref_slice %arg8[%mul3A_26, %dma_wait3A_35] : memref<10000x128xf32, #tpu.memory_space<vmem_shared>> -> memref<624x128xf32, #tpu.memory_space<vmem_shared>>
        tpu.wait_dma2 semaphore(%run_scoped3A : memref<!tpu.dma_semaphore, #tpu.memory_space<semaphore_mem>>) src(%dma_wait3A_36 : memref<624x128xf32, #tpu.memory_space<vmem_shared>>) dst(%dma_wait3A_34 : memref<624x128xf32, #tpu.memory_space<hbm>>)
        tpu.yield
      }) : () -> ()
    } else {
    }
    %eq3A_20 = arith.constant 15 : i32
    %eq3A_21 = arith.cmpi eq, %arg1, %eq3A_20 : i32
    %convert_element_type3A_22 = arith.extui %eq3A_21 : i1 to i32
    %cond3A_23 = arith.constant 0 : i32
    %cond3A_24 = arith.cmpi ne, %convert_element_type3A_22, %cond3A_23 : i32
    scf.if %cond3A_24 {
      %mul3A_25 = arith.constant 624 : i32
      %mul3A_26 = arith.muli %arg1, %mul3A_25 : i32
      %mul3A_27 = arith.constant 624 : i32
      %mul3A_28 = arith.muli %arg1, %mul3A_27 : i32
      "tpu.region"() ({
        %run_scoped3A = tpu.sem_alloc : memref<!tpu.dma_semaphore, #tpu.memory_space<semaphore_mem>>
        %dma_start3A = arith.constant 0 : i32
        %dma_start3A_29 = tpu.memref_slice %arg5[%arg0, %mul3A_28, %dma_start3A] : memref<2x10000x128xf32, #tpu.memory_space<hbm>> -> memref<1x640x128xf32, #tpu.memory_space<hbm>>
        %dma_start3A_30 = tpu.memref_squeeze %dma_start3A_29 : memref<1x640x128xf32, #tpu.memory_space<hbm>> -> memref<640x128xf32, #tpu.memory_space<hbm>>
        %dma_start3A_31 = arith.constant 0 : i32
        %dma_start3A_32 = tpu.memref_slice %arg8[%mul3A_26, %dma_start3A_31] : memref<10000x128xf32, #tpu.memory_space<vmem_shared>> -> memref<640x128xf32, #tpu.memory_space<vmem_shared>>
        tpu.enqueue_dma source(%dma_start3A_32 : memref<640x128xf32, #tpu.memory_space<vmem_shared>>) target(%dma_start3A_30 : memref<640x128xf32, #tpu.memory_space<hbm>>) target_semaphore(%run_scoped3A : memref<!tpu.dma_semaphore, #tpu.memory_space<semaphore_mem>>)
        %dma_wait3A = arith.constant 0 : i32
        %dma_wait3A_33 = tpu.memref_slice %arg5[%arg0, %mul3A_28, %dma_wait3A] : memref<2x10000x128xf32, #tpu.memory_space<hbm>> -> memref<1x640x128xf32, #tpu.memory_space<hbm>>
        %dma_wait3A_34 = tpu.memref_squeeze %dma_wait3A_33 : memref<1x640x128xf32, #tpu.memory_space<hbm>> -> memref<640x128xf32, #tpu.memory_space<hbm>>
        %dma_wait3A_35 = arith.constant 0 : i32
        %dma_wait3A_36 = tpu.memref_slice %arg8[%mul3A_26, %dma_wait3A_35] : memref<10000x128xf32, #tpu.memory_space<vmem_shared>> -> memref<640x128xf32, #tpu.memory_space<vmem_shared>>
        tpu.wait_dma2 semaphore(%run_scoped3A : memref<!tpu.dma_semaphore, #tpu.memory_space<semaphore_mem>>) src(%dma_wait3A_36 : memref<640x128xf32, #tpu.memory_space<vmem_shared>>) dst(%dma_wait3A_34 : memref<640x128xf32, #tpu.memory_space<hbm>>)
        tpu.yield
      }) : () -> ()
    } else {
    }
    return
  }
}

module attributes {stable_mosaic.version = 14 : i64} {
  func.func @_init_body(%arg0: i32, %arg1: memref<2000x1xi32, #tpu.memory_space<vmem>>, %arg2: memref<2000x1xi32, #tpu.memory_space<vmem>>, %arg3: memref<11x128xf32, #tpu.memory_space<vmem>>, %arg4: memref<2x64xf32, #tpu.memory_space<vmem>>, %arg5: memref<64x128xf32, #tpu.memory_space<vmem>>, %arg6: memref<128x128xf32, #tpu.memory_space<vmem>>, %arg7: memref<1x128xf32, #tpu.memory_space<vmem>>, %arg8: memref<2000x128xf32, #tpu.memory_space<vmem>>) attributes {dimension_semantics = [#tpu.dimension_semantics<arbitrary>], iteration_bounds = array<i64: 5>, scalar_prefetch = 0 : i64, scratch_operands = 0 : i64, tpu.core_type = #tpu.core_type<tc>, window_params = [{transform_indices = @transform_0, window_bounds = array<i64: 2000, 1>}, {transform_indices = @transform_1, window_bounds = array<i64: 2000, 1>}, {pipeline_mode = #tpu.pipeline_mode<synchronous>, transform_indices = @transform_2, window_bounds = array<i64: 11, 128>}, {pipeline_mode = #tpu.pipeline_mode<synchronous>, transform_indices = @transform_3, window_bounds = array<i64: 2, 64>}, {pipeline_mode = #tpu.pipeline_mode<synchronous>, transform_indices = @transform_4, window_bounds = array<i64: 64, 128>}, {pipeline_mode = #tpu.pipeline_mode<synchronous>, transform_indices = @transform_5, window_bounds = array<i64: 128, 128>}, {pipeline_mode = #tpu.pipeline_mode<synchronous>, transform_indices = @transform_6, window_bounds = array<i64: 1, 128>}, {transform_indices = @transform_7, window_bounds = array<i64: 2000, 128>}]} {
    %get3A = arith.constant 0 : index
    %get3A_0 = arith.constant 0 : index
    %get3A_1 = vector.load %arg1[%get3A, %get3A_0] : memref<2000x1xi32, #tpu.memory_space<vmem>>, vector<2000x1xi32>
    %get3A_2 = arith.constant 0 : index
    %get3A_3 = arith.constant 0 : index
    %get3A_4 = vector.load %arg2[%get3A_2, %get3A_3] : memref<2000x1xi32, #tpu.memory_space<vmem>>, vector<2000x1xi32>
    %iota3A = tpu.iota {dimensions = array<i32: 1>} : vector<2000x11xi32>
    %eq3A = vector.broadcast %get3A_1 : vector<2000x1xi32> to vector<2000x11xi32>
    %eq3A_5 = arith.cmpi eq, %eq3A, %iota3A : vector<2000x11xi32>
    %convert_element_type3A = arith.extui %eq3A_5 : vector<2000x11xi1> to vector<2000x11xi32>
    %convert_element_type3A_6 = arith.sitofp %convert_element_type3A : vector<2000x11xi32> to vector<2000x11xf32>
    %iota3A_7 = tpu.iota {dimensions = array<i32: 1>} : vector<2000x2xi32>
    %eq3A_8 = vector.broadcast %get3A_4 : vector<2000x1xi32> to vector<2000x2xi32>
    %eq3A_9 = arith.cmpi eq, %eq3A_8, %iota3A_7 : vector<2000x2xi32>
    %convert_element_type3A_10 = arith.extui %eq3A_9 : vector<2000x2xi1> to vector<2000x2xi32>
    %convert_element_type3A_11 = arith.sitofp %convert_element_type3A_10 : vector<2000x2xi32> to vector<2000x2xf32>
    %get3A_12 = arith.constant 0 : index
    %get3A_13 = arith.constant 0 : index
    %get3A_14 = vector.load %arg3[%get3A_12, %get3A_13] : memref<11x128xf32, #tpu.memory_space<vmem>>, vector<11x128xf32>
    %dot_general3A = arith.constant dense<0.000000e+00> : vector<2000x128xf32>
    %dot_general3A_15 = tpu.matmul %convert_element_type3A_6, %get3A_14, %dot_general3A {dimension_numbers = #tpu.dot_dimension_numbers<[1], [0], [0], [1], [0, 0, 1, 1], [], []>, transpose_lhs_hint = false} : vector<2000x11xf32>, vector<11x128xf32>, vector<2000x128xf32> -> vector<2000x128xf32>
    %get3A_16 = arith.constant 0 : index
    %get3A_17 = arith.constant 0 : index
    %get3A_18 = vector.load %arg4[%get3A_16, %get3A_17] : memref<2x64xf32, #tpu.memory_space<vmem>>, vector<2x64xf32>
    %dot_general3A_19 = arith.constant dense<0.000000e+00> : vector<2000x64xf32>
    %dot_general3A_20 = tpu.matmul %convert_element_type3A_11, %get3A_18, %dot_general3A_19 {dimension_numbers = #tpu.dot_dimension_numbers<[1], [0], [0], [1], [0, 0, 1, 1], [], []>, transpose_lhs_hint = false} : vector<2000x2xf32>, vector<2x64xf32>, vector<2000x64xf32> -> vector<2000x64xf32>
    %get3A_21 = arith.constant 0 : index
    %get3A_22 = arith.constant 0 : index
    %get3A_23 = vector.load %arg5[%get3A_21, %get3A_22] : memref<64x128xf32, #tpu.memory_space<vmem>>, vector<64x128xf32>
    %dot_general3A_24 = arith.constant dense<0.000000e+00> : vector<2000x128xf32>
    %dot_general3A_25 = tpu.matmul %dot_general3A_20, %get3A_23, %dot_general3A_24 {dimension_numbers = #tpu.dot_dimension_numbers<[1], [0], [0], [1], [0, 0, 1, 1], [], []>, transpose_lhs_hint = false} : vector<2000x64xf32>, vector<64x128xf32>, vector<2000x128xf32> -> vector<2000x128xf32>
    %get3A_26 = arith.constant 0 : index
    %get3A_27 = arith.constant 0 : index
    %get3A_28 = vector.load %arg6[%get3A_26, %get3A_27] : memref<128x128xf32, #tpu.memory_space<vmem>>, vector<128x128xf32>
    %dot_general3A_29 = arith.constant dense<0.000000e+00> : vector<2000x128xf32>
    %dot_general3A_30 = tpu.matmul %dot_general3A_15, %get3A_28, %dot_general3A_29 {dimension_numbers = #tpu.dot_dimension_numbers<[1], [0], [0], [1], [0, 0, 1, 1], [], []>, transpose_lhs_hint = false} : vector<2000x128xf32>, vector<128x128xf32>, vector<2000x128xf32> -> vector<2000x128xf32>
    %add3A = arith.addf %dot_general3A_25, %dot_general3A_30 : vector<2000x128xf32>
    %get3A_31 = arith.constant 0 : index
    %get3A_32 = arith.constant 0 : index
    %get3A_33 = vector.load %arg7[%get3A_31, %get3A_32] : memref<1x128xf32, #tpu.memory_space<vmem>>, vector<1x128xf32>
    %add3A_34 = vector.broadcast %get3A_33 : vector<1x128xf32> to vector<2000x128xf32>
    %add3A_35 = arith.addf %add3A, %add3A_34 : vector<2000x128xf32>
    %logistic3A = arith.negf %add3A_35 : vector<2000x128xf32>
    %logistic3A_36 = math.exp %logistic3A : vector<2000x128xf32>
    %logistic3A_37 = arith.constant 1.000000e+00 : f32
    %logistic3A_38 = vector.broadcast %logistic3A_37 : f32 to vector<2000x128xf32>
    %logistic3A_39 = arith.addf %logistic3A_38, %logistic3A_36 : vector<2000x128xf32>
    %logistic3A_40 = arith.divf %logistic3A_38, %logistic3A_39 : vector<2000x128xf32>
    %mul3A = arith.mulf %add3A_35, %logistic3A_40 : vector<2000x128xf32>
    %swap3A = arith.constant 0 : index
    %swap3A_41 = arith.constant 0 : index
    %swap3A_42 = vector.load %arg8[%swap3A, %swap3A_41] : memref<2000x128xf32, #tpu.memory_space<vmem>>, vector<2000x128xf32>
    tpu.vector_store %arg8[%swap3A, %swap3A_41], %mul3A {strides = array<i32>} : memref<2000x128xf32, #tpu.memory_space<vmem>>, vector<2000x128xf32>,
    return
  }
  func.func @transform_0(%arg0: i32) -> (i32, i32) {
    %c0_i32 = arith.constant 0 : i32
    %c0_i32_0 = arith.constant 0 : i32
    return %arg0, %c0_i32 : i32, i32
  }
  func.func @transform_1(%arg0: i32) -> (i32, i32) {
    %c0_i32 = arith.constant 0 : i32
    %c0_i32_0 = arith.constant 0 : i32
    return %arg0, %c0_i32 : i32, i32
  }
  func.func @transform_2(%arg0: i32) -> (i32, i32) {
    %c0_i32 = arith.constant 0 : i32
    %c0_i32_0 = arith.constant 0 : i32
    %c0_i32_1 = arith.constant 0 : i32
    return %c0_i32, %c0_i32_0 : i32, i32
  }
  func.func @transform_3(%arg0: i32) -> (i32, i32) {
    %c0_i32 = arith.constant 0 : i32
    %c0_i32_0 = arith.constant 0 : i32
    %c0_i32_1 = arith.constant 0 : i32
    return %c0_i32, %c0_i32_0 : i32, i32
  }
  func.func @transform_4(%arg0: i32) -> (i32, i32) {
    %c0_i32 = arith.constant 0 : i32
    %c0_i32_0 = arith.constant 0 : i32
    %c0_i32_1 = arith.constant 0 : i32
    return %c0_i32, %c0_i32_0 : i32, i32
  }
  func.func @transform_5(%arg0: i32) -> (i32, i32) {
    %c0_i32 = arith.constant 0 : i32
    %c0_i32_0 = arith.constant 0 : i32
    %c0_i32_1 = arith.constant 0 : i32
    return %c0_i32, %c0_i32_0 : i32, i32
  }
  func.func @transform_6(%arg0: i32) -> (i32, i32) {
    %c0_i32 = arith.constant 0 : i32
    %c0_i32_0 = arith.constant 0 : i32
    %c0_i32_1 = arith.constant 0 : i32
    return %c0_i32, %c0_i32_0 : i32, i32
  }
  func.func @transform_7(%arg0: i32) -> (i32, i32) {
    %c0_i32 = arith.constant 0 : i32
    %c0_i32_0 = arith.constant 0 : i32
    return %arg0, %c0_i32 : i32, i32
  }
}

module attributes {stable_mosaic.version = 14 : i64} {
  func.func @_edge_body(%arg0: i32, %arg1: memref<2048x128xf32, #tpu.memory_space<vmem>>, %arg2: memref<2048x128xf32, #tpu.memory_space<vmem>>, %arg3: memref<2048x16xf32, #tpu.memory_space<vmem>>, %arg4: memref<2048x16xf32, #tpu.memory_space<vmem>>, %arg5: memref<128x530xf32, #tpu.memory_space<vmem>>, %arg6: memref<128x530xf32, #tpu.memory_space<vmem>>, %arg7: memref<16x530xf32, #tpu.memory_space<vmem>>, %arg8: memref<1x530xf32, #tpu.memory_space<vmem>>, %arg9: memref<530x64xf32, #tpu.memory_space<vmem>>, %arg10: memref<1x64xf32, #tpu.memory_space<vmem>>, %arg11: memref<64x256xf32, #tpu.memory_space<vmem>>, %arg12: memref<1x256xf32, #tpu.memory_space<vmem>>, %arg13: memref<256x1xf32, #tpu.memory_space<vmem>>, %arg14: memref<1x1xf32, #tpu.memory_space<vmem>>, %arg15: memref<2048x128xf32, #tpu.memory_space<vmem>>) attributes {dimension_semantics = [#tpu.dimension_semantics<arbitrary>], iteration_bounds = array<i64: 160>, scalar_prefetch = 0 : i64, scratch_operands = 0 : i64, tpu.core_type = #tpu.core_type<tc>, window_params = [{transform_indices = @transform_0, window_bounds = array<i64: 2048, 128>}, {transform_indices = @transform_1, window_bounds = array<i64: 2048, 128>}, {transform_indices = @transform_2, window_bounds = array<i64: 2048, 16>}, {transform_indices = @transform_3, window_bounds = array<i64: 2048, 16>}, {pipeline_mode = #tpu.pipeline_mode<synchronous>, transform_indices = @transform_4, window_bounds = array<i64: 128, 530>}, {pipeline_mode = #tpu.pipeline_mode<synchronous>, transform_indices = @transform_5, window_bounds = array<i64: 128, 530>}, {pipeline_mode = #tpu.pipeline_mode<synchronous>, transform_indices = @transform_6, window_bounds = array<i64: 16, 530>}, {pipeline_mode = #tpu.pipeline_mode<synchronous>, transform_indices = @transform_7, window_bounds = array<i64: 1, 530>}, {pipeline_mode = #tpu.pipeline_mode<synchronous>, transform_indices = @transform_8, window_bounds = array<i64: 530, 64>}, {pipeline_mode = #tpu.pipeline_mode<synchronous>, transform_indices = @transform_9, window_bounds = array<i64: 1, 64>}, {pipeline_mode = #tpu.pipeline_mode<synchronous>, transform_indices = @transform_10, window_bounds = array<i64: 64, 256>}, {pipeline_mode = #tpu.pipeline_mode<synchronous>, transform_indices = @transform_11, window_bounds = array<i64: 1, 256>}, {pipeline_mode = #tpu.pipeline_mode<synchronous>, transform_indices = @transform_12, window_bounds = array<i64: 256, 1>}, {pipeline_mode = #tpu.pipeline_mode<synchronous>, transform_indices = @transform_13, window_bounds = array<i64: 1, 1>}, {transform_indices = @transform_14, window_bounds = array<i64: 2048, 128>}]} {
    %get3A = arith.constant 0 : index
    %get3A_0 = arith.constant 0 : index
    %get3A_1 = vector.load %arg1[%get3A, %get3A_0] : memref<2048x128xf32, #tpu.memory_space<vmem>>, vector<2048x128xf32>
    %get3A_2 = arith.constant 0 : index
    %get3A_3 = arith.constant 0 : index
    %get3A_4 = vector.load %arg2[%get3A_2, %get3A_3] : memref<2048x128xf32, #tpu.memory_space<vmem>>, vector<2048x128xf32>
    %get3A_5 = arith.constant 0 : index
    %get3A_6 = arith.constant 0 : index
    %get3A_7 = vector.load %arg3[%get3A_5, %get3A_6] : memref<2048x16xf32, #tpu.memory_space<vmem>>, vector<2048x16xf32>
    %get3A_8 = arith.constant 0 : index
    %get3A_9 = arith.constant 0 : index
    %get3A_10 = vector.load %arg4[%get3A_8, %get3A_9] : memref<2048x16xf32, #tpu.memory_space<vmem>>, vector<2048x16xf32>
    %sub3A = arith.subf %get3A_7, %get3A_10 : vector<2048x16xf32>
    %mul3A = arith.mulf %sub3A, %sub3A : vector<2048x16xf32>
    %reduce_sum3A = arith.constant dense<0.000000e+00> : vector<2048xf32>
    %reduce_sum3A_11 = vector.multi_reduction <add>, %mul3A, %reduce_sum3A [1] : vector<2048x16xf32> to vector<2048xf32>
    %broadcast_in_dim3A = vector.shape_cast %reduce_sum3A_11 : vector<2048xf32> to vector<2048x1xf32>
    %mul3A_12 = arith.constant 1.000000e+00 : f32
    %mul3A_13 = vector.broadcast %mul3A_12 : f32 to vector<2048x1xf32>
    %mul3A_14 = arith.mulf %broadcast_in_dim3A, %mul3A_13 : vector<2048x1xf32>
    %mul3A_15 = arith.constant 5.000000e-01 : f32
    %mul3A_16 = vector.broadcast %mul3A_15 : f32 to vector<2048x1xf32>
    %mul3A_17 = arith.mulf %broadcast_in_dim3A, %mul3A_16 : vector<2048x1xf32>
    %mul3A_18 = arith.constant 2.500000e-01 : f32
    %mul3A_19 = vector.broadcast %mul3A_18 : f32 to vector<2048x1xf32>
    %mul3A_20 = arith.mulf %broadcast_in_dim3A, %mul3A_19 : vector<2048x1xf32>
    %mul3A_21 = arith.constant 1.250000e-01 : f32
    %mul3A_22 = vector.broadcast %mul3A_21 : f32 to vector<2048x1xf32>
    %mul3A_23 = arith.mulf %broadcast_in_dim3A, %mul3A_22 : vector<2048x1xf32>
    %concatenate3A = tpu.concatenate %mul3A_14, %mul3A_17, %mul3A_20, %mul3A_23 in 1 : vector<2048x1xf32>, vector<2048x1xf32>, vector<2048x1xf32>, vector<2048x1xf32> -> vector<2048x4xf32>
    %sin3A = math.sin %concatenate3A : vector<2048x4xf32>
    %cos3A = math.cos %concatenate3A : vector<2048x4xf32>
    %broadcast_in_dim3A_24 = arith.constant 0.000000e+00 : f32
    %broadcast_in_dim3A_25 = vector.broadcast %broadcast_in_dim3A_24 : f32 to vector<2048x7xf32>
    %concatenate3A_26 = tpu.concatenate %sin3A, %cos3A, %broadcast_in_dim3A, %broadcast_in_dim3A_25 in 1 : vector<2048x4xf32>, vector<2048x4xf32>, vector<2048x1xf32>, vector<2048x7xf32> -> vector<2048x16xf32>
    %get3A_27 = arith.constant 0 : index
    %get3A_28 = arith.constant 0 : index
    %get3A_29 = vector.load %arg5[%get3A_27, %get3A_28] : memref<128x530xf32, #tpu.memory_space<vmem>>, vector<128x530xf32>
    %dot_general3A = arith.constant dense<0.000000e+00> : vector<2048x530xf32>
    %dot_general3A_30 = tpu.matmul %get3A_4, %get3A_29, %dot_general3A {dimension_numbers = #tpu.dot_dimension_numbers<[1], [0], [0], [1], [0, 0, 1, 1], [], []>, transpose_lhs_hint = false} : vector<2048x128xf32>, vector<128x530xf32>, vector<2048x530xf32> -> vector<2048x530xf32>
    %get3A_31 = arith.constant 0 : index
    %get3A_32 = arith.constant 0 : index
    %get3A_33 = vector.load %arg6[%get3A_31, %get3A_32] : memref<128x530xf32, #tpu.memory_space<vmem>>, vector<128x530xf32>
    %dot_general3A_34 = arith.constant dense<0.000000e+00> : vector<2048x530xf32>
    %dot_general3A_35 = tpu.matmul %get3A_1, %get3A_33, %dot_general3A_34 {dimension_numbers = #tpu.dot_dimension_numbers<[1], [0], [0], [1], [0, 0, 1, 1], [], []>, transpose_lhs_hint = false} : vector<2048x128xf32>, vector<128x530xf32>, vector<2048x530xf32> -> vector<2048x530xf32>
    %add3A = arith.addf %dot_general3A_30, %dot_general3A_35 : vector<2048x530xf32>
    %get3A_36 = arith.constant 0 : index
    %get3A_37 = arith.constant 0 : index
    %get3A_38 = vector.load %arg7[%get3A_36, %get3A_37] : memref<16x530xf32, #tpu.memory_space<vmem>>, vector<16x530xf32>
    %dot_general3A_39 = arith.constant dense<0.000000e+00> : vector<2048x530xf32>
    %dot_general3A_40 = tpu.matmul %concatenate3A_26, %get3A_38, %dot_general3A_39 {dimension_numbers = #tpu.dot_dimension_numbers<[1], [0], [0], [1], [0, 0, 1, 1], [], []>, transpose_lhs_hint = false} : vector<2048x16xf32>, vector<16x530xf32>, vector<2048x530xf32> -> vector<2048x530xf32>
    %add3A_41 = arith.addf %add3A, %dot_general3A_40 : vector<2048x530xf32>
    %get3A_42 = arith.constant 0 : index
    %get3A_43 = arith.constant 0 : index
    %get3A_44 = vector.load %arg8[%get3A_42, %get3A_43] : memref<1x530xf32, #tpu.memory_space<vmem>>, vector<1x530xf32>
    %add3A_45 = vector.broadcast %get3A_44 : vector<1x530xf32> to vector<2048x530xf32>
    %add3A_46 = arith.addf %add3A_41, %add3A_45 : vector<2048x530xf32>
    %logistic3A = arith.negf %add3A_46 : vector<2048x530xf32>
    %logistic3A_47 = math.exp %logistic3A : vector<2048x530xf32>
    %logistic3A_48 = arith.constant 1.000000e+00 : f32
    %logistic3A_49 = vector.broadcast %logistic3A_48 : f32 to vector<2048x530xf32>
    %logistic3A_50 = arith.addf %logistic3A_49, %logistic3A_47 : vector<2048x530xf32>
    %logistic3A_51 = arith.divf %logistic3A_49, %logistic3A_50 : vector<2048x530xf32>
    %mul3A_52 = arith.mulf %add3A_46, %logistic3A_51 : vector<2048x530xf32>
    %get3A_53 = arith.constant 0 : index
    %get3A_54 = arith.constant 0 : index
    %get3A_55 = vector.load %arg9[%get3A_53, %get3A_54] : memref<530x64xf32, #tpu.memory_space<vmem>>, vector<530x64xf32>
    %dot_general3A_56 = arith.constant dense<0.000000e+00> : vector<2048x64xf32>
    %dot_general3A_57 = tpu.matmul %mul3A_52, %get3A_55, %dot_general3A_56 {dimension_numbers = #tpu.dot_dimension_numbers<[1], [0], [0], [1], [0, 0, 1, 1], [], []>, transpose_lhs_hint = false} : vector<2048x530xf32>, vector<530x64xf32>, vector<2048x64xf32> -> vector<2048x64xf32>
    %get3A_58 = arith.constant 0 : index
    %get3A_59 = arith.constant 0 : index
    %get3A_60 = vector.load %arg10[%get3A_58, %get3A_59] : memref<1x64xf32, #tpu.memory_space<vmem>>, vector<1x64xf32>
    %add3A_61 = vector.broadcast %get3A_60 : vector<1x64xf32> to vector<2048x64xf32>
    %add3A_62 = arith.addf %dot_general3A_57, %add3A_61 : vector<2048x64xf32>
    %logistic3A_63 = arith.negf %add3A_62 : vector<2048x64xf32>
    %logistic3A_64 = math.exp %logistic3A_63 : vector<2048x64xf32>
    %logistic3A_65 = arith.constant 1.000000e+00 : f32
    %logistic3A_66 = vector.broadcast %logistic3A_65 : f32 to vector<2048x64xf32>
    %logistic3A_67 = arith.addf %logistic3A_66, %logistic3A_64 : vector<2048x64xf32>
    %logistic3A_68 = arith.divf %logistic3A_66, %logistic3A_67 : vector<2048x64xf32>
    %mul3A_69 = arith.mulf %add3A_62, %logistic3A_68 : vector<2048x64xf32>
    %get3A_70 = arith.constant 0 : index
    %get3A_71 = arith.constant 0 : index
    %get3A_72 = vector.load %arg11[%get3A_70, %get3A_71] : memref<64x256xf32, #tpu.memory_space<vmem>>, vector<64x256xf32>
    %dot_general3A_73 = arith.constant dense<0.000000e+00> : vector<2048x256xf32>
    %dot_general3A_74 = tpu.matmul %mul3A_69, %get3A_72, %dot_general3A_73 {dimension_numbers = #tpu.dot_dimension_numbers<[1], [0], [0], [1], [0, 0, 1, 1], [], []>, transpose_lhs_hint = false} : vector<2048x64xf32>, vector<64x256xf32>, vector<2048x256xf32> -> vector<2048x256xf32>
    %get3A_75 = arith.constant 0 : index
    %get3A_76 = arith.constant 0 : index
    %get3A_77 = vector.load %arg12[%get3A_75, %get3A_76] : memref<1x256xf32, #tpu.memory_space<vmem>>, vector<1x256xf32>
    %add3A_78 = vector.broadcast %get3A_77 : vector<1x256xf32> to vector<2048x256xf32>
    %add3A_79 = arith.addf %dot_general3A_74, %add3A_78 : vector<2048x256xf32>
    %logistic3A_80 = arith.negf %add3A_79 : vector<2048x256xf32>
    %logistic3A_81 = math.exp %logistic3A_80 : vector<2048x256xf32>
    %logistic3A_82 = arith.constant 1.000000e+00 : f32
    %logistic3A_83 = vector.broadcast %logistic3A_82 : f32 to vector<2048x256xf32>
    %logistic3A_84 = arith.addf %logistic3A_83, %logistic3A_81 : vector<2048x256xf32>
    %logistic3A_85 = arith.divf %logistic3A_83, %logistic3A_84 : vector<2048x256xf32>
    %mul3A_86 = arith.mulf %add3A_79, %logistic3A_85 : vector<2048x256xf32>
    %get3A_87 = arith.constant 0 : index
    %get3A_88 = arith.constant 0 : index
    %get3A_89 = vector.load %arg13[%get3A_87, %get3A_88] : memref<256x1xf32, #tpu.memory_space<vmem>>, vector<256x1xf32>
    %dot_general3A_90 = arith.constant dense<0.000000e+00> : vector<2048x1xf32>
    %dot_general3A_91 = tpu.matmul %mul3A_86, %get3A_89, %dot_general3A_90 {dimension_numbers = #tpu.dot_dimension_numbers<[1], [0], [0], [1], [0, 0, 1, 1], [], []>, transpose_lhs_hint = false} : vector<2048x256xf32>, vector<256x1xf32>, vector<2048x1xf32> -> vector<2048x1xf32>
    %get3A_92 = arith.constant 0 : index
    %get3A_93 = arith.constant 0 : index
    %get3A_94 = vector.load %arg14[%get3A_92, %get3A_93] : memref<1x1xf32, #tpu.memory_space<vmem>>, vector<1x1xf32>
    %add3A_95 = vector.broadcast %get3A_94 : vector<1x1xf32> to vector<2048x1xf32>
    %add3A_96 = arith.addf %dot_general3A_91, %add3A_95 : vector<2048x1xf32>
    %mul3A_97 = vector.broadcast %add3A_96 : vector<2048x1xf32> to vector<2048x16xf32>
    %mul3A_98 = arith.mulf %mul3A_97, %sub3A : vector<2048x16xf32>
    %mul3A_99 = arith.constant 2048 : i32
    %mul3A_100 = arith.muli %arg0, %mul3A_99 : i32
    %iota3A = tpu.iota {dimensions = array<i32: 0>} : vector<2048x1xi32>
    %add3A_101 = vector.broadcast %mul3A_100 : i32 to vector<2048x1xi32>
    %add3A_102 = arith.addi %add3A_101, %iota3A : vector<2048x1xi32>
    %lt3A = arith.constant 320000 : i32
    %lt3A_103 = vector.broadcast %lt3A : i32 to vector<2048x1xi32>
    %lt3A_104 = arith.cmpi slt, %add3A_102, %lt3A_103 : vector<2048x1xi32>
    %convert_element_type3A = arith.extui %lt3A_104 : vector<2048x1xi1> to vector<2048x1xi32>
    %convert_element_type3A_105 = arith.sitofp %convert_element_type3A : vector<2048x1xi32> to vector<2048x1xf32>
    %broadcast_in_dim3A_106 = arith.constant 0.000000e+00 : f32
    %broadcast_in_dim3A_107 = vector.broadcast %broadcast_in_dim3A_106 : f32 to vector<2048x48xf32>
    %concatenate3A_108 = tpu.concatenate %mul3A_69, %mul3A_98, %broadcast_in_dim3A_107 in 1 : vector<2048x64xf32>, vector<2048x16xf32>, vector<2048x48xf32> -> vector<2048x128xf32>
    %mul3A_109 = vector.broadcast %convert_element_type3A_105 : vector<2048x1xf32> to vector<2048x128xf32>
    %mul3A_110 = arith.mulf %concatenate3A_108, %mul3A_109 : vector<2048x128xf32>
    %iota3A_111 = tpu.iota {dimensions = array<i32: 1>} : vector<2048x128xi32>
    %eq3A = arith.constant 67 : i32
    %eq3A_112 = vector.broadcast %eq3A : i32 to vector<2048x128xi32>
    %eq3A_113 = arith.cmpi eq, %iota3A_111, %eq3A_112 : vector<2048x128xi32>
    %jit3A = arith.constant 0.000000e+00 : f32
    %broadcast_in_dim3A_114 = vector.shape_cast %convert_element_type3A_105 : vector<2048x1xf32> to vector<2048x1xf32>
    %broadcast_in_dim3A_115 = vector.broadcast %broadcast_in_dim3A_114 : vector<2048x1xf32> to vector<2048x128xf32>
    %broadcast_in_dim3A_116 = vector.broadcast %jit3A : f32 to vector<2048x128xf32>
    %select_n3A = arith.select %eq3A_113, %broadcast_in_dim3A_115, %broadcast_in_dim3A_116 : vector<2048x128xi1>, vector<2048x128xf32>
    %add3A_117 = arith.addf %mul3A_110, %select_n3A : vector<2048x128xf32>
    %swap3A = arith.constant 0 : index
    %swap3A_118 = arith.constant 0 : index
    %swap3A_119 = vector.load %arg15[%swap3A, %swap3A_118] : memref<2048x128xf32, #tpu.memory_space<vmem>>, vector<2048x128xf32>
    tpu.vector_store %arg15[%swap3A, %swap3A_118], %add3A_117 {strides = array<i32>} : memref<2048x128xf32, #tpu.memory_space<vmem>>, vector<2048x128xf32>,
    return
  }
  func.func @transform_0(%arg0: i32) -> (i32, i32) {
    %c0_i32 = arith.constant 0 : i32
    %c0_i32_0 = arith.constant 0 : i32
    return %arg0, %c0_i32 : i32, i32
  }
  func.func @transform_1(%arg0: i32) -> (i32, i32) {
    %c0_i32 = arith.constant 0 : i32
    %c0_i32_0 = arith.constant 0 : i32
    return %arg0, %c0_i32 : i32, i32
  }
  func.func @transform_2(%arg0: i32) -> (i32, i32) {
    %c0_i32 = arith.constant 0 : i32
    %c0_i32_0 = arith.constant 0 : i32
    return %arg0, %c0_i32 : i32, i32
  }
  func.func @transform_3(%arg0: i32) -> (i32, i32) {
    %c0_i32 = arith.constant 0 : i32
    %c0_i32_0 = arith.constant 0 : i32
    return %arg0, %c0_i32 : i32, i32
  }
  func.func @transform_4(%arg0: i32) -> (i32, i32) {
    %c0_i32 = arith.constant 0 : i32
    %c0_i32_0 = arith.constant 0 : i32
    %c0_i32_1 = arith.constant 0 : i32
    return %c0_i32, %c0_i32_0 : i32, i32
  }
  func.func @transform_5(%arg0: i32) -> (i32, i32) {
    %c0_i32 = arith.constant 0 : i32
    %c0_i32_0 = arith.constant 0 : i32
    %c0_i32_1 = arith.constant 0 : i32
    return %c0_i32, %c0_i32_0 : i32, i32
  }
  func.func @transform_6(%arg0: i32) -> (i32, i32) {
    %c0_i32 = arith.constant 0 : i32
    %c0_i32_0 = arith.constant 0 : i32
    %c0_i32_1 = arith.constant 0 : i32
    return %c0_i32, %c0_i32_0 : i32, i32
  }
  func.func @transform_7(%arg0: i32) -> (i32, i32) {
    %c0_i32 = arith.constant 0 : i32
    %c0_i32_0 = arith.constant 0 : i32
    %c0_i32_1 = arith.constant 0 : i32
    return %c0_i32, %c0_i32_0 : i32, i32
  }
  func.func @transform_8(%arg0: i32) -> (i32, i32) {
    %c0_i32 = arith.constant 0 : i32
    %c0_i32_0 = arith.constant 0 : i32
    %c0_i32_1 = arith.constant 0 : i32
    return %c0_i32, %c0_i32_0 : i32, i32
  }
  func.func @transform_9(%arg0: i32) -> (i32, i32) {
    %c0_i32 = arith.constant 0 : i32
    %c0_i32_0 = arith.constant 0 : i32
    %c0_i32_1 = arith.constant 0 : i32
    return %c0_i32, %c0_i32_0 : i32, i32
  }
  func.func @transform_10(%arg0: i32) -> (i32, i32) {
    %c0_i32 = arith.constant 0 : i32
    %c0_i32_0 = arith.constant 0 : i32
    %c0_i32_1 = arith.constant 0 : i32
    return %c0_i32, %c0_i32_0 : i32, i32
  }
  func.func @transform_11(%arg0: i32) -> (i32, i32) {
    %c0_i32 = arith.constant 0 : i32
    %c0_i32_0 = arith.constant 0 : i32
    %c0_i32_1 = arith.constant 0 : i32
    return %c0_i32, %c0_i32_0 : i32, i32
  }
  func.func @transform_12(%arg0: i32) -> (i32, i32) {
    %c0_i32 = arith.constant 0 : i32
    %c0_i32_0 = arith.constant 0 : i32
    %c0_i32_1 = arith.constant 0 : i32
    return %c0_i32, %c0_i32_0 : i32, i32
  }
  func.func @transform_13(%arg0: i32) -> (i32, i32) {
    %c0_i32 = arith.constant 0 : i32
    %c0_i32_0 = arith.constant 0 : i32
    %c0_i32_1 = arith.constant 0 : i32
    return %c0_i32, %c0_i32_0 : i32, i32
  }
  func.func @transform_14(%arg0: i32) -> (i32, i32) {
    %c0_i32 = arith.constant 0 : i32
    %c0_i32_0 = arith.constant 0 : i32
    return %arg0, %c0_i32 : i32, i32
  }
}

module attributes {stable_mosaic.version = 14 : i64} {
  func.func @_node_body(%arg0: i32, %arg1: memref<2000x128xf32, #tpu.memory_space<vmem>>, %arg2: memref<2000x16xf32, #tpu.memory_space<vmem>>, %arg3: memref<2x2000x128xf32, #tpu.memory_space<vmem>>, %arg4: memref<128x256xf32, #tpu.memory_space<vmem>>, %arg5: memref<64x256xf32, #tpu.memory_space<vmem>>, %arg6: memref<1x256xf32, #tpu.memory_space<vmem>>, %arg7: memref<256x128xf32, #tpu.memory_space<vmem>>, %arg8: memref<1x128xf32, #tpu.memory_space<vmem>>, %arg9: memref<2000x128xf32, #tpu.memory_space<vmem>>, %arg10: memref<2000x16xf32, #tpu.memory_space<vmem>>) attributes {dimension_semantics = [#tpu.dimension_semantics<arbitrary>], iteration_bounds = array<i64: 5>, scalar_prefetch = 0 : i64, scratch_operands = 0 : i64, tpu.core_type = #tpu.core_type<tc>, window_params = [{transform_indices = @transform_0, window_bounds = array<i64: 2000, 128>}, {transform_indices = @transform_1, window_bounds = array<i64: 2000, 16>}, {transform_indices = @transform_2, window_bounds = array<i64: 2, 2000, 128>}, {pipeline_mode = #tpu.pipeline_mode<synchronous>, transform_indices = @transform_3, window_bounds = array<i64: 128, 256>}, {pipeline_mode = #tpu.pipeline_mode<synchronous>, transform_indices = @transform_4, window_bounds = array<i64: 64, 256>}, {pipeline_mode = #tpu.pipeline_mode<synchronous>, transform_indices = @transform_5, window_bounds = array<i64: 1, 256>}, {pipeline_mode = #tpu.pipeline_mode<synchronous>, transform_indices = @transform_6, window_bounds = array<i64: 256, 128>}, {pipeline_mode = #tpu.pipeline_mode<synchronous>, transform_indices = @transform_7, window_bounds = array<i64: 1, 128>}, {transform_indices = @transform_8, window_bounds = array<i64: 2000, 128>}, {transform_indices = @transform_9, window_bounds = array<i64: 2000, 16>}]} {
    %get3A = arith.constant 0 : index
    %get3A_0 = arith.constant 0 : index
    %get3A_1 = vector.load %arg1[%get3A, %get3A_0] : memref<2000x128xf32, #tpu.memory_space<vmem>>, vector<2000x128xf32>
    %get3A_2 = arith.constant 0 : index
    %get3A_3 = arith.constant 0 : index
    %get3A_4 = arith.constant 0 : index
    %get3A_5 = vector.load %arg3[%get3A_2, %get3A_3, %get3A_4] : memref<2x2000x128xf32, #tpu.memory_space<vmem>>, vector<1x2000x128xf32>
    %get3A_6 = vector.shape_cast %get3A_5 : vector<1x2000x128xf32> to vector<2000x128xf32>
    %get3A_7 = arith.constant 1 : index
    %get3A_8 = arith.constant 0 : index
    %get3A_9 = arith.constant 0 : index
    %get3A_10 = vector.load %arg3[%get3A_7, %get3A_8, %get3A_9] : memref<2x2000x128xf32, #tpu.memory_space<vmem>>, vector<1x2000x128xf32>
    %get3A_11 = vector.shape_cast %get3A_10 : vector<1x2000x128xf32> to vector<2000x128xf32>
    %add3A = arith.addf %get3A_6, %get3A_11 : vector<2000x128xf32>
    %slice3A = vector.extract_strided_slice %add3A {offsets = [0, 67], sizes = [2000, 1], strides = [1, 1]} : vector<2000x128xf32> to vector<2000x1xf32>
    %max3A = arith.constant 1.000000e+00 : f32
    %max3A_12 = vector.broadcast %max3A : f32 to vector<2000x1xf32>
    %max3A_13 = arith.maximumf %slice3A, %max3A_12 : vector<2000x1xf32>
    %slice3A_14 = vector.extract_strided_slice %add3A {offsets = [0, 0], sizes = [2000, 64], strides = [1, 1]} : vector<2000x128xf32> to vector<2000x64xf32>
    %div3A = vector.broadcast %max3A_13 : vector<2000x1xf32> to vector<2000x64xf32>
    %div3A_15 = arith.divf %slice3A_14, %div3A : vector<2000x64xf32>
    %slice3A_16 = vector.extract_strided_slice %add3A {offsets = [0, 64], sizes = [2000, 16], strides = [1, 1]} : vector<2000x128xf32> to vector<2000x16xf32>
    %div3A_17 = vector.broadcast %max3A_13 : vector<2000x1xf32> to vector<2000x16xf32>
    %div3A_18 = arith.divf %slice3A_16, %div3A_17 : vector<2000x16xf32>
    %iota3A = tpu.iota {dimensions = array<i32: 1>} : vector<2000x16xi32>
    %lt3A = arith.constant 3 : i32
    %lt3A_19 = vector.broadcast %lt3A : i32 to vector<2000x16xi32>
    %lt3A_20 = arith.cmpi slt, %iota3A, %lt3A_19 : vector<2000x16xi32>
    %jit3A = arith.constant 0.000000e+00 : f32
    %broadcast_in_dim3A = vector.broadcast %jit3A : f32 to vector<2000x16xf32>
    %select_n3A = arith.select %lt3A_20, %div3A_18, %broadcast_in_dim3A : vector<2000x16xi1>, vector<2000x16xf32>
    %get3A_21 = arith.constant 0 : index
    %get3A_22 = arith.constant 0 : index
    %get3A_23 = vector.load %arg4[%get3A_21, %get3A_22] : memref<128x256xf32, #tpu.memory_space<vmem>>, vector<128x256xf32>
    %dot_general3A = arith.constant dense<0.000000e+00> : vector<2000x256xf32>
    %dot_general3A_24 = tpu.matmul %get3A_1, %get3A_23, %dot_general3A {dimension_numbers = #tpu.dot_dimension_numbers<[1], [0], [0], [1], [0, 0, 1, 1], [], []>, transpose_lhs_hint = false} : vector<2000x128xf32>, vector<128x256xf32>, vector<2000x256xf32> -> vector<2000x256xf32>
    %get3A_25 = arith.constant 0 : index
    %get3A_26 = arith.constant 0 : index
    %get3A_27 = vector.load %arg5[%get3A_25, %get3A_26] : memref<64x256xf32, #tpu.memory_space<vmem>>, vector<64x256xf32>
    %dot_general3A_28 = arith.constant dense<0.000000e+00> : vector<2000x256xf32>
    %dot_general3A_29 = tpu.matmul %div3A_15, %get3A_27, %dot_general3A_28 {dimension_numbers = #tpu.dot_dimension_numbers<[1], [0], [0], [1], [0, 0, 1, 1], [], []>, transpose_lhs_hint = false} : vector<2000x64xf32>, vector<64x256xf32>, vector<2000x256xf32> -> vector<2000x256xf32>
    %add3A_30 = arith.addf %dot_general3A_24, %dot_general3A_29 : vector<2000x256xf32>
    %get3A_31 = arith.constant 0 : index
    %get3A_32 = arith.constant 0 : index
    %get3A_33 = vector.load %arg6[%get3A_31, %get3A_32] : memref<1x256xf32, #tpu.memory_space<vmem>>, vector<1x256xf32>
    %add3A_34 = vector.broadcast %get3A_33 : vector<1x256xf32> to vector<2000x256xf32>
    %add3A_35 = arith.addf %add3A_30, %add3A_34 : vector<2000x256xf32>
    %logistic3A = arith.negf %add3A_35 : vector<2000x256xf32>
    %logistic3A_36 = math.exp %logistic3A : vector<2000x256xf32>
    %logistic3A_37 = arith.constant 1.000000e+00 : f32
    %logistic3A_38 = vector.broadcast %logistic3A_37 : f32 to vector<2000x256xf32>
    %logistic3A_39 = arith.addf %logistic3A_38, %logistic3A_36 : vector<2000x256xf32>
    %logistic3A_40 = arith.divf %logistic3A_38, %logistic3A_39 : vector<2000x256xf32>
    %mul3A = arith.mulf %add3A_35, %logistic3A_40 : vector<2000x256xf32>
    %get3A_41 = arith.constant 0 : index
    %get3A_42 = arith.constant 0 : index
    %get3A_43 = vector.load %arg7[%get3A_41, %get3A_42] : memref<256x128xf32, #tpu.memory_space<vmem>>, vector<256x128xf32>
    %dot_general3A_44 = arith.constant dense<0.000000e+00> : vector<2000x128xf32>
    %dot_general3A_45 = tpu.matmul %mul3A, %get3A_43, %dot_general3A_44 {dimension_numbers = #tpu.dot_dimension_numbers<[1], [0], [0], [1], [0, 0, 1, 1], [], []>, transpose_lhs_hint = false} : vector<2000x256xf32>, vector<256x128xf32>, vector<2000x128xf32> -> vector<2000x128xf32>
    %get3A_46 = arith.constant 0 : index
    %get3A_47 = arith.constant 0 : index
    %get3A_48 = vector.load %arg8[%get3A_46, %get3A_47] : memref<1x128xf32, #tpu.memory_space<vmem>>, vector<1x128xf32>
    %add3A_49 = vector.broadcast %get3A_48 : vector<1x128xf32> to vector<2000x128xf32>
    %add3A_50 = arith.addf %dot_general3A_45, %add3A_49 : vector<2000x128xf32>
    %add3A_51 = arith.addf %get3A_1, %add3A_50 : vector<2000x128xf32>
    %swap3A = arith.constant 0 : index
    %swap3A_52 = arith.constant 0 : index
    %swap3A_53 = vector.load %arg9[%swap3A, %swap3A_52] : memref<2000x128xf32, #tpu.memory_space<vmem>>, vector<2000x128xf32>
    tpu.vector_store %arg9[%swap3A, %swap3A_52], %add3A_51 {strides = array<i32>} : memref<2000x128xf32, #tpu.memory_space<vmem>>, vector<2000x128xf32>,
    %get3A_54 = arith.constant 0 : index
    %get3A_55 = arith.constant 0 : index
    %get3A_56 = vector.load %arg2[%get3A_54, %get3A_55] : memref<2000x16xf32, #tpu.memory_space<vmem>>, vector<2000x16xf32>
    %add3A_57 = arith.addf %get3A_56, %select_n3A : vector<2000x16xf32>
    %swap3A_58 = arith.constant 0 : index
    %swap3A_59 = arith.constant 0 : index
    %swap3A_60 = vector.load %arg10[%swap3A_58, %swap3A_59] : memref<2000x16xf32, #tpu.memory_space<vmem>>, vector<2000x16xf32>
    tpu.vector_store %arg10[%swap3A_58, %swap3A_59], %add3A_57 {strides = array<i32>} : memref<2000x16xf32, #tpu.memory_space<vmem>>, vector<2000x16xf32>,
    return
  }
  func.func @transform_0(%arg0: i32) -> (i32, i32) {
    %c0_i32 = arith.constant 0 : i32
    %c0_i32_0 = arith.constant 0 : i32
    return %arg0, %c0_i32 : i32, i32
  }
  func.func @transform_1(%arg0: i32) -> (i32, i32) {
    %c0_i32 = arith.constant 0 : i32
    %c0_i32_0 = arith.constant 0 : i32
    return %arg0, %c0_i32 : i32, i32
  }
  func.func @transform_2(%arg0: i32) -> (i32, i32, i32) {
    %c0_i32 = arith.constant 0 : i32
    %c0_i32_0 = arith.constant 0 : i32
    %c0_i32_1 = arith.constant 0 : i32
    return %c0_i32, %arg0, %c0_i32_0 : i32, i32, i32
  }
  func.func @transform_3(%arg0: i32) -> (i32, i32) {
    %c0_i32 = arith.constant 0 : i32
    %c0_i32_0 = arith.constant 0 : i32
    %c0_i32_1 = arith.constant 0 : i32
    return %c0_i32, %c0_i32_0 : i32, i32
  }
  func.func @transform_4(%arg0: i32) -> (i32, i32) {
    %c0_i32 = arith.constant 0 : i32
    %c0_i32_0 = arith.constant 0 : i32
    %c0_i32_1 = arith.constant 0 : i32
    return %c0_i32, %c0_i32_0 : i32, i32
  }
  func.func @transform_5(%arg0: i32) -> (i32, i32) {
    %c0_i32 = arith.constant 0 : i32
    %c0_i32_0 = arith.constant 0 : i32
    %c0_i32_1 = arith.constant 0 : i32
    return %c0_i32, %c0_i32_0 : i32, i32
  }
  func.func @transform_6(%arg0: i32) -> (i32, i32) {
    %c0_i32 = arith.constant 0 : i32
    %c0_i32_0 = arith.constant 0 : i32
    %c0_i32_1 = arith.constant 0 : i32
    return %c0_i32, %c0_i32_0 : i32, i32
  }
  func.func @transform_7(%arg0: i32) -> (i32, i32) {
    %c0_i32 = arith.constant 0 : i32
    %c0_i32_0 = arith.constant 0 : i32
    %c0_i32_1 = arith.constant 0 : i32
    return %c0_i32, %c0_i32_0 : i32, i32
  }
  func.func @transform_8(%arg0: i32) -> (i32, i32) {
    %c0_i32 = arith.constant 0 : i32
    %c0_i32_0 = arith.constant 0 : i32
    return %arg0, %c0_i32 : i32, i32
  }
  func.func @transform_9(%arg0: i32) -> (i32, i32) {
    %c0_i32 = arith.constant 0 : i32
    %c0_i32_0 = arith.constant 0 : i32
    return %arg0, %c0_i32 : i32, i32
  }
}

module attributes {stable_mosaic.version = 14 : i64} {
  func.func @_node_body(%arg0: i32, %arg1: memref<2000x128xf32, #tpu.memory_space<vmem>>, %arg2: memref<2000x16xf32, #tpu.memory_space<vmem>>, %arg3: memref<2x2000x128xf32, #tpu.memory_space<vmem>>, %arg4: memref<128x256xf32, #tpu.memory_space<vmem>>, %arg5: memref<64x256xf32, #tpu.memory_space<vmem>>, %arg6: memref<1x256xf32, #tpu.memory_space<vmem>>, %arg7: memref<256x128xf32, #tpu.memory_space<vmem>>, %arg8: memref<1x128xf32, #tpu.memory_space<vmem>>, %arg9: memref<2000x128xf32, #tpu.memory_space<vmem>>, %arg10: memref<2000x16xf32, #tpu.memory_space<vmem>>) attributes {dimension_semantics = [#tpu.dimension_semantics<arbitrary>], iteration_bounds = array<i64: 5>, scalar_prefetch = 0 : i64, scratch_operands = 0 : i64, tpu.core_type = #tpu.core_type<tc>, window_params = [{transform_indices = @transform_0, window_bounds = array<i64: 2000, 128>}, {transform_indices = @transform_1, window_bounds = array<i64: 2000, 16>}, {transform_indices = @transform_2, window_bounds = array<i64: 2, 2000, 128>}, {pipeline_mode = #tpu.pipeline_mode<synchronous>, transform_indices = @transform_3, window_bounds = array<i64: 128, 256>}, {pipeline_mode = #tpu.pipeline_mode<synchronous>, transform_indices = @transform_4, window_bounds = array<i64: 64, 256>}, {pipeline_mode = #tpu.pipeline_mode<synchronous>, transform_indices = @transform_5, window_bounds = array<i64: 1, 256>}, {pipeline_mode = #tpu.pipeline_mode<synchronous>, transform_indices = @transform_6, window_bounds = array<i64: 256, 128>}, {pipeline_mode = #tpu.pipeline_mode<synchronous>, transform_indices = @transform_7, window_bounds = array<i64: 1, 128>}, {transform_indices = @transform_8, window_bounds = array<i64: 2000, 128>}, {transform_indices = @transform_9, window_bounds = array<i64: 2000, 16>}]} {
    %get3A = arith.constant 0 : index
    %get3A_0 = arith.constant 0 : index
    %get3A_1 = vector.load %arg1[%get3A, %get3A_0] : memref<2000x128xf32, #tpu.memory_space<vmem>>, vector<2000x128xf32>
    %get3A_2 = arith.constant 0 : index
    %get3A_3 = arith.constant 0 : index
    %get3A_4 = arith.constant 0 : index
    %get3A_5 = vector.load %arg3[%get3A_2, %get3A_3, %get3A_4] : memref<2x2000x128xf32, #tpu.memory_space<vmem>>, vector<1x2000x128xf32>
    %get3A_6 = vector.shape_cast %get3A_5 : vector<1x2000x128xf32> to vector<2000x128xf32>
    %get3A_7 = arith.constant 1 : index
    %get3A_8 = arith.constant 0 : index
    %get3A_9 = arith.constant 0 : index
    %get3A_10 = vector.load %arg3[%get3A_7, %get3A_8, %get3A_9] : memref<2x2000x128xf32, #tpu.memory_space<vmem>>, vector<1x2000x128xf32>
    %get3A_11 = vector.shape_cast %get3A_10 : vector<1x2000x128xf32> to vector<2000x128xf32>
    %add3A = arith.addf %get3A_6, %get3A_11 : vector<2000x128xf32>
    %slice3A = vector.extract_strided_slice %add3A {offsets = [0, 67], sizes = [2000, 1], strides = [1, 1]} : vector<2000x128xf32> to vector<2000x1xf32>
    %max3A = arith.constant 1.000000e+00 : f32
    %max3A_12 = vector.broadcast %max3A : f32 to vector<2000x1xf32>
    %max3A_13 = arith.maximumf %slice3A, %max3A_12 : vector<2000x1xf32>
    %slice3A_14 = vector.extract_strided_slice %add3A {offsets = [0, 0], sizes = [2000, 64], strides = [1, 1]} : vector<2000x128xf32> to vector<2000x64xf32>
    %div3A = vector.broadcast %max3A_13 : vector<2000x1xf32> to vector<2000x64xf32>
    %div3A_15 = arith.divf %slice3A_14, %div3A : vector<2000x64xf32>
    %slice3A_16 = vector.extract_strided_slice %add3A {offsets = [0, 64], sizes = [2000, 16], strides = [1, 1]} : vector<2000x128xf32> to vector<2000x16xf32>
    %div3A_17 = vector.broadcast %max3A_13 : vector<2000x1xf32> to vector<2000x16xf32>
    %div3A_18 = arith.divf %slice3A_16, %div3A_17 : vector<2000x16xf32>
    %iota3A = tpu.iota {dimensions = array<i32: 1>} : vector<2000x16xi32>
    %lt3A = arith.constant 3 : i32
    %lt3A_19 = vector.broadcast %lt3A : i32 to vector<2000x16xi32>
    %lt3A_20 = arith.cmpi slt, %iota3A, %lt3A_19 : vector<2000x16xi32>
    %jit3A = arith.constant 0.000000e+00 : f32
    %broadcast_in_dim3A = vector.broadcast %jit3A : f32 to vector<2000x16xf32>
    %select_n3A = arith.select %lt3A_20, %div3A_18, %broadcast_in_dim3A : vector<2000x16xi1>, vector<2000x16xf32>
    %get3A_21 = arith.constant 0 : index
    %get3A_22 = arith.constant 0 : index
    %get3A_23 = vector.load %arg4[%get3A_21, %get3A_22] : memref<128x256xf32, #tpu.memory_space<vmem>>, vector<128x256xf32>
    %dot_general3A = arith.constant dense<0.000000e+00> : vector<2000x256xf32>
    %dot_general3A_24 = tpu.matmul %get3A_1, %get3A_23, %dot_general3A {dimension_numbers = #tpu.dot_dimension_numbers<[1], [0], [0], [1], [0, 0, 1, 1], [], []>, transpose_lhs_hint = false} : vector<2000x128xf32>, vector<128x256xf32>, vector<2000x256xf32> -> vector<2000x256xf32>
    %get3A_25 = arith.constant 0 : index
    %get3A_26 = arith.constant 0 : index
    %get3A_27 = vector.load %arg5[%get3A_25, %get3A_26] : memref<64x256xf32, #tpu.memory_space<vmem>>, vector<64x256xf32>
    %dot_general3A_28 = arith.constant dense<0.000000e+00> : vector<2000x256xf32>
    %dot_general3A_29 = tpu.matmul %div3A_15, %get3A_27, %dot_general3A_28 {dimension_numbers = #tpu.dot_dimension_numbers<[1], [0], [0], [1], [0, 0, 1, 1], [], []>, transpose_lhs_hint = false} : vector<2000x64xf32>, vector<64x256xf32>, vector<2000x256xf32> -> vector<2000x256xf32>
    %add3A_30 = arith.addf %dot_general3A_24, %dot_general3A_29 : vector<2000x256xf32>
    %get3A_31 = arith.constant 0 : index
    %get3A_32 = arith.constant 0 : index
    %get3A_33 = vector.load %arg6[%get3A_31, %get3A_32] : memref<1x256xf32, #tpu.memory_space<vmem>>, vector<1x256xf32>
    %add3A_34 = vector.broadcast %get3A_33 : vector<1x256xf32> to vector<2000x256xf32>
    %add3A_35 = arith.addf %add3A_30, %add3A_34 : vector<2000x256xf32>
    %logistic3A = arith.negf %add3A_35 : vector<2000x256xf32>
    %logistic3A_36 = math.exp %logistic3A : vector<2000x256xf32>
    %logistic3A_37 = arith.constant 1.000000e+00 : f32
    %logistic3A_38 = vector.broadcast %logistic3A_37 : f32 to vector<2000x256xf32>
    %logistic3A_39 = arith.addf %logistic3A_38, %logistic3A_36 : vector<2000x256xf32>
    %logistic3A_40 = arith.divf %logistic3A_38, %logistic3A_39 : vector<2000x256xf32>
    %mul3A = arith.mulf %add3A_35, %logistic3A_40 : vector<2000x256xf32>
    %get3A_41 = arith.constant 0 : index
    %get3A_42 = arith.constant 0 : index
    %get3A_43 = vector.load %arg7[%get3A_41, %get3A_42] : memref<256x128xf32, #tpu.memory_space<vmem>>, vector<256x128xf32>
    %dot_general3A_44 = arith.constant dense<0.000000e+00> : vector<2000x128xf32>
    %dot_general3A_45 = tpu.matmul %mul3A, %get3A_43, %dot_general3A_44 {dimension_numbers = #tpu.dot_dimension_numbers<[1], [0], [0], [1], [0, 0, 1, 1], [], []>, transpose_lhs_hint = false} : vector<2000x256xf32>, vector<256x128xf32>, vector<2000x128xf32> -> vector<2000x128xf32>
    %get3A_46 = arith.constant 0 : index
    %get3A_47 = arith.constant 0 : index
    %get3A_48 = vector.load %arg8[%get3A_46, %get3A_47] : memref<1x128xf32, #tpu.memory_space<vmem>>, vector<1x128xf32>
    %add3A_49 = vector.broadcast %get3A_48 : vector<1x128xf32> to vector<2000x128xf32>
    %add3A_50 = arith.addf %dot_general3A_45, %add3A_49 : vector<2000x128xf32>
    %add3A_51 = arith.addf %get3A_1, %add3A_50 : vector<2000x128xf32>
    %swap3A = arith.constant 0 : index
    %swap3A_52 = arith.constant 0 : index
    %swap3A_53 = vector.load %arg9[%swap3A, %swap3A_52] : memref<2000x128xf32, #tpu.memory_space<vmem>>, vector<2000x128xf32>
    tpu.vector_store %arg9[%swap3A, %swap3A_52], %add3A_51 {strides = array<i32>} : memref<2000x128xf32, #tpu.memory_space<vmem>>, vector<2000x128xf32>,
    %get3A_54 = arith.constant 0 : index
    %get3A_55 = arith.constant 0 : index
    %get3A_56 = vector.load %arg2[%get3A_54, %get3A_55] : memref<2000x16xf32, #tpu.memory_space<vmem>>, vector<2000x16xf32>
    %add3A_57 = arith.addf %get3A_56, %select_n3A : vector<2000x16xf32>
    %swap3A_58 = arith.constant 0 : index
    %swap3A_59 = arith.constant 0 : index
    %swap3A_60 = vector.load %arg10[%swap3A_58, %swap3A_59] : memref<2000x16xf32, #tpu.memory_space<vmem>>, vector<2000x16xf32>
    tpu.vector_store %arg10[%swap3A_58, %swap3A_59], %add3A_57 {strides = array<i32>} : memref<2000x16xf32, #tpu.memory_space<vmem>>, vector<2000x16xf32>,
    return
  }
  func.func @transform_0(%arg0: i32) -> (i32, i32) {
    %c0_i32 = arith.constant 0 : i32
    %c0_i32_0 = arith.constant 0 : i32
    return %arg0, %c0_i32 : i32, i32
  }
  func.func @transform_1(%arg0: i32) -> (i32, i32) {
    %c0_i32 = arith.constant 0 : i32
    %c0_i32_0 = arith.constant 0 : i32
    return %arg0, %c0_i32 : i32, i32
  }
  func.func @transform_2(%arg0: i32) -> (i32, i32, i32) {
    %c0_i32 = arith.constant 0 : i32
    %c0_i32_0 = arith.constant 0 : i32
    %c0_i32_1 = arith.constant 0 : i32
    return %c0_i32, %arg0, %c0_i32_0 : i32, i32, i32
  }
  func.func @transform_3(%arg0: i32) -> (i32, i32) {
    %c0_i32 = arith.constant 0 : i32
    %c0_i32_0 = arith.constant 0 : i32
    %c0_i32_1 = arith.constant 0 : i32
    return %c0_i32, %c0_i32_0 : i32, i32
  }
  func.func @transform_4(%arg0: i32) -> (i32, i32) {
    %c0_i32 = arith.constant 0 : i32
    %c0_i32_0 = arith.constant 0 : i32
    %c0_i32_1 = arith.constant 0 : i32
    return %c0_i32, %c0_i32_0 : i32, i32
  }
  func.func @transform_5(%arg0: i32) -> (i32, i32) {
    %c0_i32 = arith.constant 0 : i32
    %c0_i32_0 = arith.constant 0 : i32
    %c0_i32_1 = arith.constant 0 : i32
    return %c0_i32, %c0_i32_0 : i32, i32
  }
  func.func @transform_6(%arg0: i32) -> (i32, i32) {
    %c0_i32 = arith.constant 0 : i32
    %c0_i32_0 = arith.constant 0 : i32
    %c0_i32_1 = arith.constant 0 : i32
    return %c0_i32, %c0_i32_0 : i32, i32
  }
  func.func @transform_7(%arg0: i32) -> (i32, i32) {
    %c0_i32 = arith.constant 0 : i32
    %c0_i32_0 = arith.constant 0 : i32
    %c0_i32_1 = arith.constant 0 : i32
    return %c0_i32, %c0_i32_0 : i32, i32
  }
  func.func @transform_8(%arg0: i32) -> (i32, i32) {
    %c0_i32 = arith.constant 0 : i32
    %c0_i32_0 = arith.constant 0 : i32
    return %arg0, %c0_i32 : i32, i32
  }
  func.func @transform_9(%arg0: i32) -> (i32, i32) {
    %c0_i32 = arith.constant 0 : i32
    %c0_i32_0 = arith.constant 0 : i32
    return %arg0, %c0_i32 : i32, i32
  }
}

module attributes {stable_mosaic.version = 14 : i64} {
  func.func @_final_body(%arg0: i32, %arg1: memref<2000x128xf32, #tpu.memory_space<vmem>>, %arg2: memref<2000x128xf32, #tpu.memory_space<vmem>>, %arg3: memref<2000x128xf32, #tpu.memory_space<vmem>>, %arg4: memref<2000x1xi32, #tpu.memory_space<vmem>>, %arg5: memref<384x256xf32, #tpu.memory_space<vmem>>, %arg6: memref<1x256xf32, #tpu.memory_space<vmem>>, %arg7: memref<256x256xf32, #tpu.memory_space<vmem>>, %arg8: memref<1x256xf32, #tpu.memory_space<vmem>>, %arg9: memref<256x256xf32, #tpu.memory_space<vmem>>, %arg10: memref<1x256xf32, #tpu.memory_space<vmem>>, %arg11: memref<256x256xf32, #tpu.memory_space<vmem>>, %arg12: memref<1x256xf32, #tpu.memory_space<vmem>>, %arg13: memref<256x256xf32, #tpu.memory_space<vmem>>, %arg14: memref<1x256xf32, #tpu.memory_space<vmem>>, %arg15: memref<256x1xf32, #tpu.memory_space<vmem>>, %arg16: memref<1x1xf32, #tpu.memory_space<vmem>>, %arg17: memref<64x1xf32, #tpu.memory_space<vmem>>, %arg18: memref<64x256xf32, #tpu.memory_space<vmem>>, %arg19: memref<1x64xf32, #tpu.memory_space<vmem>>) attributes {dimension_semantics = [#tpu.dimension_semantics<arbitrary>], iteration_bounds = array<i64: 5>, scalar_prefetch = 0 : i64, scratch_operands = 2 : i64, tpu.core_type = #tpu.core_type<tc>, window_params = [{transform_indices = @transform_0, window_bounds = array<i64: 2000, 128>}, {transform_indices = @transform_1, window_bounds = array<i64: 2000, 128>}, {transform_indices = @transform_2, window_bounds = array<i64: 2000, 128>}, {transform_indices = @transform_3, window_bounds = array<i64: 2000, 1>}, {pipeline_mode = #tpu.pipeline_mode<synchronous>, transform_indices = @transform_4, window_bounds = array<i64: 384, 256>}, {pipeline_mode = #tpu.pipeline_mode<synchronous>, transform_indices = @transform_5, window_bounds = array<i64: 1, 256>}, {pipeline_mode = #tpu.pipeline_mode<synchronous>, transform_indices = @transform_6, window_bounds = array<i64: 256, 256>}, {pipeline_mode = #tpu.pipeline_mode<synchronous>, transform_indices = @transform_7, window_bounds = array<i64: 1, 256>}, {pipeline_mode = #tpu.pipeline_mode<synchronous>, transform_indices = @transform_8, window_bounds = array<i64: 256, 256>}, {pipeline_mode = #tpu.pipeline_mode<synchronous>, transform_indices = @transform_9, window_bounds = array<i64: 1, 256>}, {pipeline_mode = #tpu.pipeline_mode<synchronous>, transform_indices = @transform_10, window_bounds = array<i64: 256, 256>}, {pipeline_mode = #tpu.pipeline_mode<synchronous>, transform_indices = @transform_11, window_bounds = array<i64: 1, 256>}, {pipeline_mode = #tpu.pipeline_mode<synchronous>, transform_indices = @transform_12, window_bounds = array<i64: 256, 256>}, {pipeline_mode = #tpu.pipeline_mode<synchronous>, transform_indices = @transform_13, window_bounds = array<i64: 1, 256>}, {pipeline_mode = #tpu.pipeline_mode<synchronous>, transform_indices = @transform_14, window_bounds = array<i64: 256, 1>}, {pipeline_mode = #tpu.pipeline_mode<synchronous>, transform_indices = @transform_15, window_bounds = array<i64: 1, 1>}, {pipeline_mode = #tpu.pipeline_mode<synchronous>, transform_indices = @transform_16, window_bounds = array<i64: 64, 1>}]} {
    %eq3A = arith.constant 0 : i32
    %eq3A_0 = arith.cmpi eq, %arg0, %eq3A : i32
    %convert_element_type3A = arith.extui %eq3A_0 : i1 to i32
    %cond3A = arith.constant 0 : i32
    %cond3A_1 = arith.cmpi ne, %convert_element_type3A, %cond3A : i32
    scf.if %cond3A_1 {
      %broadcast_in_dim3A_92 = arith.constant 0.000000e+00 : f32
      %broadcast_in_dim3A_93 = vector.broadcast %broadcast_in_dim3A_92 : f32 to vector<64x256xf32>
      %swap3A_94 = arith.constant 0 : index
      %swap3A_95 = arith.constant 0 : index
      %swap3A_96 = vector.load %arg18[%swap3A_94, %swap3A_95] : memref<64x256xf32, #tpu.memory_space<vmem>>, vector<64x256xf32>
      tpu.vector_store %arg18[%swap3A_94, %swap3A_95], %broadcast_in_dim3A_93 {strides = array<i32>} : memref<64x256xf32, #tpu.memory_space<vmem>>, vector<64x256xf32>,
      %broadcast_in_dim3A_97 = arith.constant 0.000000e+00 : f32
      %broadcast_in_dim3A_98 = vector.broadcast %broadcast_in_dim3A_97 : f32 to vector<1x64xf32>
      %swap3A_99 = arith.constant 0 : index
      %swap3A_100 = arith.constant 0 : index
      %swap3A_101 = vector.load %arg19[%swap3A_99, %swap3A_100] : memref<1x64xf32, #tpu.memory_space<vmem>>, vector<1x64xf32>
      tpu.vector_store %arg19[%swap3A_99, %swap3A_100], %broadcast_in_dim3A_98 {strides = array<i32>} : memref<1x64xf32, #tpu.memory_space<vmem>>, vector<1x64xf32>,
    } else {
    }
    %get3A = arith.constant 0 : index
    %get3A_2 = arith.constant 0 : index
    %get3A_3 = vector.load %arg1[%get3A, %get3A_2] : memref<2000x128xf32, #tpu.memory_space<vmem>>, vector<2000x128xf32>
    %get3A_4 = arith.constant 0 : index
    %get3A_5 = arith.constant 0 : index
    %get3A_6 = vector.load %arg2[%get3A_4, %get3A_5] : memref<2000x128xf32, #tpu.memory_space<vmem>>, vector<2000x128xf32>
    %get3A_7 = arith.constant 0 : index
    %get3A_8 = arith.constant 0 : index
    %get3A_9 = vector.load %arg3[%get3A_7, %get3A_8] : memref<2000x128xf32, #tpu.memory_space<vmem>>, vector<2000x128xf32>
    %concatenate3A = tpu.concatenate %get3A_3, %get3A_6, %get3A_9 in 1 : vector<2000x128xf32>, vector<2000x128xf32>, vector<2000x128xf32> -> vector<2000x384xf32>
    %logistic3A = arith.negf %concatenate3A : vector<2000x384xf32>
    %logistic3A_10 = math.exp %logistic3A : vector<2000x384xf32>
    %logistic3A_11 = arith.constant 1.000000e+00 : f32
    %logistic3A_12 = vector.broadcast %logistic3A_11 : f32 to vector<2000x384xf32>
    %logistic3A_13 = arith.addf %logistic3A_12, %logistic3A_10 : vector<2000x384xf32>
    %logistic3A_14 = arith.divf %logistic3A_12, %logistic3A_13 : vector<2000x384xf32>
    %mul3A = arith.mulf %concatenate3A, %logistic3A_14 : vector<2000x384xf32>
    %get3A_15 = arith.constant 0 : index
    %get3A_16 = arith.constant 0 : index
    %get3A_17 = vector.load %arg5[%get3A_15, %get3A_16] : memref<384x256xf32, #tpu.memory_space<vmem>>, vector<384x256xf32>
    %dot_general3A = arith.constant dense<0.000000e+00> : vector<2000x256xf32>
    %dot_general3A_18 = tpu.matmul %mul3A, %get3A_17, %dot_general3A {dimension_numbers = #tpu.dot_dimension_numbers<[1], [0], [0], [1], [0, 0, 1, 1], [], []>, transpose_lhs_hint = false} : vector<2000x384xf32>, vector<384x256xf32>, vector<2000x256xf32> -> vector<2000x256xf32>
    %get3A_19 = arith.constant 0 : index
    %get3A_20 = arith.constant 0 : index
    %get3A_21 = vector.load %arg6[%get3A_19, %get3A_20] : memref<1x256xf32, #tpu.memory_space<vmem>>, vector<1x256xf32>
    %add3A = vector.broadcast %get3A_21 : vector<1x256xf32> to vector<2000x256xf32>
    %add3A_22 = arith.addf %dot_general3A_18, %add3A : vector<2000x256xf32>
    %logistic3A_23 = arith.negf %add3A_22 : vector<2000x256xf32>
    %logistic3A_24 = math.exp %logistic3A_23 : vector<2000x256xf32>
    %logistic3A_25 = arith.constant 1.000000e+00 : f32
    %logistic3A_26 = vector.broadcast %logistic3A_25 : f32 to vector<2000x256xf32>
    %logistic3A_27 = arith.addf %logistic3A_26, %logistic3A_24 : vector<2000x256xf32>
    %logistic3A_28 = arith.divf %logistic3A_26, %logistic3A_27 : vector<2000x256xf32>
    %mul3A_29 = arith.mulf %add3A_22, %logistic3A_28 : vector<2000x256xf32>
    %get3A_30 = arith.constant 0 : index
    %get3A_31 = arith.constant 0 : index
    %get3A_32 = vector.load %arg7[%get3A_30, %get3A_31] : memref<256x256xf32, #tpu.memory_space<vmem>>, vector<256x256xf32>
    %dot_general3A_33 = arith.constant dense<0.000000e+00> : vector<2000x256xf32>
    %dot_general3A_34 = tpu.matmul %mul3A_29, %get3A_32, %dot_general3A_33 {dimension_numbers = #tpu.dot_dimension_numbers<[1], [0], [0], [1], [0, 0, 1, 1], [], []>, transpose_lhs_hint = false} : vector<2000x256xf32>, vector<256x256xf32>, vector<2000x256xf32> -> vector<2000x256xf32>
    %get3A_35 = arith.constant 0 : index
    %get3A_36 = arith.constant 0 : index
    %get3A_37 = vector.load %arg8[%get3A_35, %get3A_36] : memref<1x256xf32, #tpu.memory_space<vmem>>, vector<1x256xf32>
    %add3A_38 = vector.broadcast %get3A_37 : vector<1x256xf32> to vector<2000x256xf32>
    %add3A_39 = arith.addf %dot_general3A_34, %add3A_38 : vector<2000x256xf32>
    %logistic3A_40 = arith.negf %add3A_39 : vector<2000x256xf32>
    %logistic3A_41 = math.exp %logistic3A_40 : vector<2000x256xf32>
    %logistic3A_42 = arith.constant 1.000000e+00 : f32
    %logistic3A_43 = vector.broadcast %logistic3A_42 : f32 to vector<2000x256xf32>
    %logistic3A_44 = arith.addf %logistic3A_43, %logistic3A_41 : vector<2000x256xf32>
    %logistic3A_45 = arith.divf %logistic3A_43, %logistic3A_44 : vector<2000x256xf32>
    %mul3A_46 = arith.mulf %add3A_39, %logistic3A_45 : vector<2000x256xf32>
    %get3A_47 = arith.constant 0 : index
    %get3A_48 = arith.constant 0 : index
    %get3A_49 = vector.load %arg9[%get3A_47, %get3A_48] : memref<256x256xf32, #tpu.memory_space<vmem>>, vector<256x256xf32>
    %dot_general3A_50 = arith.constant dense<0.000000e+00> : vector<2000x256xf32>
    %dot_general3A_51 = tpu.matmul %mul3A_46, %get3A_49, %dot_general3A_50 {dimension_numbers = #tpu.dot_dimension_numbers<[1], [0], [0], [1], [0, 0, 1, 1], [], []>, transpose_lhs_hint = false} : vector<2000x256xf32>, vector<256x256xf32>, vector<2000x256xf32> -> vector<2000x256xf32>
    %get3A_52 = arith.constant 0 : index
    %get3A_53 = arith.constant 0 : index
    %get3A_54 = vector.load %arg10[%get3A_52, %get3A_53] : memref<1x256xf32, #tpu.memory_space<vmem>>, vector<1x256xf32>
    %add3A_55 = vector.broadcast %get3A_54 : vector<1x256xf32> to vector<2000x256xf32>
    %add3A_56 = arith.addf %dot_general3A_51, %add3A_55 : vector<2000x256xf32>
    %logistic3A_57 = arith.negf %add3A_56 : vector<2000x256xf32>
    %logistic3A_58 = math.exp %logistic3A_57 : vector<2000x256xf32>
    %logistic3A_59 = arith.constant 1.000000e+00 : f32
    %logistic3A_60 = vector.broadcast %logistic3A_59 : f32 to vector<2000x256xf32>
    %logistic3A_61 = arith.addf %logistic3A_60, %logistic3A_58 : vector<2000x256xf32>
    %logistic3A_62 = arith.divf %logistic3A_60, %logistic3A_61 : vector<2000x256xf32>
    %mul3A_63 = arith.mulf %add3A_56, %logistic3A_62 : vector<2000x256xf32>
    %get3A_64 = arith.constant 0 : index
    %get3A_65 = arith.constant 0 : index
    %get3A_66 = vector.load %arg4[%get3A_64, %get3A_65] : memref<2000x1xi32, #tpu.memory_space<vmem>>, vector<2000x1xi32>
    %iota3A = tpu.iota {dimensions = array<i32: 1>} : vector<2000x64xi32>
    %eq3A_67 = vector.broadcast %get3A_66 : vector<2000x1xi32> to vector<2000x64xi32>
    %eq3A_68 = arith.cmpi eq, %eq3A_67, %iota3A : vector<2000x64xi32>
    %convert_element_type3A_69 = arith.extui %eq3A_68 : vector<2000x64xi1> to vector<2000x64xi32>
    %convert_element_type3A_70 = arith.sitofp %convert_element_type3A_69 : vector<2000x64xi32> to vector<2000x64xf32>
    %get3A_71 = arith.constant 0 : index
    %get3A_72 = arith.constant 0 : index
    %get3A_73 = vector.load %arg18[%get3A_71, %get3A_72] : memref<64x256xf32, #tpu.memory_space<vmem>>, vector<64x256xf32>
    %dot_general3A_74 = arith.constant dense<0.000000e+00> : vector<64x256xf32>
    %dot_general3A_75 = tpu.matmul %convert_element_type3A_70, %mul3A_63, %dot_general3A_74 {dimension_numbers = #tpu.dot_dimension_numbers<[0], [0], [1], [1], [0, 1, 1, 1], [], []>, transpose_lhs_hint = false} : vector<2000x64xf32>, vector<2000x256xf32>, vector<64x256xf32> -> vector<64x256xf32>
    %add3A_76 = arith.addf %get3A_73, %dot_general3A_75 : vector<64x256xf32>
    %swap3A = arith.constant 0 : index
    %swap3A_77 = arith.constant 0 : index
    %swap3A_78 = vector.load %arg18[%swap3A, %swap3A_77] : memref<64x256xf32, #tpu.memory_space<vmem>>, vector<64x256xf32>
    tpu.vector_store %arg18[%swap3A, %swap3A_77], %add3A_76 {strides = array<i32>} : memref<64x256xf32, #tpu.memory_space<vmem>>, vector<64x256xf32>,
    %get3A_79 = arith.constant 0 : index
    %get3A_80 = arith.constant 0 : index
    %get3A_81 = vector.load %arg19[%get3A_79, %get3A_80] : memref<1x64xf32, #tpu.memory_space<vmem>>, vector<1x64xf32>
    %reduce_sum3A = arith.constant dense<0.000000e+00> : vector<64xf32>
    %reduce_sum3A_82 = vector.multi_reduction <add>, %convert_element_type3A_70, %reduce_sum3A [0] : vector<2000x64xf32> to vector<64xf32>
    %broadcast_in_dim3A = vector.shape_cast %reduce_sum3A_82 : vector<64xf32> to vector<1x64xf32>
    %add3A_83 = arith.addf %get3A_81, %broadcast_in_dim3A : vector<1x64xf32>
    %swap3A_84 = arith.constant 0 : index
    %swap3A_85 = arith.constant 0 : index
    %swap3A_86 = vector.load %arg19[%swap3A_84, %swap3A_85] : memref<1x64xf32, #tpu.memory_space<vmem>>, vector<1x64xf32>
    tpu.vector_store %arg19[%swap3A_84, %swap3A_85], %add3A_83 {strides = array<i32>} : memref<1x64xf32, #tpu.memory_space<vmem>>, vector<1x64xf32>,
    %eq3A_87 = arith.constant 4 : i32
    %eq3A_88 = arith.cmpi eq, %arg0, %eq3A_87 : i32
    %convert_element_type3A_89 = arith.extui %eq3A_88 : i1 to i32
    %cond3A_90 = arith.constant 0 : i32
    %cond3A_91 = arith.cmpi ne, %convert_element_type3A_89, %cond3A_90 : i32
    scf.if %cond3A_91 {
      %get3A_92 = arith.constant 0 : index
      %get3A_93 = arith.constant 0 : index
      %get3A_94 = vector.load %arg18[%get3A_92, %get3A_93] : memref<64x256xf32, #tpu.memory_space<vmem>>, vector<64x256xf32>
      %get3A_95 = arith.constant 0 : index
      %get3A_96 = arith.constant 0 : index
      %get3A_97 = vector.load %arg19[%get3A_95, %get3A_96] : memref<1x64xf32, #tpu.memory_space<vmem>>, vector<1x64xf32>
      %reshape3A = vector.shape_cast %get3A_97 : vector<1x64xf32> to vector<64x1xf32>
      %max3A = arith.constant 1.000000e+00 : f32
      %max3A_98 = vector.broadcast %max3A : f32 to vector<64x1xf32>
      %max3A_99 = arith.maximumf %reshape3A, %max3A_98 : vector<64x1xf32>
      %div3A = vector.broadcast %max3A_99 : vector<64x1xf32> to vector<64x256xf32>
      %div3A_100 = arith.divf %get3A_94, %div3A : vector<64x256xf32>
      %get3A_101 = arith.constant 0 : index
      %get3A_102 = arith.constant 0 : index
      %get3A_103 = vector.load %arg11[%get3A_101, %get3A_102] : memref<256x256xf32, #tpu.memory_space<vmem>>, vector<256x256xf32>
      %dot_general3A_104 = arith.constant dense<0.000000e+00> : vector<64x256xf32>
      %dot_general3A_105 = tpu.matmul %div3A_100, %get3A_103, %dot_general3A_104 {dimension_numbers = #tpu.dot_dimension_numbers<[1], [0], [0], [1], [0, 0, 1, 1], [], []>, transpose_lhs_hint = false} : vector<64x256xf32>, vector<256x256xf32>, vector<64x256xf32> -> vector<64x256xf32>
      %get3A_106 = arith.constant 0 : index
      %get3A_107 = arith.constant 0 : index
      %get3A_108 = vector.load %arg12[%get3A_106, %get3A_107] : memref<1x256xf32, #tpu.memory_space<vmem>>, vector<1x256xf32>
      %add3A_109 = vector.broadcast %get3A_108 : vector<1x256xf32> to vector<64x256xf32>
      %add3A_110 = arith.addf %dot_general3A_105, %add3A_109 : vector<64x256xf32>
      %logistic3A_111 = arith.negf %add3A_110 : vector<64x256xf32>
      %logistic3A_112 = math.exp %logistic3A_111 : vector<64x256xf32>
      %logistic3A_113 = arith.constant 1.000000e+00 : f32
      %logistic3A_114 = vector.broadcast %logistic3A_113 : f32 to vector<64x256xf32>
      %logistic3A_115 = arith.addf %logistic3A_114, %logistic3A_112 : vector<64x256xf32>
      %logistic3A_116 = arith.divf %logistic3A_114, %logistic3A_115 : vector<64x256xf32>
      %mul3A_117 = arith.mulf %add3A_110, %logistic3A_116 : vector<64x256xf32>
      %get3A_118 = arith.constant 0 : index
      %get3A_119 = arith.constant 0 : index
      %get3A_120 = vector.load %arg13[%get3A_118, %get3A_119] : memref<256x256xf32, #tpu.memory_space<vmem>>, vector<256x256xf32>
      %dot_general3A_121 = arith.constant dense<0.000000e+00> : vector<64x256xf32>
      %dot_general3A_122 = tpu.matmul %mul3A_117, %get3A_120, %dot_general3A_121 {dimension_numbers = #tpu.dot_dimension_numbers<[1], [0], [0], [1], [0, 0, 1, 1], [], []>, transpose_lhs_hint = false} : vector<64x256xf32>, vector<256x256xf32>, vector<64x256xf32> -> vector<64x256xf32>
      %get3A_123 = arith.constant 0 : index
      %get3A_124 = arith.constant 0 : index
      %get3A_125 = vector.load %arg14[%get3A_123, %get3A_124] : memref<1x256xf32, #tpu.memory_space<vmem>>, vector<1x256xf32>
      %add3A_126 = vector.broadcast %get3A_125 : vector<1x256xf32> to vector<64x256xf32>
      %add3A_127 = arith.addf %dot_general3A_122, %add3A_126 : vector<64x256xf32>
      %logistic3A_128 = arith.negf %add3A_127 : vector<64x256xf32>
      %logistic3A_129 = math.exp %logistic3A_128 : vector<64x256xf32>
      %logistic3A_130 = arith.constant 1.000000e+00 : f32
      %logistic3A_131 = vector.broadcast %logistic3A_130 : f32 to vector<64x256xf32>
      %logistic3A_132 = arith.addf %logistic3A_131, %logistic3A_129 : vector<64x256xf32>
      %logistic3A_133 = arith.divf %logistic3A_131, %logistic3A_132 : vector<64x256xf32>
      %mul3A_134 = arith.mulf %add3A_127, %logistic3A_133 : vector<64x256xf32>
      %get3A_135 = arith.constant 0 : index
      %get3A_136 = arith.constant 0 : index
      %get3A_137 = vector.load %arg15[%get3A_135, %get3A_136] : memref<256x1xf32, #tpu.memory_space<vmem>>, vector<256x1xf32>
      %dot_general3A_138 = arith.constant dense<0.000000e+00> : vector<64x1xf32>
      %dot_general3A_139 = tpu.matmul %mul3A_134, %get3A_137, %dot_general3A_138 {dimension_numbers = #tpu.dot_dimension_numbers<[1], [0], [0], [1], [0, 0, 1, 1], [], []>, transpose_lhs_hint = false} : vector<64x256xf32>, vector<256x1xf32>, vector<64x1xf32> -> vector<64x1xf32>
      %get3A_140 = arith.constant 0 : index
      %get3A_141 = arith.constant 0 : index
      %get3A_142 = vector.load %arg16[%get3A_140, %get3A_141] : memref<1x1xf32, #tpu.memory_space<vmem>>, vector<1x1xf32>
      %add3A_143 = vector.broadcast %get3A_142 : vector<1x1xf32> to vector<64x1xf32>
      %add3A_144 = arith.addf %dot_general3A_139, %add3A_143 : vector<64x1xf32>
      %swap3A_145 = arith.constant 0 : index
      %swap3A_146 = arith.constant 0 : index
      %swap3A_147 = vector.load %arg17[%swap3A_145, %swap3A_146] : memref<64x1xf32, #tpu.memory_space<vmem>>, vector<64x1xf32>
      tpu.vector_store %arg17[%swap3A_145, %swap3A_146], %add3A_144 {strides = array<i32>} : memref<64x1xf32, #tpu.memory_space<vmem>>, vector<64x1xf32>,
    } else {
    }
    return
  }
  func.func @transform_0(%arg0: i32) -> (i32, i32) {
    %c0_i32 = arith.constant 0 : i32
    %c0_i32_0 = arith.constant 0 : i32
    return %arg0, %c0_i32 : i32, i32
  }
  func.func @transform_1(%arg0: i32) -> (i32, i32) {
    %c0_i32 = arith.constant 0 : i32
    %c0_i32_0 = arith.constant 0 : i32
    return %arg0, %c0_i32 : i32, i32
  }
  func.func @transform_2(%arg0: i32) -> (i32, i32) {
    %c0_i32 = arith.constant 0 : i32
    %c0_i32_0 = arith.constant 0 : i32
    return %arg0, %c0_i32 : i32, i32
  }
  func.func @transform_3(%arg0: i32) -> (i32, i32) {
    %c0_i32 = arith.constant 0 : i32
    %c0_i32_0 = arith.constant 0 : i32
    return %arg0, %c0_i32 : i32, i32
  }
  func.func @transform_4(%arg0: i32) -> (i32, i32) {
    %c0_i32 = arith.constant 0 : i32
    %c0_i32_0 = arith.constant 0 : i32
    %c0_i32_1 = arith.constant 0 : i32
    return %c0_i32, %c0_i32_0 : i32, i32
  }
  func.func @transform_5(%arg0: i32) -> (i32, i32) {
    %c0_i32 = arith.constant 0 : i32
    %c0_i32_0 = arith.constant 0 : i32
    %c0_i32_1 = arith.constant 0 : i32
    return %c0_i32, %c0_i32_0 : i32, i32
  }
  func.func @transform_6(%arg0: i32) -> (i32, i32) {
    %c0_i32 = arith.constant 0 : i32
    %c0_i32_0 = arith.constant 0 : i32
    %c0_i32_1 = arith.constant 0 : i32
    return %c0_i32, %c0_i32_0 : i32, i32
  }
  func.func @transform_7(%arg0: i32) -> (i32, i32) {
    %c0_i32 = arith.constant 0 : i32
    %c0_i32_0 = arith.constant 0 : i32
    %c0_i32_1 = arith.constant 0 : i32
    return %c0_i32, %c0_i32_0 : i32, i32
  }
  func.func @transform_8(%arg0: i32) -> (i32, i32) {
    %c0_i32 = arith.constant 0 : i32
    %c0_i32_0 = arith.constant 0 : i32
    %c0_i32_1 = arith.constant 0 : i32
    return %c0_i32, %c0_i32_0 : i32, i32
  }
  func.func @transform_9(%arg0: i32) -> (i32, i32) {
    %c0_i32 = arith.constant 0 : i32
    %c0_i32_0 = arith.constant 0 : i32
    %c0_i32_1 = arith.constant 0 : i32
    return %c0_i32, %c0_i32_0 : i32, i32
  }
  func.func @transform_10(%arg0: i32) -> (i32, i32) {
    %c0_i32 = arith.constant 0 : i32
    %c0_i32_0 = arith.constant 0 : i32
    %c0_i32_1 = arith.constant 0 : i32
    return %c0_i32, %c0_i32_0 : i32, i32
  }
  func.func @transform_11(%arg0: i32) -> (i32, i32) {
    %c0_i32 = arith.constant 0 : i32
    %c0_i32_0 = arith.constant 0 : i32
    %c0_i32_1 = arith.constant 0 : i32
    return %c0_i32, %c0_i32_0 : i32, i32
  }
  func.func @transform_12(%arg0: i32) -> (i32, i32) {
    %c0_i32 = arith.constant 0 : i32
    %c0_i32_0 = arith.constant 0 : i32
    %c0_i32_1 = arith.constant 0 : i32
    return %c0_i32, %c0_i32_0 : i32, i32
  }
  func.func @transform_13(%arg0: i32) -> (i32, i32) {
    %c0_i32 = arith.constant 0 : i32
    %c0_i32_0 = arith.constant 0 : i32
    %c0_i32_1 = arith.constant 0 : i32
    return %c0_i32, %c0_i32_0 : i32, i32
  }
  func.func @transform_14(%arg0: i32) -> (i32, i32) {
    %c0_i32 = arith.constant 0 : i32
    %c0_i32_0 = arith.constant 0 : i32
    %c0_i32_1 = arith.constant 0 : i32
    return %c0_i32, %c0_i32_0 : i32, i32
  }
  func.func @transform_15(%arg0: i32) -> (i32, i32) {
    %c0_i32 = arith.constant 0 : i32
    %c0_i32_0 = arith.constant 0 : i32
    %c0_i32_1 = arith.constant 0 : i32
    return %c0_i32, %c0_i32_0 : i32, i32
  }
  func.func @transform_16(%arg0: i32) -> (i32, i32) {
    %c0_i32 = arith.constant 0 : i32
    %c0_i32_0 = arith.constant 0 : i32
    %c0_i32_1 = arith.constant 0 : i32
    return %c0_i32, %c0_i32_0 : i32, i32
  }
}

</mosaic_0001>

<sc_bundles>
// kernel: kernel.14.cloned.1.call-start
scs
__scs_entry_jumppad:
0x0: {  	(pc) =	sbr.rel $0x88, $3  }
0x1: {  	(tag) =	ssettag $0x0;
	lr =	simm.s32 $0x1  }
0x2: {  	[smem:$0x3F74] =	sst lr;
	_ =	strace $0xD0000000  }
0x3: {  	_ = 	snop  }
0x4: {  	_ = 	snop  }
0x5: {  	_ = 	snop  }
0x6: {  	_ = 	snop  }
0x7: {  	_ = 	snop  }
__scs_overlays_trampoline_lowered:
0x8: {  	[smem:$0x3F83] =	sst s0  }
0x9: {  	[smem:$0x3F84] =	sst s1  }
0xa: {  	[smem:$0x3F85] =	sst s2  }
0xb: {  	[smem:$0x3F86] =	sst s3  }
0xc: {  	[smem:$0x3F87] =	sst s4  }
0xd: {  	[smem:$0x3F88] =	sst s5  }
0xe: {  	[smem:$0x3F89] =	sst s6  }
0xf: {  	[smem:$0x3F8A] =	sst s7  }
0x10: {  	[smem:$0x3F8B] =	sst s8  }
0x11: {  	[smem:$0x3F8C] =	sst s9;
	s0 =	simm.s32 @!p0 $0x0  }
0x12: {  	s1 =	sld [smem:$0x3F72];
	s0 =	simm.s32 @p0 $0x1  }
0x13: {  	[smem:$0x3F8D] =	sst s0;
	s0 =	simm.s32 @!p1 $0x0  }
0x14: {  	s2 =	sld [smem:$0x3F71];
	s0 =	simm.s32 @p1 $0x1  }
0x15: {  	[smem:$0x3F8E] =	sst s0;
	s0 =	simm.s32 @!p2 $0x0  }
0x16: {  	s3 =	sld [smem:$0x3FDB];
	s0 =	simm.s32 @p2 $0x1  }
0x17: {  	s4 =	simm.s32 $0x1BF5;
	[smem:$0x3F90] =	sst s0  }
0x18: {  	s0 =	sld [smem:$0x3F73];
	_ =	swait.ge [sflag:s4], $0x0  }
0x19: {  	s7 =	sld [smem:$0x3F74]  }
0x1a: {  	s8 =	sadd.s32 $0xFFFFE003, lr  }
0x1b: {  	s9 =	sadd.s32 $0xFFFFFEF7, lr;
	s5 =	simm.s32 $0xFFFFFFFF;
	p2 =	slt.u32 s8, $0xFFFFF086  }
0x1c: {  	p1 =	slt.u32 s9, $0xF7A;
	s5 =	simm.s32 @!p2 $0x0  }
0x1d: {  	s5 =	simm.s32 @p1 $0x1;
	p0 =	seq.s32 s7, s2  }
0x1e: {  	s7 =	smul.u32 @!p0 $0xF7A, s2;
	p2 =	seq.s32 @!p0 s5, $0x0  }
0x1f: {  	s9 =	smul.u32 $0xF7A, s1;
	s8 =	simm.s32 @!p0 $0x1BF5;
	p2 =	por !p2, p0  }
0x20: {  	[sflag:s8] =	ssyncset.s32 @!p0 $0xFFFFF086;
	s6 =	sadd.s32 @!p0 s3, s7;
	s7 =	simm.s32 @!p0 $0x108  }
0x21: {  	s3 =	sadd.s32 s3, s9;
	s6 =	sadd.s32 @!p0 $0x88, s6;
	s7 =	simm.s32 @p2 $0x1082  }
0x22: {  	[simem:s7], [sflag:s8] =	dma.local @!p0 [hbm:s6], $0xF7A  }
0x23: {  	s9 =	sor.u32 $0xD0000000, s2;
	s6 =	simm.s32 $0x108;
	_ =	swait.ge @!p0 [sflag:s8], $0x0  }
0x24: {  	s3 =	sadd.s32 $0x88, s3;
	s6 =	simm.s32 @!p1 $0x1082;
	[sflag:s4] =	ssyncset.s32 $0xFFFFF086  }
0x25: {  	[simem:s6], [sflag:s4] =	dma.local [hbm:s3], $0xF7A  }
0x26: {  	[smem:$0x3F74] =	sst s1;
	(tag) =	ssettag s2;
	_ =	strace s9  }
0x27: {  	s1 =	sld [smem:$0x3F84]  }
0x28: {  	s2 =	sld [smem:$0x3F85]  }
0x29: {  	s4 =	sld [smem:$0x3F87]  }
0x2a: {  	p0 =	seq.s32 s5, $0x0;
	s5 =	sld [smem:$0x3F88]  }
0x2b: {  	s6 =	sld [smem:$0x3F89]  }
0x2c: {  	s7 =	sld [smem:$0x3F8A]  }
0x2d: {  	s3 =	simm.s32 $0x108;
	s8 =	sld [smem:$0x3F8B]  }
0x2e: {  	s3 =	simm.s32 @!p0 $0x1082;
	s9 =	sld [smem:$0x3F8C]  }
0x2f: {  	lr =	sadd.s32 s0, s3;
	s0 =	sld [smem:$0x3F83]  }
0x30: {  	s3 =	sld [smem:$0x3F86]  }
0x31: {  	[smem:$0x3F8F] =	sst s10  }
0x32: {  	s10 =	sld [smem:$0x3F8D];
	_ =	sdelay $0x3  }
0x33: {  	p0 =	seq.s32 s10, $0x1;
	s10 =	sld [smem:$0x3F8F];
	_ =	sdelay $0x3  }
0x34: {  	[smem:$0x3F8F] =	sst s10  }
0x35: {  	s10 =	sld [smem:$0x3F8E];
	_ =	sdelay $0x3  }
0x36: {  	p1 =	seq.s32 s10, $0x1;
	s10 =	sld [smem:$0x3F8F];
	_ =	sdelay $0x3  }
0x37: {  	[smem:$0x3F8F] =	sst s10  }
0x38: {  	s10 =	sld [smem:$0x3F90]  }
0x39: {  	_ = 	snop;
	(pc) =	sbr.ind lr, $3  }
0x3a: {  	_ = 	snop  }
0x3b: {  	_ = 	snop  }
0x3c: {  	p2 =	seq.s32 s10, $0x1;
	s10 =	sld [smem:$0x3F8F]  }
0x3d: {  	_ =	shalt  }
0x3e: {  	_ =	shalt  }
0x3f: {  	_ =	shalt  }
0x40: {  	_ =	shalt  }
0x41: {  	_ =	shalt  }
0x42: {  	_ =	shalt  }
0x43: {  	_ =	shalt  }
0x44: {  	_ =	shalt  }
0x45: {  	_ =	shalt  }
0x46: {  	_ =	shalt  }
0x47: {  	_ =	shalt  }
0x48: {  	_ =	shalt  }
0x49: {  	_ =	shalt  }
0x4a: {  	_ =	shalt  }
0x4b: {  	_ =	shalt  }
0x4c: {  	_ =	shalt  }
0x4d: {  	_ =	shalt  }
0x4e: {  	_ =	shalt  }
0x4f: {  	_ =	shalt  }
0x50: {  	_ =	shalt  }
0x51: {  	_ =	shalt  }
0x52: {  	_ =	shalt  }
0x53: {  	_ =	shalt  }
0x54: {  	_ =	shalt  }
0x55: {  	_ =	shalt  }
0x56: {  	_ =	shalt  }
0x57: {  	_ =	shalt  }
0x58: {  	_ =	shalt  }
0x59: {  	_ =	shalt  }
0x5a: {  	_ =	shalt  }
0x5b: {  	_ =	shalt  }
0x5c: {  	_ =	shalt  }
0x5d: {  	_ =	shalt  }
0x5e: {  	_ =	shalt  }
0x5f: {  	_ =	shalt  }
0x60: {  	_ =	shalt  }
0x61: {  	_ =	shalt  }
0x62: {  	_ =	shalt  }
0x63: {  	_ =	shalt  }
0x64: {  	_ =	shalt  }
0x65: {  	_ =	shalt  }
0x66: {  	_ =	shalt  }
0x67: {  	_ =	shalt  }
0x68: {  	_ =	shalt  }
0x69: {  	_ =	shalt  }
0x6a: {  	_ =	shalt  }
0x6b: {  	_ =	shalt  }
0x6c: {  	_ =	shalt  }
0x6d: {  	_ =	shalt  }
0x6e: {  	_ =	shalt  }
0x6f: {  	_ =	shalt  }
0x70: {  	_ =	shalt  }
0x71: {  	_ =	shalt  }
0x72: {  	_ =	shalt  }
0x73: {  	_ =	shalt  }
0x74: {  	_ =	shalt  }
0x75: {  	_ =	shalt  }
0x76: {  	_ =	shalt  }
0x77: {  	_ =	shalt  }
0x78: {  	_ =	shalt  }
0x79: {  	_ =	shalt  }
0x7a: {  	_ =	shalt  }
0x7b: {  	_ =	shalt  }
0x7c: {  	_ =	shalt  }
0x7d: {  	_ =	shalt  }
0x7e: {  	_ =	shalt  }
0x7f: {  	_ =	shalt  }
0x80: {  	_ =	shalt  }
0x81: {  	_ =	shalt  }
0x82: {  	_ =	shalt  }
0x83: {  	_ =	shalt  }
0x84: {  	_ =	shalt  }
0x85: {  	_ =	shalt  }
0x86: {  	_ =	shalt  }
0x87: {  	_ =	shalt  }
.Lfunc_end0:
.L_simem_size_0:
called_computation_lowered:
.L_overlay_start_0:
0x88: {  	s2 =	sld [smem:$0x3FD9]  }
0x89: {  	s3 =	sld [smem:$0x3FFE];
	_ =	sdelay $0x1  }
0x8a: {  	s1 =	srdreg.scid  }
0x8b: {  	s0 =	sand.u32 $0x1, s1  }
0x8c: {  	s17 =	sshll.u32 s0, $0xA;
	s2 =	sadd.s32 s3, s2  }
0x8d: {  	s2 =	sadd.s32 s2, s17  }
0x8e: {  	[smem:$0x3F9B] =	sst s2  }
0x8f: {  	_ = 	snop  }
0x90: {  	(tm) =	ssettm $0x1  }
0x91: {  	s18 =	sld [smem:$0x3FFB];
	_ =	sdelay $0x3  }
0x92: {  	_ =	strace s18  }
0x93: {  	s2 =	sld [smem:$0x3FFC];
	_ =	sdelay $0x3  }
0x94: {  	_ =	strace s2  }
0x95: {  	s2 =	sld [smem:$0x3FFD];
	_ =	sdelay $0x3  }
0x96: {  	_ =	strace s2  }
0x97: {  	_ =	strace $0x8FFFFFFF  }
0x98: {  	s19 =	sld [smem:$0x3FDB];
	_ =	sdelay $0x1  }
0x99: {  	s20 =	simm.s32 $_scs_section_size  }
0x9a: {  	s4 =	simm.s32 $_size__tile_overlayer_lowered;
	s5 =	simm.s32 $_tile_overlayer_lowered  }
0x9b: {  	s6 =	simm.s32 $0x1BFF;
	s21 =	sshll.u32 s5, $0x1;
	s3 =	sadd.s32 s20, s19  }
0x9c: {  	s22 =	simm.s32 $0x0;
	s4 =	sshll.u32 s4, $0x1;
	s5 =	sadd.s32 s21, s3  }
0x9d: {  	[timem:s22], [sflag:s6] =	dma.local [hbm:s5], s4  }
0x9e: {  	_ =	swait.ge [sflag:s6], s4  }
0x9f: {  	s4 =	ssub.s32 $0x0, s4;
	[sflag:s6] =	ssyncset.done $0x0  }
0xa0: {  	[sflag:s6] =	ssyncadd.s32 s4;
	_ =	sdelay $0x1  }
0xa1: {  	s23 =	simm.s32 $0x1B8B  }
0xa2: {  	_ =	swait.ge [sflag:s23], $0x1  }
0xa3: {  	[sflag:s23] =	ssyncset.done $0x0  }
0xa4: {  	[sflag:s23] =	ssyncadd.s32 $0xFFFFFFFF  }
0xa5: {  	s4 =	sld [smem:$0x0]  }
0xa6: {  	s5 =	sand.u32 $0xFFFFFFFE, s1  }
0xa7: {  	p0 =	sne.s32 s1, s5  }
0xa8: {  	s5 =	sshll.u32 @p0 s5, $0xE  }
0xa9: {  	s5 =	sadd.s32 @p0 $0x11B8D, s5;
	s6 =	sshll.u32 @p0 s4, $0x11  }
0xaa: {  	s5 =	sor.u32 @p0 s6, s5  }
0xab: {  	[sflag:s5] =	ssyncadd.remote.s32 @p0 $0x1;
	_ =	sdelay $0x1  }
0xac: {  	s5 =	simm.s32 @p0 $0x1B8D  }
0xad: {  	_ =	swait.eq @p0 [sflag:s5], $0x1  }
0xae: {  	[sflag:s5] =	ssyncadd.s32 @p0 $0xFFFFFFFF  }
0xaf: {  	s6 =	sshll.u32 @!p0 s1, $0xE  }
0xb0: {  	s6 =	sor.u32 @!p0 $0x4000, s6;
	s5 =	simm.s32 @!p0 $0x1B8D  }
0xb1: {  	s4 =	sshll.u32 @!p0 s4, $0x11;
	s6 =	sadd.s32 @!p0 $0x11B8D, s6;
	_ =	swait.eq @!p0 [sflag:s5], $0x1  }
0xb2: {  	s4 =	sor.u32 @!p0 s4, s6;
	[sflag:s5] =	ssyncadd.s32 @!p0 $0xFFFFFFFF  }
0xb3: {  	s25 =	simm.s32 $0x1B8E;
	s24 =	sld [smem:$0x3FFE];
	[sflag:s4] =	ssyncadd.remote.s32 @!p0 $0x1  }
0xb4: {  	s26 =	simm.s32 $execute0_lowered;
	[smem:$0x3FD2] =	sst s25  }
0xb5: {  	s5 =	sshll.u32 s26, $0x1;
	_ =	strace $0x80000049;
	[dreg:$0x1] =	wrdreg $0xFFFFFFFF  }
0xb6: {  	s28 =	simm.s32 $_size_execute0_lowered;
	s3 =	sadd.s32 s3, s5;
	[dreg:$0x0] =	wrdreg $0x0  }
0xb7: {  	s5 =	sshll.u32 s28, $0x1;
	[dreg:$0x2] =	wrdreg s3  }
0xb8: {  	[dreg:$0x3] =	wrdreg s5  }
0xb9: {  	[dreg:$0x4] =	wrdreg $0xC0  }
0xba: {  	_ =	task [dreg:s22], $0x5FFFF  }
0xbb: {  	[dreg:$0x1] =	wrdreg $0xFFFFFFFF  }
0xbc: {  	[dreg:$0x0] =	wrdreg $0x60  }
0xbd: {  	[dreg:$0x2] =	wrdreg s24  }
0xbe: {  	[dreg:$0x3] =	wrdreg $0x9  }
0xbf: {  	_ =	task.clear_ibuf [dreg:s22], $0x4FFFF;
	_ =	strace $0x90000049  }
0xc0: {  	s29 =	simm.s32 $0x9;
	_ =	strace $0x8000004B  }
0xc1: {  	_ =	swait.ge [sflag:s29], $0x1  }
0xc2: {  	[sflag:s29] =	ssyncadd.s32 $0xFFFFFFFF  }
0xc3: {  	_ =	strace $0x9000004B  }
0xc4: {  	_ =	sfence  }
0xc5: {  	s30 =	sld [smem:$0x0];
	_ =	sdelay $0x2  }
0xc6: {  	s31 =	sshll.u32 s1, $0xD;
	s1 =	sshrl.u32 s1, $0x2  }
0xc7: {  	s4 =	sand.u32 $0x4000, s31;
	s1 =	sadd.s32 s1, s30  }
0xc8: {  	s0 =	sor.u32 s4, s0;
	s1 =	sshll.u32 s1, $0x11  }
0xc9: {  	s0 =	sor.u32 s1, s0  }
0xca: {  	s0 =	sadd.s32 $0x8F2B, s0  }
0xcb: {  	[sflag:s0] =	ssyncadd.remote.s32 $0x1  }
0xcc: {  	_ =	sfence.sel $0xFFFF  }
0xcd: {  	[dreg:$0x0] =	wrdreg $0xFFFFFFFF;
	(pc) =	sbr.abs _section_cstart, $3  }
0xce: {  	[dreg:$0x1] =	wrdreg $0xFFFFFFFF  }
0xcf: {  	_ =	task.clear_ibuf [dreg:s22], $0x2FFFF;
	_ =	strace $0x9FFFFFFF  }
0xd0: {  	(tm) =	ssettm $0x7FFFFFFF  }
0xd1: {  	_ =	shalt  }
tec
execute0_lowered:
.L_overlay_start_1:
0x0: {  	(tag) =	ssettag $0x1  }
0x1: {  	s4 =	rddreg [dreg:$0x0]  }
0x2: {  	s0 =	rddreg [dreg:$0x1]  }
0x3: {  	s3 =	srdreg.scid;
	s1 =	stileid.u32  }
0x4: {  	s2 =	simm.s32 $0x0;
	s10 =	simm.s32 $0x2800;
	s11 =	simm.s32 $0x80  }
0x5: {  	s12 =	simm.s32 $0x5000;
	s13 =	simm.s32 $0x9000;
	s14 =	simm.s32 $0x1  }
0x6: {  	s15 =	simm.s32 $0x2;
	s5 =	sand.u32 $0x1, s3;
	s30 =	sshll.u32 s1, $0x1  }
0x7: {  	[smem:$0x7FF] =	sst s2;
	s7 =	smul.u32 $0x50000, s1;
	s3 =	sor.u32 s5, s30  }
0x8: {  	s16 =	simm.s32 $0x0;
	_ =	strace $0x8000004A;
	s6 =	smul.u32 $0x2800, s3  }
0x9: {  	s8 =	ssub.s32 $0x2, s5;
	s5 =	smul.u32 $0x28000, s5;
	s3 =	sadd.s32 $0x189E00, s4  }
0xa: {  	s7 =	sadd.s32 s7, s4;
	s31 =	sshrl.u32 s8, $0x1;
	s6 =	sshrl.u32 s6, $0x3  }
0xb: {  	s8 =	ssub.s32 s8, s31;
	s9 =	sadd.s32 s5, s7;
	s6 =	sadd.s32 s6, s4  }
0xc: {  	s7 =	sadd.s32 $0x1B1000, s9;
	s4 =	sadd.s32 $0x13C00, s6;
	s5 =	sadd.s32 $0x9C00, s6  }
0xd: {  	s6 =	smax.u32 s8, $0x1;
	s8 =	sadd.s32 $0x6B1000, s9;
	s9 =	simm.s32 $0x3  }
.LBB2_1:
0xe: {  	[tilespmem:s2], [sflag:$0x3] =	stream.linear.gather [hbm4b:s4+s2], $0x2800, $0x38;
	[tilespmem:$0xD000] =	vst v63  }
0xf: {  	_ =	swait.ge [sflag:s9], $0x2800  }
0x10: {  	[sflag:s9] =	ssyncset.done $0x0  }
0x11: {  	[sflag:s9] =	ssyncadd.s32 $0xFFFFD800  }
0x12: {  	[tilespmem:s10], [sflag:$0x3] =	stream.linear.gather [hbm4b:s5+s2], $0x2800, $0x38;
	[tilespmem:$0xD000] =	vst v63  }
0x13: {  	_ =	swait.ge [sflag:s9], $0x2800  }
0x14: {  	[sflag:s9] =	ssyncset.done $0x0  }
0x15: {  	s17 =	simm.s32 $0x0;
	[sflag:s9] =	ssyncadd.s32 $0xFFFFD800  }
0x16: {  	[tilespmem:s12], [sflag:$0x1] =	stream.indirect.gather [hbm4b:s3+s11], $0x80, s17, s11, $0xb8;
	[tilespmem:$0xD000] =	vst v63  }
0x17: {  	s31 =	simm.s32 $0x2800  }
0x18: {  	[tilespmem:s13], [sflag:$0x2] =	stream.indirect.gather [hbm4b:s3+s11], $0x80, s31, s11, $0xb8;
	[tilespmem:$0xD000] =	vst v63  }
0x19: {  	_ =	swait.ge [sflag:s14], $0x4000  }
0x1a: {  	[sflag:s14] =	ssyncset.done $0x0  }
0x1b: {  	[sflag:s14] =	ssyncadd.s32 $0xFFFFC000  }
0x1c: {  	_ =	swait.ge [sflag:s15], $0x4000  }
0x1d: {  	[sflag:s15] =	ssyncset.done $0x0  }
0x1e: {  	[sflag:s15] =	ssyncadd.s32 $0xFFFFC000  }
0x1f: {  	[hbm4b:s7+s2] =	stream.linear.scatter [tilespmem:s12], [sflag:$0x3], $0x4000, $0x38;
	[tilespmem:$0xD000] =	vst v63  }
0x20: {  	_ =	swait.ge [sflag:s9], $0x4000  }
0x21: {  	[sflag:s9] =	ssyncset.done $0x0  }
0x22: {  	[sflag:s9] =	ssyncadd.s32 $0xFFFFC000  }
0x23: {  	[hbm4b:s8+s2] =	stream.linear.scatter [tilespmem:s13], [sflag:$0x3], $0x4000, $0x38;
	[tilespmem:$0xD000] =	vst v63  }
0x24: {  	s19 =	simm.s32 $0x200;
	s20 =	simm.s32 $0x400;
	_ =	swait.ge [sflag:s9], $0x4000  }
0x25: {  	s18 =	sadd.s32 $0x800, s7;
	s17 =	sadd.s32 $0x800, s8;
	[sflag:s9] =	ssyncset.done $0x0  }
.LBB2_2:
0x26: {  	s21 =	sshra.s32 s19, $0x2  }
0x27: {  	[sflag:s9] =	ssyncadd.s32 $0xFFFFC000;
	s19 =	smov.u32 s20;
	s22 =	sadd.s32 $0x200, s20  }
0x28: {  	[tilespmem:s12], [sflag:$0x1] =	stream.indirect.gather [hbm4b:s3+s11], $0x80, s21, s11, $0xb8;
	[tilespmem:$0xD000] =	vst v63  }
0x29: {  	p0 =	sne.s32 s20, $0x9E00;
	s20 =	sadd.s32 $0x2800, s21  }
0x2a: {  	[tilespmem:s13], [sflag:$0x2] =	stream.indirect.gather [hbm4b:s3+s11], $0x80, s20, s11, $0xb8;
	[tilespmem:$0xD000] =	vst v63  }
0x2b: {  	_ =	swait.ge [sflag:s14], $0x4000  }
0x2c: {  	[sflag:s14] =	ssyncset.done $0x0  }
0x2d: {  	[sflag:s14] =	ssyncadd.s32 $0xFFFFC000  }
0x2e: {  	_ =	swait.ge [sflag:s15], $0x4000  }
0x2f: {  	[sflag:s15] =	ssyncset.done $0x0  }
0x30: {  	[sflag:s15] =	ssyncadd.s32 $0xFFFFC000  }
0x31: {  	[hbm4b:s18+s2] =	stream.linear.scatter [tilespmem:s12], [sflag:$0x3], $0x4000, $0x38;
	[tilespmem:$0xD000] =	vst v63  }
0x32: {  	_ =	swait.ge [sflag:s9], $0x4000  }
.Ltmp0:
0x33: {  	[sflag:s9] =	ssyncset.done $0x0;
	(pc) =	sbr.rel @p0 .LBB2_2-.Ltmp0, $4  }
0x34: {  	[sflag:s9] =	ssyncadd.s32 $0xFFFFC000  }
0x35: {  	[hbm4b:s17+s2] =	stream.linear.scatter [tilespmem:s13], [sflag:$0x3], $0x4000, $0x38;
	[tilespmem:$0xD000] =	vst v63  }
0x36: {  	s20 =	smov.u32 s22;
	_ =	swait.ge [sflag:s9], $0x4000  }
0x37: {  	s18 =	sadd.s32 $0x800, s18;
	s17 =	sadd.s32 $0x800, s17;
	[sflag:s9] =	ssyncset.done $0x0  }
0x38: {  	s19 =	sshra.s32 s19, $0x2;
	[sflag:s9] =	ssyncadd.s32 $0xFFFFC000  }
0x39: {  	[tilespmem:s12], [sflag:$0x1] =	stream.indirect.gather [hbm4b:s3+s11], $0x80, s19, s11, $0xb8;
	[tilespmem:$0xD000] =	vst v63  }
0x3a: {  	s19 =	sadd.s32 $0x2800, s19  }
0x3b: {  	[tilespmem:s13], [sflag:$0x2] =	stream.indirect.gather [hbm4b:s3+s11], $0x80, s19, s11, $0xb8;
	[tilespmem:$0xD000] =	vst v63  }
0x3c: {  	_ =	swait.ge [sflag:s14], $0x4000  }
0x3d: {  	[sflag:s14] =	ssyncset.done $0x0  }
0x3e: {  	[sflag:s14] =	ssyncadd.s32 $0xFFFFC000  }
0x3f: {  	_ =	swait.ge [sflag:s15], $0x4000  }
0x40: {  	[sflag:s15] =	ssyncset.done $0x0  }
0x41: {  	[sflag:s15] =	ssyncadd.s32 $0xFFFFC000  }
0x42: {  	[hbm4b:s18+s2] =	stream.linear.scatter [tilespmem:s12], [sflag:$0x3], $0x4000, $0x38;
	[tilespmem:$0xD000] =	vst v63  }
0x43: {  	s16 =	sadd.s32 $0x1, s16;
	_ =	swait.ge [sflag:s9], $0x4000  }
0x44: {  	p0 =	sne.s32 s16, s6;
	[sflag:s9] =	ssyncset.done $0x0  }
.Ltmp1:
0x45: {  	[sflag:s9] =	ssyncadd.s32 $0xFFFFC000;
	(pc) =	sbr.rel @p0 .LBB2_1-.Ltmp1, $4  }
0x46: {  	[hbm4b:s17+s2] =	stream.linear.scatter [tilespmem:s13], [sflag:$0x3], $0x4000, $0x38;
	[tilespmem:$0xD000] =	vst v63  }
0x47: {  	_ =	swait.ge [sflag:s9], $0x4000  }
0x48: {  	[sflag:s9] =	ssyncset.done $0x0  }
0x49: {  	[sflag:s9] =	ssyncadd.s32 $0xFFFFC000  }
0x4a: {  	_ =	sfence.sel $0x180000  }
0x4b: {  	[bflag:$0x0] =	sbarrier.arrive $0xFFFF  }
0x4c: {  	p0 =	sne.s32 s1, $0x0;
	_ =	strace $0x9000004A  }
0x4d: {  	s0 =	sadd.s32 @!p0 $0x100000, s0;
	[bflag:$0x2] =	sbarrier.arrive $0xFFFF  }
0x4e: {  	[sflag:s0] =	ssyncadd.tile.s32 @!p0 $0x1;
	_ =	shalt  }
.Lfunc_end2:
_tile_overlayer_lowered:
.L_overlay_start_2:
0x4f: {  	(tag) =	ssettag $0x2  }
0x50: {  	s0 =	rddreg [dreg:$0x0];
	s2 =	stileid.u32  }
0x51: {  	s1 =	rddreg [dreg:$0x1];
	p0 =	sne.s32 s2, $0x0  }
0x52: {  	s3 =	rddreg [dreg:$0x2];
	[bflag:$0x3] =	sbarrier.arrive $0xFFFF;
	s2 =	simm.s32 @!p0 $0x1C03  }
0x53: {  	[timem:s3], [sflag:s2] =	dma.local @!p0 [hbm:s0], s1  }
0x54: {  	s0 =	simm.s32 @!p0 $0x3  }
0x55: {  	_ =	swait.ge @!p0 [sflag:s0], s1  }
0x56: {  	s1 =	ssub.s32 @!p0 $0x0, s1;
	[sflag:s0] =	ssyncset.done @!p0 $0x0  }
0x57: {  	[sflag:s0] =	ssyncadd.s32 @!p0 s1  }
0x58: {  	[bflag:$0x3] =	sbarrier.arrive $0xFFFF  }
0x59: {  	_ =	shalt  }

// kernel: kernel.17.cloned.1.call-start
scs
__scs_entry_jumppad:
0x0: {  	(pc) =	sbr.rel $0x88, $3  }
0x1: {  	(tag) =	ssettag $0x0;
	lr =	simm.s32 $0x1  }
0x2: {  	[smem:$0x3F74] =	sst lr;
	_ =	strace $0xD0000000  }
0x3: {  	_ = 	snop  }
0x4: {  	_ = 	snop  }
0x5: {  	_ = 	snop  }
0x6: {  	_ = 	snop  }
0x7: {  	_ = 	snop  }
__scs_overlays_trampoline_lowered:
0x8: {  	[smem:$0x3F83] =	sst s0  }
0x9: {  	[smem:$0x3F84] =	sst s1  }
0xa: {  	[smem:$0x3F85] =	sst s2  }
0xb: {  	[smem:$0x3F86] =	sst s3  }
0xc: {  	[smem:$0x3F87] =	sst s4  }
0xd: {  	[smem:$0x3F88] =	sst s5  }
0xe: {  	[smem:$0x3F89] =	sst s6  }
0xf: {  	[smem:$0x3F8A] =	sst s7  }
0x10: {  	[smem:$0x3F8B] =	sst s8  }
0x11: {  	[smem:$0x3F8C] =	sst s9;
	s0 =	simm.s32 @!p0 $0x0  }
0x12: {  	s1 =	sld [smem:$0x3F72];
	s0 =	simm.s32 @p0 $0x1  }
0x13: {  	[smem:$0x3F8D] =	sst s0;
	s0 =	simm.s32 @!p1 $0x0  }
0x14: {  	s2 =	sld [smem:$0x3F71];
	s0 =	simm.s32 @p1 $0x1  }
0x15: {  	[smem:$0x3F8E] =	sst s0;
	s0 =	simm.s32 @!p2 $0x0  }
0x16: {  	s3 =	sld [smem:$0x3FDB];
	s0 =	simm.s32 @p2 $0x1  }
0x17: {  	s4 =	simm.s32 $0x1BF5;
	[smem:$0x3F90] =	sst s0  }
0x18: {  	s0 =	sld [smem:$0x3F73];
	_ =	swait.ge [sflag:s4], $0x0  }
0x19: {  	s7 =	sld [smem:$0x3F74]  }
0x1a: {  	s8 =	sadd.s32 $0xFFFFE003, lr  }
0x1b: {  	s9 =	sadd.s32 $0xFFFFFEF7, lr;
	s5 =	simm.s32 $0xFFFFFFFF;
	p2 =	slt.u32 s8, $0xFFFFF086  }
0x1c: {  	p1 =	slt.u32 s9, $0xF7A;
	s5 =	simm.s32 @!p2 $0x0  }
0x1d: {  	s5 =	simm.s32 @p1 $0x1;
	p0 =	seq.s32 s7, s2  }
0x1e: {  	s7 =	smul.u32 @!p0 $0xF7A, s2;
	p2 =	seq.s32 @!p0 s5, $0x0  }
0x1f: {  	s9 =	smul.u32 $0xF7A, s1;
	s8 =	simm.s32 @!p0 $0x1BF5;
	p2 =	por !p2, p0  }
0x20: {  	[sflag:s8] =	ssyncset.s32 @!p0 $0xFFFFF086;
	s6 =	sadd.s32 @!p0 s3, s7;
	s7 =	simm.s32 @!p0 $0x108  }
0x21: {  	s3 =	sadd.s32 s3, s9;
	s6 =	sadd.s32 @!p0 $0x88, s6;
	s7 =	simm.s32 @p2 $0x1082  }
0x22: {  	[simem:s7], [sflag:s8] =	dma.local @!p0 [hbm:s6], $0xF7A  }
0x23: {  	s9 =	sor.u32 $0xD0000000, s2;
	s6 =	simm.s32 $0x108;
	_ =	swait.ge @!p0 [sflag:s8], $0x0  }
0x24: {  	s3 =	sadd.s32 $0x88, s3;
	s6 =	simm.s32 @!p1 $0x1082;
	[sflag:s4] =	ssyncset.s32 $0xFFFFF086  }
0x25: {  	[simem:s6], [sflag:s4] =	dma.local [hbm:s3], $0xF7A  }
0x26: {  	[smem:$0x3F74] =	sst s1;
	(tag) =	ssettag s2;
	_ =	strace s9  }
0x27: {  	s1 =	sld [smem:$0x3F84]  }
0x28: {  	s2 =	sld [smem:$0x3F85]  }
0x29: {  	s4 =	sld [smem:$0x3F87]  }
0x2a: {  	p0 =	seq.s32 s5, $0x0;
	s5 =	sld [smem:$0x3F88]  }
0x2b: {  	s6 =	sld [smem:$0x3F89]  }
0x2c: {  	s7 =	sld [smem:$0x3F8A]  }
0x2d: {  	s3 =	simm.s32 $0x108;
	s8 =	sld [smem:$0x3F8B]  }
0x2e: {  	s3 =	simm.s32 @!p0 $0x1082;
	s9 =	sld [smem:$0x3F8C]  }
0x2f: {  	lr =	sadd.s32 s0, s3;
	s0 =	sld [smem:$0x3F83]  }
0x30: {  	s3 =	sld [smem:$0x3F86]  }
0x31: {  	[smem:$0x3F8F] =	sst s10  }
0x32: {  	s10 =	sld [smem:$0x3F8D];
	_ =	sdelay $0x3  }
0x33: {  	p0 =	seq.s32 s10, $0x1;
	s10 =	sld [smem:$0x3F8F];
	_ =	sdelay $0x3  }
0x34: {  	[smem:$0x3F8F] =	sst s10  }
0x35: {  	s10 =	sld [smem:$0x3F8E];
	_ =	sdelay $0x3  }
0x36: {  	p1 =	seq.s32 s10, $0x1;
	s10 =	sld [smem:$0x3F8F];
	_ =	sdelay $0x3  }
0x37: {  	[smem:$0x3F8F] =	sst s10  }
0x38: {  	s10 =	sld [smem:$0x3F90]  }
0x39: {  	_ = 	snop;
	(pc) =	sbr.ind lr, $3  }
0x3a: {  	_ = 	snop  }
0x3b: {  	_ = 	snop  }
0x3c: {  	p2 =	seq.s32 s10, $0x1;
	s10 =	sld [smem:$0x3F8F]  }
0x3d: {  	_ =	shalt  }
0x3e: {  	_ =	shalt  }
0x3f: {  	_ =	shalt  }
0x40: {  	_ =	shalt  }
0x41: {  	_ =	shalt  }
0x42: {  	_ =	shalt  }
0x43: {  	_ =	shalt  }
0x44: {  	_ =	shalt  }
0x45: {  	_ =	shalt  }
0x46: {  	_ =	shalt  }
0x47: {  	_ =	shalt  }
0x48: {  	_ =	shalt  }
0x49: {  	_ =	shalt  }
0x4a: {  	_ =	shalt  }
0x4b: {  	_ =	shalt  }
0x4c: {  	_ =	shalt  }
0x4d: {  	_ =	shalt  }
0x4e: {  	_ =	shalt  }
0x4f: {  	_ =	shalt  }
0x50: {  	_ =	shalt  }
0x51: {  	_ =	shalt  }
0x52: {  	_ =	shalt  }
0x53: {  	_ =	shalt  }
0x54: {  	_ =	shalt  }
0x55: {  	_ =	shalt  }
0x56: {  	_ =	shalt  }
0x57: {  	_ =	shalt  }
0x58: {  	_ =	shalt  }
0x59: {  	_ =	shalt  }
0x5a: {  	_ =	shalt  }
0x5b: {  	_ =	shalt  }
0x5c: {  	_ =	shalt  }
0x5d: {  	_ =	shalt  }
0x5e: {  	_ =	shalt  }
0x5f: {  	_ =	shalt  }
0x60: {  	_ =	shalt  }
0x61: {  	_ =	shalt  }
0x62: {  	_ =	shalt  }
0x63: {  	_ =	shalt  }
0x64: {  	_ =	shalt  }
0x65: {  	_ =	shalt  }
0x66: {  	_ =	shalt  }
0x67: {  	_ =	shalt  }
0x68: {  	_ =	shalt  }
0x69: {  	_ =	shalt  }
0x6a: {  	_ =	shalt  }
0x6b: {  	_ =	shalt  }
0x6c: {  	_ =	shalt  }
0x6d: {  	_ =	shalt  }
0x6e: {  	_ =	shalt  }
0x6f: {  	_ =	shalt  }
0x70: {  	_ =	shalt  }
0x71: {  	_ =	shalt  }
0x72: {  	_ =	shalt  }
0x73: {  	_ =	shalt  }
0x74: {  	_ =	shalt  }
0x75: {  	_ =	shalt  }
0x76: {  	_ =	shalt  }
0x77: {  	_ =	shalt  }
0x78: {  	_ =	shalt  }
0x79: {  	_ =	shalt  }
0x7a: {  	_ =	shalt  }
0x7b: {  	_ =	shalt  }
0x7c: {  	_ =	shalt  }
0x7d: {  	_ =	shalt  }
0x7e: {  	_ =	shalt  }
0x7f: {  	_ =	shalt  }
0x80: {  	_ =	shalt  }
0x81: {  	_ =	shalt  }
0x82: {  	_ =	shalt  }
0x83: {  	_ =	shalt  }
0x84: {  	_ =	shalt  }
0x85: {  	_ =	shalt  }
0x86: {  	_ =	shalt  }
0x87: {  	_ =	shalt  }
.Lfunc_end0:
.L_simem_size_0:
called_computation.1_lowered:
.L_overlay_start_0:
0x88: {  	s2 =	sld [smem:$0x3FD9]  }
0x89: {  	s3 =	sld [smem:$0x3FFE];
	_ =	sdelay $0x1  }
0x8a: {  	s1 =	srdreg.scid  }
0x8b: {  	s0 =	sand.u32 $0x1, s1  }
0x8c: {  	s16 =	sshll.u32 s0, $0xA;
	s2 =	sadd.s32 s3, s2  }
0x8d: {  	s2 =	sadd.s32 s2, s16  }
0x8e: {  	[smem:$0x3F9B] =	sst s2  }
0x8f: {  	_ = 	snop  }
0x90: {  	(tm) =	ssettm $0x1  }
0x91: {  	s17 =	sld [smem:$0x3FFB];
	_ =	sdelay $0x3  }
0x92: {  	_ =	strace s17  }
0x93: {  	s2 =	sld [smem:$0x3FFC];
	_ =	sdelay $0x3  }
0x94: {  	_ =	strace s2  }
0x95: {  	s2 =	sld [smem:$0x3FFD];
	_ =	sdelay $0x3  }
0x96: {  	_ =	strace s2  }
0x97: {  	_ =	strace $0x8FFFFFFF  }
0x98: {  	s18 =	sld [smem:$0x3FDB];
	_ =	sdelay $0x1  }
0x99: {  	s19 =	simm.s32 $_scs_section_size  }
0x9a: {  	s4 =	simm.s32 $_size__tile_overlayer_lowered;
	s5 =	simm.s32 $_tile_overlayer_lowered  }
0x9b: {  	s22 =	simm.s32 $0x1BFF;
	s21 =	sshll.u32 s5, $0x1;
	s2 =	sadd.s32 s19, s18  }
0x9c: {  	s6 =	simm.s32 $0x0;
	s20 =	sshll.u32 s4, $0x1;
	s4 =	sadd.s32 s21, s2  }
0x9d: {  	[timem:s6], [sflag:s22] =	dma.local [hbm:s4], s20  }
0x9e: {  	_ =	swait.ge [sflag:s22], s20  }
0x9f: {  	s3 =	ssub.s32 $0x0, s20;
	[sflag:s22] =	ssyncset.done $0x0  }
0xa0: {  	[sflag:s22] =	ssyncadd.s32 s3;
	_ =	sdelay $0x1  }
0xa1: {  	s23 =	simm.s32 $0x1B8B  }
0xa2: {  	_ =	swait.ge [sflag:s23], $0x1  }
0xa3: {  	[sflag:s23] =	ssyncset.done $0x0  }
0xa4: {  	s25 =	simm.s32 $0x1B8E;
	s24 =	sld [smem:$0x3FFE];
	[sflag:s23] =	ssyncadd.s32 $0xFFFFFFFF  }
0xa5: {  	s26 =	simm.s32 $execute0_lowered;
	[smem:$0x3FD2] =	sst s25  }
0xa6: {  	s4 =	sshll.u32 s26, $0x1;
	_ =	strace $0x80000046;
	[dreg:$0x1] =	wrdreg $0xFFFFFFFF  }
0xa7: {  	s28 =	simm.s32 $_size_execute0_lowered;
	s2 =	sadd.s32 s2, s4;
	[dreg:$0x0] =	wrdreg $0x0  }
0xa8: {  	s4 =	sshll.u32 s28, $0x1;
	[dreg:$0x2] =	wrdreg s2  }
0xa9: {  	[dreg:$0x3] =	wrdreg s4  }
0xaa: {  	[dreg:$0x4] =	wrdreg $0xC0  }
0xab: {  	_ =	task [dreg:s6], $0x5FFFF  }
0xac: {  	[dreg:$0x1] =	wrdreg $0xFFFFFFFF  }
0xad: {  	[dreg:$0x0] =	wrdreg $0x60  }
0xae: {  	[dreg:$0x2] =	wrdreg s24  }
0xaf: {  	[dreg:$0x3] =	wrdreg $0xA  }
0xb0: {  	_ =	task.clear_ibuf [dreg:s6], $0x4FFFF;
	_ =	strace $0x90000046  }
0xb1: {  	s29 =	simm.s32 $0xA;
	_ =	strace $0x80000048  }
0xb2: {  	_ =	swait.ge [sflag:s29], $0x1  }
0xb3: {  	[sflag:s29] =	ssyncadd.s32 $0xFFFFFFFF  }
0xb4: {  	_ =	strace $0x90000048  }
0xb5: {  	_ =	sfence  }
0xb6: {  	s30 =	sld [smem:$0x0];
	_ =	sdelay $0x2  }
0xb7: {  	s31 =	sshll.u32 s1, $0xD;
	s1 =	sshrl.u32 s1, $0x2  }
0xb8: {  	s3 =	sand.u32 $0x4000, s31;
	s1 =	sadd.s32 s1, s30  }
0xb9: {  	s0 =	sor.u32 s3, s0;
	s1 =	sshll.u32 s1, $0x11  }
0xba: {  	s0 =	sor.u32 s1, s0  }
0xbb: {  	s0 =	sadd.s32 $0x8F2B, s0  }
0xbc: {  	[sflag:s0] =	ssyncadd.remote.s32 $0x1  }
0xbd: {  	_ =	sfence.sel $0xFFFF  }
0xbe: {  	[dreg:$0x0] =	wrdreg $0xFFFFFFFF;
	(pc) =	sbr.abs _section_cstart, $3  }
0xbf: {  	[dreg:$0x1] =	wrdreg $0xFFFFFFFF  }
0xc0: {  	_ =	task.clear_ibuf [dreg:s6], $0x2FFFF;
	_ =	strace $0x9FFFFFFF  }
0xc1: {  	(tm) =	ssettm $0x7FFFFFFF  }
tec
execute0_lowered:
.L_overlay_start_1:
0x0: {  	(tag) =	ssettag $0x1  }
0x1: {  	s1 =	srdreg.scid  }
0x2: {  	s0 =	stileid.u32;
	s4 =	rddreg [dreg:$0x0]  }
0x3: {  	s2 =	simm.s32 $0x0;
	s11 =	simm.s32 $0x5000;
	s12 =	simm.s32 $0x5800  }
0x4: {  	s13 =	simm.s32 $0x1;
	s14 =	simm.s32 $0x2;
	s15 =	simm.s32 $0x0  }
0x5: {  	s5 =	sand.u32 $0x1, s1;
	s3 =	sshll.u32 s0, $0x1;
	s1 =	rddreg [dreg:$0x1]  }
0x6: {  	[smem:$0x7FF] =	sst s2;
	s7 =	smul.u32 $0xA000, s0;
	s3 =	sor.u32 s5, s3  }
0x7: {  	_ =	strace $0x80000047;
	s8 =	ssub.s32 $0x2, s5;
	s6 =	smul.u32 $0x2800, s3  }
0x8: {  	s10 =	smul.u32 $0x5000, s5;
	s3 =	sadd.s32 $0x44E00, s4;
	s9 =	sshrl.u32 s8, $0x1  }
0x9: {  	s7 =	sadd.s32 s7, s4;
	s8 =	ssub.s32 s8, s9;
	s6 =	sshrl.u32 s6, $0x3  }
0xa: {  	s31 =	sadd.s32 s10, s7;
	s9 =	simm.s32 $0x3;
	s6 =	sadd.s32 s6, s4  }
0xb: {  	s10 =	simm.s32 $0x80;
	s7 =	sadd.s32 $0x49E00, s31;
	s4 =	sadd.s32 $0x13C00, s6  }
0xc: {  	s5 =	sadd.s32 $0x9C00, s6;
	s6 =	smax.u32 s8, $0x1;
	s8 =	sadd.s32 $0xE9E00, s31  }
.LBB2_1:
0xd: {  	[tilespmem:s2], [sflag:$0x3] =	stream.linear.gather [hbm4b:s4+s2], $0x2800, $0x38;
	[tilespmem:$0x6000] =	vst v63  }
0xe: {  	_ =	swait.ge [sflag:s9], $0x2800  }
0xf: {  	[sflag:s9] =	ssyncset.done $0x0  }
0x10: {  	s16 =	simm.s32 $0x2800;
	[sflag:s9] =	ssyncadd.s32 $0xFFFFD800  }
0x11: {  	[tilespmem:s16], [sflag:$0x3] =	stream.linear.gather [hbm4b:s5+s2], $0x2800, $0x38;
	[tilespmem:$0x6000] =	vst v63  }
0x12: {  	_ =	swait.ge [sflag:s9], $0x2800  }
0x13: {  	[sflag:s9] =	ssyncset.done $0x0  }
0x14: {  	[sflag:s9] =	ssyncadd.s32 $0xFFFFD800  }
0x15: {  	[tilespmem:s11], [sflag:$0x1] =	stream.indirect.gather [hbm4b:s3+s10], $0x10, s2, s10, $0xb8;
	[tilespmem:$0x6000] =	vst v63  }
0x16: {  	_ = 	snop  }
0x17: {  	[tilespmem:s12], [sflag:$0x2] =	stream.indirect.gather [hbm4b:s3+s10], $0x10, s16, s10, $0xb8;
	[tilespmem:$0x6000] =	vst v63  }
0x18: {  	_ =	swait.ge [sflag:s13], $0x800  }
0x19: {  	[sflag:s13] =	ssyncset.done $0x0  }
0x1a: {  	[sflag:s13] =	ssyncadd.s32 $0xFFFFF800  }
0x1b: {  	_ =	swait.ge [sflag:s14], $0x800  }
0x1c: {  	[sflag:s14] =	ssyncset.done $0x0  }
0x1d: {  	s17 =	sadd.s32 $0x0, s8;
	[sflag:s14] =	ssyncadd.s32 $0xFFFFF800  }
0x1e: {  	[hbm4b:s17+s2] =	stream.linear.scatter [tilespmem:s11], [sflag:$0x3], $0x800, $0x38;
	[tilespmem:$0x6000] =	vst v63  }
0x1f: {  	_ =	swait.ge [sflag:s9], $0x800  }
0x20: {  	[sflag:s9] =	ssyncset.done $0x0  }
0x21: {  	s31 =	sadd.s32 $0x0, s7;
	[sflag:s9] =	ssyncadd.s32 $0xFFFFF800  }
0x22: {  	[hbm4b:s31+s2] =	stream.linear.scatter [tilespmem:s12], [sflag:$0x3], $0x800, $0x38;
	[tilespmem:$0x6000] =	vst v63  }
0x23: {  	_ =	swait.ge [sflag:s9], $0x800  }
0x24: {  	s18 =	simm.s32 $0x0;
	s17 =	simm.s32 $0x100;
	[sflag:s9] =	ssyncset.done $0x0  }
.LBB2_2:
0x25: {  	[sflag:s9] =	ssyncadd.s32 $0xFFFFF800;
	s18 =	sadd.s32 $0x80, s18;
	s16 =	sadd.s32 $0x80, s16  }
0x26: {  	[tilespmem:s11], [sflag:$0x1] =	stream.indirect.gather [hbm4b:s3+s10], $0x10, s18, s10, $0xb8;
	[tilespmem:$0x6000] =	vst v63  }
0x27: {  	p0 =	sne.s32 s17, $0x4F00;
	s19 =	smov.u32 s17;
	s17 =	sadd.s32 $0x100, s17  }
0x28: {  	[tilespmem:s12], [sflag:$0x2] =	stream.indirect.gather [hbm4b:s3+s10], $0x10, s16, s10, $0xb8;
	[tilespmem:$0x6000] =	vst v63  }
0x29: {  	_ =	swait.ge [sflag:s13], $0x800  }
0x2a: {  	[sflag:s13] =	ssyncset.done $0x0  }
0x2b: {  	[sflag:s13] =	ssyncadd.s32 $0xFFFFF800  }
0x2c: {  	_ =	swait.ge [sflag:s14], $0x800  }
0x2d: {  	[sflag:s14] =	ssyncset.done $0x0  }
0x2e: {  	s20 =	sadd.s32 s19, s8;
	[sflag:s14] =	ssyncadd.s32 $0xFFFFF800  }
0x2f: {  	[hbm4b:s20+s2] =	stream.linear.scatter [tilespmem:s11], [sflag:$0x3], $0x800, $0x38;
	[tilespmem:$0x6000] =	vst v63  }
0x30: {  	_ =	swait.ge [sflag:s9], $0x800  }
.Ltmp0:
0x31: {  	[sflag:s9] =	ssyncset.done $0x0;
	(pc) =	sbr.rel @p0 .LBB2_2-.Ltmp0, $4  }
0x32: {  	s19 =	sadd.s32 s19, s7;
	[sflag:s9] =	ssyncadd.s32 $0xFFFFF800  }
0x33: {  	[hbm4b:s19+s2] =	stream.linear.scatter [tilespmem:s12], [sflag:$0x3], $0x800, $0x38;
	[tilespmem:$0x6000] =	vst v63  }
0x34: {  	_ =	swait.ge [sflag:s9], $0x800  }
0x35: {  	[sflag:s9] =	ssyncset.done $0x0  }
0x36: {  	s15 =	sadd.s32 $0x1, s15  }
0x37: {  	p0 =	sne.s32 s15, s6  }
.Ltmp1:
0x38: {  	_ = 	snop;
	(pc) =	sbr.rel @p0 .LBB2_1-.Ltmp1, $2  }
0x39: {  	_ =	sdelay $0x2  }
0x3a: {  	[sflag:s9] =	ssyncadd.s32 $0xFFFFF800  }
0x3b: {  	_ =	sfence.sel $0x180000  }
0x3c: {  	[bflag:$0x0] =	sbarrier.arrive $0xFFFF  }
0x3d: {  	p0 =	sne.s32 s0, $0x0;
	_ =	strace $0x90000047  }
0x3e: {  	s0 =	sadd.s32 @!p0 $0x100000, s1;
	[bflag:$0x2] =	sbarrier.arrive $0xFFFF  }
0x3f: {  	[sflag:s0] =	ssyncadd.tile.s32 @!p0 $0x1;
	_ =	shalt  }
.Lfunc_end2:
_tile_overlayer_lowered:
.L_overlay_start_2:
0x40: {  	(tag) =	ssettag $0x2  }
0x41: {  	s0 =	rddreg [dreg:$0x0];
	s2 =	stileid.u32  }
0x42: {  	s1 =	rddreg [dreg:$0x1];
	p0 =	sne.s32 s2, $0x0  }
0x43: {  	s3 =	rddreg [dreg:$0x2];
	[bflag:$0x3] =	sbarrier.arrive $0xFFFF;
	s2 =	simm.s32 @!p0 $0x1C03  }
0x44: {  	[timem:s3], [sflag:s2] =	dma.local @!p0 [hbm:s0], s1  }
0x45: {  	s0 =	simm.s32 @!p0 $0x3  }
0x46: {  	_ =	swait.ge @!p0 [sflag:s0], s1  }
0x47: {  	s1 =	ssub.s32 @!p0 $0x0, s1;
	[sflag:s0] =	ssyncset.done @!p0 $0x0  }
0x48: {  	[sflag:s0] =	ssyncadd.s32 @!p0 s1  }
0x49: {  	[bflag:$0x3] =	sbarrier.arrive $0xFFFF  }
0x4a: {  	_ =	shalt  }

// kernel: kernel.20.cloned.1.call-start
scs
__scs_entry_jumppad:
0x0: {  	(pc) =	sbr.rel $0x88, $3  }
0x1: {  	(tag) =	ssettag $0x0;
	lr =	simm.s32 $0x1  }
0x2: {  	[smem:$0x3F74] =	sst lr;
	_ =	strace $0xD0000000  }
0x3: {  	_ = 	snop  }
0x4: {  	_ = 	snop  }
0x5: {  	_ = 	snop  }
0x6: {  	_ = 	snop  }
0x7: {  	_ = 	snop  }
__scs_overlays_trampoline_lowered:
0x8: {  	[smem:$0x3F83] =	sst s0  }
0x9: {  	[smem:$0x3F84] =	sst s1  }
0xa: {  	[smem:$0x3F85] =	sst s2  }
0xb: {  	[smem:$0x3F86] =	sst s3  }
0xc: {  	[smem:$0x3F87] =	sst s4  }
0xd: {  	[smem:$0x3F88] =	sst s5  }
0xe: {  	[smem:$0x3F89] =	sst s6  }
0xf: {  	[smem:$0x3F8A] =	sst s7  }
0x10: {  	[smem:$0x3F8B] =	sst s8  }
0x11: {  	[smem:$0x3F8C] =	sst s9;
	s0 =	simm.s32 @!p0 $0x0  }
0x12: {  	s1 =	sld [smem:$0x3F72];
	s0 =	simm.s32 @p0 $0x1  }
0x13: {  	[smem:$0x3F8D] =	sst s0;
	s0 =	simm.s32 @!p1 $0x0  }
0x14: {  	s2 =	sld [smem:$0x3F71];
	s0 =	simm.s32 @p1 $0x1  }
0x15: {  	[smem:$0x3F8E] =	sst s0;
	s0 =	simm.s32 @!p2 $0x0  }
0x16: {  	s3 =	sld [smem:$0x3FDB];
	s0 =	simm.s32 @p2 $0x1  }
0x17: {  	s4 =	simm.s32 $0x1BF5;
	[smem:$0x3F90] =	sst s0  }
0x18: {  	s0 =	sld [smem:$0x3F73];
	_ =	swait.ge [sflag:s4], $0x0  }
0x19: {  	s7 =	sld [smem:$0x3F74]  }
0x1a: {  	s8 =	sadd.s32 $0xFFFFE003, lr  }
0x1b: {  	s9 =	sadd.s32 $0xFFFFFEF7, lr;
	s5 =	simm.s32 $0xFFFFFFFF;
	p2 =	slt.u32 s8, $0xFFFFF086  }
0x1c: {  	p1 =	slt.u32 s9, $0xF7A;
	s5 =	simm.s32 @!p2 $0x0  }
0x1d: {  	s5 =	simm.s32 @p1 $0x1;
	p0 =	seq.s32 s7, s2  }
0x1e: {  	s7 =	smul.u32 @!p0 $0xF7A, s2;
	p2 =	seq.s32 @!p0 s5, $0x0  }
0x1f: {  	s9 =	smul.u32 $0xF7A, s1;
	s8 =	simm.s32 @!p0 $0x1BF5;
	p2 =	por !p2, p0  }
0x20: {  	[sflag:s8] =	ssyncset.s32 @!p0 $0xFFFFF086;
	s6 =	sadd.s32 @!p0 s3, s7;
	s7 =	simm.s32 @!p0 $0x108  }
0x21: {  	s3 =	sadd.s32 s3, s9;
	s6 =	sadd.s32 @!p0 $0x88, s6;
	s7 =	simm.s32 @p2 $0x1082  }
0x22: {  	[simem:s7], [sflag:s8] =	dma.local @!p0 [hbm:s6], $0xF7A  }
0x23: {  	s9 =	sor.u32 $0xD0000000, s2;
	s6 =	simm.s32 $0x108;
	_ =	swait.ge @!p0 [sflag:s8], $0x0  }
0x24: {  	s3 =	sadd.s32 $0x88, s3;
	s6 =	simm.s32 @!p1 $0x1082;
	[sflag:s4] =	ssyncset.s32 $0xFFFFF086  }
0x25: {  	[simem:s6], [sflag:s4] =	dma.local [hbm:s3], $0xF7A  }
0x26: {  	[smem:$0x3F74] =	sst s1;
	(tag) =	ssettag s2;
	_ =	strace s9  }
0x27: {  	s1 =	sld [smem:$0x3F84]  }
0x28: {  	s2 =	sld [smem:$0x3F85]  }
0x29: {  	s4 =	sld [smem:$0x3F87]  }
0x2a: {  	p0 =	seq.s32 s5, $0x0;
	s5 =	sld [smem:$0x3F88]  }
0x2b: {  	s6 =	sld [smem:$0x3F89]  }
0x2c: {  	s7 =	sld [smem:$0x3F8A]  }
0x2d: {  	s3 =	simm.s32 $0x108;
	s8 =	sld [smem:$0x3F8B]  }
0x2e: {  	s3 =	simm.s32 @!p0 $0x1082;
	s9 =	sld [smem:$0x3F8C]  }
0x2f: {  	lr =	sadd.s32 s0, s3;
	s0 =	sld [smem:$0x3F83]  }
0x30: {  	s3 =	sld [smem:$0x3F86]  }
0x31: {  	[smem:$0x3F8F] =	sst s10  }
0x32: {  	s10 =	sld [smem:$0x3F8D];
	_ =	sdelay $0x3  }
0x33: {  	p0 =	seq.s32 s10, $0x1;
	s10 =	sld [smem:$0x3F8F];
	_ =	sdelay $0x3  }
0x34: {  	[smem:$0x3F8F] =	sst s10  }
0x35: {  	s10 =	sld [smem:$0x3F8E];
	_ =	sdelay $0x3  }
0x36: {  	p1 =	seq.s32 s10, $0x1;
	s10 =	sld [smem:$0x3F8F];
	_ =	sdelay $0x3  }
0x37: {  	[smem:$0x3F8F] =	sst s10  }
0x38: {  	s10 =	sld [smem:$0x3F90]  }
0x39: {  	_ = 	snop;
	(pc) =	sbr.ind lr, $3  }
0x3a: {  	_ = 	snop  }
0x3b: {  	_ = 	snop  }
0x3c: {  	p2 =	seq.s32 s10, $0x1;
	s10 =	sld [smem:$0x3F8F]  }
0x3d: {  	_ =	shalt  }
0x3e: {  	_ =	shalt  }
0x3f: {  	_ =	shalt  }
0x40: {  	_ =	shalt  }
0x41: {  	_ =	shalt  }
0x42: {  	_ =	shalt  }
0x43: {  	_ =	shalt  }
0x44: {  	_ =	shalt  }
0x45: {  	_ =	shalt  }
0x46: {  	_ =	shalt  }
0x47: {  	_ =	shalt  }
0x48: {  	_ =	shalt  }
0x49: {  	_ =	shalt  }
0x4a: {  	_ =	shalt  }
0x4b: {  	_ =	shalt  }
0x4c: {  	_ =	shalt  }
0x4d: {  	_ =	shalt  }
0x4e: {  	_ =	shalt  }
0x4f: {  	_ =	shalt  }
0x50: {  	_ =	shalt  }
0x51: {  	_ =	shalt  }
0x52: {  	_ =	shalt  }
0x53: {  	_ =	shalt  }
0x54: {  	_ =	shalt  }
0x55: {  	_ =	shalt  }
0x56: {  	_ =	shalt  }
0x57: {  	_ =	shalt  }
0x58: {  	_ =	shalt  }
0x59: {  	_ =	shalt  }
0x5a: {  	_ =	shalt  }
0x5b: {  	_ =	shalt  }
0x5c: {  	_ =	shalt  }
0x5d: {  	_ =	shalt  }
0x5e: {  	_ =	shalt  }
0x5f: {  	_ =	shalt  }
0x60: {  	_ =	shalt  }
0x61: {  	_ =	shalt  }
0x62: {  	_ =	shalt  }
0x63: {  	_ =	shalt  }
0x64: {  	_ =	shalt  }
0x65: {  	_ =	shalt  }
0x66: {  	_ =	shalt  }
0x67: {  	_ =	shalt  }
0x68: {  	_ =	shalt  }
0x69: {  	_ =	shalt  }
0x6a: {  	_ =	shalt  }
0x6b: {  	_ =	shalt  }
0x6c: {  	_ =	shalt  }
0x6d: {  	_ =	shalt  }
0x6e: {  	_ =	shalt  }
0x6f: {  	_ =	shalt  }
0x70: {  	_ =	shalt  }
0x71: {  	_ =	shalt  }
0x72: {  	_ =	shalt  }
0x73: {  	_ =	shalt  }
0x74: {  	_ =	shalt  }
0x75: {  	_ =	shalt  }
0x76: {  	_ =	shalt  }
0x77: {  	_ =	shalt  }
0x78: {  	_ =	shalt  }
0x79: {  	_ =	shalt  }
0x7a: {  	_ =	shalt  }
0x7b: {  	_ =	shalt  }
0x7c: {  	_ =	shalt  }
0x7d: {  	_ =	shalt  }
0x7e: {  	_ =	shalt  }
0x7f: {  	_ =	shalt  }
0x80: {  	_ =	shalt  }
0x81: {  	_ =	shalt  }
0x82: {  	_ =	shalt  }
0x83: {  	_ =	shalt  }
0x84: {  	_ =	shalt  }
0x85: {  	_ =	shalt  }
0x86: {  	_ =	shalt  }
0x87: {  	_ =	shalt  }
.Lfunc_end0:
.L_simem_size_0:
called_computation.2_lowered:
.L_overlay_start_0:
0x88: {  	s2 =	sld [smem:$0x3FD9]  }
0x89: {  	s3 =	sld [smem:$0x3FFE];
	_ =	sdelay $0x1  }
0x8a: {  	s1 =	srdreg.scid  }
0x8b: {  	s0 =	sand.u32 $0x1, s1  }
0x8c: {  	s16 =	sshll.u32 s0, $0xA;
	s2 =	sadd.s32 s3, s2  }
0x8d: {  	s2 =	sadd.s32 s2, s16  }
0x8e: {  	[smem:$0x3F9B] =	sst s2  }
0x8f: {  	_ = 	snop  }
0x90: {  	(tm) =	ssettm $0x1  }
0x91: {  	s17 =	sld [smem:$0x3FFB];
	_ =	sdelay $0x3  }
0x92: {  	_ =	strace s17  }
0x93: {  	s2 =	sld [smem:$0x3FFC];
	_ =	sdelay $0x3  }
0x94: {  	_ =	strace s2  }
0x95: {  	s2 =	sld [smem:$0x3FFD];
	_ =	sdelay $0x3  }
0x96: {  	_ =	strace s2  }
0x97: {  	_ =	strace $0x8FFFFFFF  }
0x98: {  	s18 =	sld [smem:$0x3FDB];
	_ =	sdelay $0x1  }
0x99: {  	s19 =	simm.s32 $_scs_section_size  }
0x9a: {  	s4 =	simm.s32 $_size__tile_overlayer_lowered;
	s5 =	simm.s32 $_tile_overlayer_lowered  }
0x9b: {  	s22 =	simm.s32 $0x1BFF;
	s21 =	sshll.u32 s5, $0x1;
	s2 =	sadd.s32 s19, s18  }
0x9c: {  	s6 =	simm.s32 $0x0;
	s20 =	sshll.u32 s4, $0x1;
	s4 =	sadd.s32 s21, s2  }
0x9d: {  	[timem:s6], [sflag:s22] =	dma.local [hbm:s4], s20  }
0x9e: {  	_ =	swait.ge [sflag:s22], s20  }
0x9f: {  	s3 =	ssub.s32 $0x0, s20;
	[sflag:s22] =	ssyncset.done $0x0  }
0xa0: {  	[sflag:s22] =	ssyncadd.s32 s3;
	_ =	sdelay $0x1  }
0xa1: {  	s23 =	simm.s32 $0x1B8B  }
0xa2: {  	_ =	swait.ge [sflag:s23], $0x1  }
0xa3: {  	[sflag:s23] =	ssyncset.done $0x0  }
0xa4: {  	s25 =	simm.s32 $0x1B8E;
	s24 =	sld [smem:$0x3FFE];
	[sflag:s23] =	ssyncadd.s32 $0xFFFFFFFF  }
0xa5: {  	s26 =	simm.s32 $execute0_lowered;
	[smem:$0x3FD2] =	sst s25  }
0xa6: {  	s4 =	sshll.u32 s26, $0x1;
	_ =	strace $0x8000004C;
	[dreg:$0x1] =	wrdreg $0xFFFFFFFF  }
0xa7: {  	s28 =	simm.s32 $_size_execute0_lowered;
	s2 =	sadd.s32 s2, s4;
	[dreg:$0x0] =	wrdreg $0x0  }
0xa8: {  	s4 =	sshll.u32 s28, $0x1;
	[dreg:$0x2] =	wrdreg s2  }
0xa9: {  	[dreg:$0x3] =	wrdreg s4  }
0xaa: {  	[dreg:$0x4] =	wrdreg $0xC0  }
0xab: {  	_ =	task [dreg:s6], $0x5FFFF  }
0xac: {  	[dreg:$0x1] =	wrdreg $0xFFFFFFFF  }
0xad: {  	[dreg:$0x0] =	wrdreg $0x60  }
0xae: {  	[dreg:$0x2] =	wrdreg s24  }
0xaf: {  	[dreg:$0x3] =	wrdreg $0x68000  }
0xb0: {  	[dreg:$0x4] =	wrdreg $0x9  }
0xb1: {  	_ =	task.clear_ibuf [dreg:s6], $0x5FFFF;
	_ =	strace $0x9000004C  }
0xb2: {  	s29 =	simm.s32 $0x9;
	_ =	strace $0x8000004E  }
0xb3: {  	_ =	swait.ge [sflag:s29], $0x1  }
0xb4: {  	[sflag:s29] =	ssyncadd.s32 $0xFFFFFFFF  }
0xb5: {  	_ =	strace $0x9000004E  }
0xb6: {  	_ =	sfence  }
0xb7: {  	s30 =	sld [smem:$0x0];
	_ =	sdelay $0x2  }
0xb8: {  	s31 =	sshll.u32 s1, $0xD;
	s1 =	sshrl.u32 s1, $0x2  }
0xb9: {  	s3 =	sand.u32 $0x4000, s31;
	s1 =	sadd.s32 s1, s30  }
0xba: {  	s0 =	sor.u32 s3, s0;
	s1 =	sshll.u32 s1, $0x11  }
0xbb: {  	s0 =	sor.u32 s1, s0  }
0xbc: {  	s0 =	sadd.s32 $0x8F2B, s0  }
0xbd: {  	[sflag:s0] =	ssyncadd.remote.s32 $0x1  }
0xbe: {  	_ =	sfence.sel $0xFFFF  }
0xbf: {  	[dreg:$0x0] =	wrdreg $0xFFFFFFFF;
	(pc) =	sbr.abs _section_cstart, $3  }
0xc0: {  	[dreg:$0x1] =	wrdreg $0xFFFFFFFF  }
0xc1: {  	_ =	task.clear_ibuf [dreg:s6], $0x2FFFF;
	_ =	strace $0x9FFFFFFF  }
0xc2: {  	(tm) =	ssettm $0x7FFFFFFF  }
0xc3: {  	_ =	shalt  }
tec
execute0_lowered:
.L_overlay_start_1:
0x0: {  	(tag) =	ssettag $0x1  }
0x1: {  	s0 =	stileid.u32  }
0x2: {  	s1 =	srdreg.scid;
	s7 =	rddreg [dreg:$0x0]  }
0x3: {  	s2 =	rddreg [dreg:$0x1];
	s5 =	smul.u32 $0x50000, s0  }
0x4: {  	s3 =	simm.s32 $0x0;
	s16 =	simm.s32 $0x80;
	s8 =	smul.u32 $0x2700, s0  }
0x5: {  	s17 =	simm.s32 $0x0;
	s6 =	sand.u32 $0x1, s1;
	s9 =	smul.u32 $0x4E000, s0  }
0x6: {  	[smem:$0x7FF] =	sst s3;
	s11 =	sadd.s32 $0x6C000, s7;
	s28 =	smul.u32 $0x13800, s0  }
0x7: {  	s23 =	sshll.u32 s0, $0x1;
	s15 =	sadd.s32 $0x124800, s2;
	s13 =	smul.u32 $0x138800, s6  }
0x8: {  	p0 =	seq.s32 s0, $0xF;
	s1 =	sor.u32 s6, s23;
	s31 =	smul.u32 $0x28000, s6  }
0x9: {  	s25 =	ssub.s32 $0x2, s6;
	s6 =	sadd.s32 $0x69700, s7;
	s4 =	smul.u32 $0x2800, s1  }
0xa: {  	s1 =	rddreg [dreg:$0x2];
	_ =	strace $0x8000004D;
	s10 =	sadd.s32 s5, s7  }
0xb: {  	s24 =	sadd.s32 s8, s7;
	s12 =	sshrl.u32 s25, $0x1;
	s26 =	sshrl.u32 s9, $0x2  }
0xc: {  	s12 =	ssub.s32 s25, s12;
	s14 =	sadd.s32 s26, s2;
	s5 =	sadd.s32 $0x44E00, s24  }
0xd: {  	s29 =	sadd.s32 s28, s13;
	s30 =	sshrl.u32 s13, $0x3;
	s10 =	sadd.s32 s31, s10  }
0xe: {  	s13 =	sshll.u32 @!p0 s0, $0x6;
	s4 =	sshrl.u32 s4, $0x3;
	s8 =	sshrl.u32 s29, $0x3  }
0xf: {  	s9 =	sadd.s32 s11, s30;
	s10 =	sadd.s32 $0x15B1000, s10;
	s13 =	sor.u32 @!p0 $0x1C01, s13  }
0x10: {  	s14 =	sshrl.u32 @!p0 s14, $0x3;
	s4 =	sadd.s32 s4, s7;
	s7 =	sadd.s32 s11, s8  }
0x11: {  	s8 =	sadd.s32 $0x24900, s9;
	s9 =	smax.u32 s12, $0x1;
	s11 =	simm.s32 $0x1  }
0x12: {  	s12 =	sshrl.u32 @p0 s15, $0x3;
	s15 =	simm.s32 $0x2800;
	s4 =	sadd.s32 $0x9C00, s4  }
.LBB2_1:
0x13: {  	[tilespmem:s3], [sflag:$0x1] =	stream.linear.gather [hbm4b:s4+s3], $0x2800, $0x38;
	[tilespmem:$0x1A080] =	vst v63  }
0x14: {  	_ =	swait.ge [sflag:s11], $0x2800  }
0x15: {  	[sflag:s11] =	ssyncset.done $0x0  }
0x16: {  	s18 =	simm.s32 @p0 $0x1FC1;
	[sflag:s11] =	ssyncadd.s32 $0xFFFFD800  }
0x17: {  	[spmem:s12], [sflag:s18] =	dma.local @p0 [hbm:s6], $0x2800  }
0x18: {  	s18 =	simm.s32 @p0 $0x1  }
0x19: {  	_ =	swait.ge @p0 [sflag:s18], $0x2800  }
0x1a: {  	[sflag:s18] =	ssyncset.done @p0 $0x0  }
0x1b: {  	[sflag:s18] =	ssyncadd.s32 @p0 $0xFFFFD800;
	s18 =	simm.s32 @!p0 $0x1  }
0x1c: {  	[spmem:s14], [sflag:s13] =	dma.local @!p0 [hbm:s5], $0x2700  }
0x1d: {  	_ =	swait.ge @!p0 [sflag:s18], $0x2700  }
0x1e: {  	[sflag:s18] =	ssyncset.done @!p0 $0x0  }
0x1f: {  	[sflag:s18] =	ssyncadd.s32 @!p0 $0xFFFFD900  }
0x20: {  	[bflag:$0x0] =	sbarrier.arrive $0xFFFF  }
0x21: {  	[tilespmem:s15], [sflag:$0x1] =	stream.linear.gather [hbm4b:s10+s3], $0x4000, $0x38;
	[tilespmem:$0x1A080] =	vst v63  }
0x22: {  	_ =	swait.ge [sflag:s11], $0x4000  }
0x23: {  	[sflag:s11] =	ssyncset.done $0x0  }
0x24: {  	s31 =	simm.s32 $0x0;
	[sflag:s11] =	ssyncadd.s32 $0xFFFFC000  }
0x25: {  	[spmem:s2] =	stream.indirect.scatter.add.f32 [tilespmem:s15], [sflag:$0x1], $0x80, s31, s16, $0xb8;
	[tilespmem:$0x1A080] =	vst v63  }
0x26: {  	_ =	swait.ge [sflag:s11], $0x4000  }
0x27: {  	s19 =	smov.u32 s10;
	s18 =	simm.s32 $0x200;
	[sflag:s11] =	ssyncset.done $0x0  }
.LBB2_2:
0x28: {  	p1 =	sne.s32 s18, $0x9E00;
	[sflag:s11] =	ssyncadd.s32 $0xFFFFC000;
	s19 =	sadd.s32 $0x800, s19  }
0x29: {  	[tilespmem:s15], [sflag:$0x1] =	stream.linear.gather [hbm4b:s19+s3], $0x4000, $0x38;
	[tilespmem:$0x1A080] =	vst v63  }
0x2a: {  	s20 =	smov.u32 s18;
	s18 =	sadd.s32 $0x200, s18;
	_ =	swait.ge [sflag:s11], $0x4000  }
.Ltmp0:
0x2b: {  	[sflag:s11] =	ssyncset.done $0x0;
	(pc) =	sbr.rel @p1 .LBB2_2-.Ltmp0, $4  }
0x2c: {  	s20 =	sshra.s32 s20, $0x2;
	[sflag:s11] =	ssyncadd.s32 $0xFFFFC000  }
0x2d: {  	[spmem:s2] =	stream.indirect.scatter.add.f32 [tilespmem:s15], [sflag:$0x1], $0x80, s20, s16, $0xb8;
	[tilespmem:$0x1A080] =	vst v63  }
0x2e: {  	_ =	swait.ge [sflag:s11], $0x4000  }
0x2f: {  	[sflag:s11] =	ssyncset.done $0x0  }
0x30: {  	[sflag:s11] =	ssyncadd.s32 $0xFFFFC000  }
0x31: {  	s18 =	simm.s32 @p0 $0x1FC1;
	[bflag:$0x0] =	sbarrier.arrive $0xFFFF  }
0x32: {  	[hbm:s8], [sflag:s18] =	dma.local @p0 [spmem:s12], $0x2800  }
0x33: {  	s18 =	simm.s32 @p0 $0x1  }
0x34: {  	s17 =	sadd.s32 $0x1, s17;
	_ =	swait.ge @p0 [sflag:s18], $0x2800  }
0x35: {  	p1 =	sne.s32 s17, s9;
	[sflag:s18] =	ssyncset.done @p0 $0x0  }
.Ltmp1:
0x36: {  	[sflag:s18] =	ssyncadd.s32 @p0 $0xFFFFD800;
	s18 =	simm.s32 @!p0 $0x1;
	(pc) =	sbr.rel @p1 .LBB2_1-.Ltmp1, $4  }
0x37: {  	[hbm:s7], [sflag:s13] =	dma.local @!p0 [spmem:s14], $0x2700  }
0x38: {  	_ =	swait.ge @!p0 [sflag:s18], $0x2700  }
0x39: {  	[sflag:s18] =	ssyncset.done @!p0 $0x0  }
0x3a: {  	[sflag:s18] =	ssyncadd.s32 @!p0 $0xFFFFD900  }
0x3b: {  	_ =	sfence.sel $0x180000  }
0x3c: {  	[bflag:$0x0] =	sbarrier.arrive $0xFFFF  }
0x3d: {  	p0 =	sne.s32 s0, $0x0;
	_ =	strace $0x9000004D  }
0x3e: {  	s0 =	sadd.s32 @!p0 $0x100000, s1;
	[bflag:$0x2] =	sbarrier.arrive $0xFFFF  }
0x3f: {  	[sflag:s0] =	ssyncadd.tile.s32 @!p0 $0x1;
	_ =	shalt  }
.Lfunc_end2:
_tile_overlayer_lowered:
.L_overlay_start_2:
0x40: {  	(tag) =	ssettag $0x2  }
0x41: {  	s0 =	rddreg [dreg:$0x0];
	s2 =	stileid.u32  }
0x42: {  	s1 =	rddreg [dreg:$0x1];
	p0 =	sne.s32 s2, $0x0  }
0x43: {  	s3 =	rddreg [dreg:$0x2];
	[bflag:$0x3] =	sbarrier.arrive $0xFFFF;
	s2 =	simm.s32 @!p0 $0x1C01  }
0x44: {  	[timem:s3], [sflag:s2] =	dma.local @!p0 [hbm:s0], s1  }
0x45: {  	s0 =	simm.s32 @!p0 $0x1  }
0x46: {  	_ =	swait.ge @!p0 [sflag:s0], s1  }
0x47: {  	s1 =	ssub.s32 @!p0 $0x0, s1;
	[sflag:s0] =	ssyncset.done @!p0 $0x0  }
0x48: {  	[sflag:s0] =	ssyncadd.s32 @!p0 s1  }
0x49: {  	[bflag:$0x3] =	sbarrier.arrive $0xFFFF  }
0x4a: {  	_ =	shalt  }

// kernel: kernel.23.cloned.1.call-start
scs
__scs_entry_jumppad:
0x0: {  	(pc) =	sbr.rel $0x88, $3  }
0x1: {  	(tag) =	ssettag $0x0;
	lr =	simm.s32 $0x1  }
0x2: {  	[smem:$0x3F74] =	sst lr;
	_ =	strace $0xD0000000  }
0x3: {  	_ = 	snop  }
0x4: {  	_ = 	snop  }
0x5: {  	_ = 	snop  }
0x6: {  	_ = 	snop  }
0x7: {  	_ = 	snop  }
__scs_overlays_trampoline_lowered:
0x8: {  	[smem:$0x3F83] =	sst s0  }
0x9: {  	[smem:$0x3F84] =	sst s1  }
0xa: {  	[smem:$0x3F85] =	sst s2  }
0xb: {  	[smem:$0x3F86] =	sst s3  }
0xc: {  	[smem:$0x3F87] =	sst s4  }
0xd: {  	[smem:$0x3F88] =	sst s5  }
0xe: {  	[smem:$0x3F89] =	sst s6  }
0xf: {  	[smem:$0x3F8A] =	sst s7  }
0x10: {  	[smem:$0x3F8B] =	sst s8  }
0x11: {  	[smem:$0x3F8C] =	sst s9;
	s0 =	simm.s32 @!p0 $0x0  }
0x12: {  	s1 =	sld [smem:$0x3F72];
	s0 =	simm.s32 @p0 $0x1  }
0x13: {  	[smem:$0x3F8D] =	sst s0;
	s0 =	simm.s32 @!p1 $0x0  }
0x14: {  	s2 =	sld [smem:$0x3F71];
	s0 =	simm.s32 @p1 $0x1  }
0x15: {  	[smem:$0x3F8E] =	sst s0;
	s0 =	simm.s32 @!p2 $0x0  }
0x16: {  	s3 =	sld [smem:$0x3FDB];
	s0 =	simm.s32 @p2 $0x1  }
0x17: {  	s4 =	simm.s32 $0x1BF5;
	[smem:$0x3F90] =	sst s0  }
0x18: {  	s0 =	sld [smem:$0x3F73];
	_ =	swait.ge [sflag:s4], $0x0  }
0x19: {  	s7 =	sld [smem:$0x3F74]  }
0x1a: {  	s8 =	sadd.s32 $0xFFFFE003, lr  }
0x1b: {  	s9 =	sadd.s32 $0xFFFFFEF7, lr;
	s5 =	simm.s32 $0xFFFFFFFF;
	p2 =	slt.u32 s8, $0xFFFFF086  }
0x1c: {  	p1 =	slt.u32 s9, $0xF7A;
	s5 =	simm.s32 @!p2 $0x0  }
0x1d: {  	s5 =	simm.s32 @p1 $0x1;
	p0 =	seq.s32 s7, s2  }
0x1e: {  	s7 =	smul.u32 @!p0 $0xF7A, s2;
	p2 =	seq.s32 @!p0 s5, $0x0  }
0x1f: {  	s9 =	smul.u32 $0xF7A, s1;
	s8 =	simm.s32 @!p0 $0x1BF5;
	p2 =	por !p2, p0  }
0x20: {  	[sflag:s8] =	ssyncset.s32 @!p0 $0xFFFFF086;
	s6 =	sadd.s32 @!p0 s3, s7;
	s7 =	simm.s32 @!p0 $0x108  }
0x21: {  	s3 =	sadd.s32 s3, s9;
	s6 =	sadd.s32 @!p0 $0x88, s6;
	s7 =	simm.s32 @p2 $0x1082  }
0x22: {  	[simem:s7], [sflag:s8] =	dma.local @!p0 [hbm:s6], $0xF7A  }
0x23: {  	s9 =	sor.u32 $0xD0000000, s2;
	s6 =	simm.s32 $0x108;
	_ =	swait.ge @!p0 [sflag:s8], $0x0  }
0x24: {  	s3 =	sadd.s32 $0x88, s3;
	s6 =	simm.s32 @!p1 $0x1082;
	[sflag:s4] =	ssyncset.s32 $0xFFFFF086  }
0x25: {  	[simem:s6], [sflag:s4] =	dma.local [hbm:s3], $0xF7A  }
0x26: {  	[smem:$0x3F74] =	sst s1;
	(tag) =	ssettag s2;
	_ =	strace s9  }
0x27: {  	s1 =	sld [smem:$0x3F84]  }
0x28: {  	s2 =	sld [smem:$0x3F85]  }
0x29: {  	s4 =	sld [smem:$0x3F87]  }
0x2a: {  	p0 =	seq.s32 s5, $0x0;
	s5 =	sld [smem:$0x3F88]  }
0x2b: {  	s6 =	sld [smem:$0x3F89]  }
0x2c: {  	s7 =	sld [smem:$0x3F8A]  }
0x2d: {  	s3 =	simm.s32 $0x108;
	s8 =	sld [smem:$0x3F8B]  }
0x2e: {  	s3 =	simm.s32 @!p0 $0x1082;
	s9 =	sld [smem:$0x3F8C]  }
0x2f: {  	lr =	sadd.s32 s0, s3;
	s0 =	sld [smem:$0x3F83]  }
0x30: {  	s3 =	sld [smem:$0x3F86]  }
0x31: {  	[smem:$0x3F8F] =	sst s10  }
0x32: {  	s10 =	sld [smem:$0x3F8D];
	_ =	sdelay $0x3  }
0x33: {  	p0 =	seq.s32 s10, $0x1;
	s10 =	sld [smem:$0x3F8F];
	_ =	sdelay $0x3  }
0x34: {  	[smem:$0x3F8F] =	sst s10  }
0x35: {  	s10 =	sld [smem:$0x3F8E];
	_ =	sdelay $0x3  }
0x36: {  	p1 =	seq.s32 s10, $0x1;
	s10 =	sld [smem:$0x3F8F];
	_ =	sdelay $0x3  }
0x37: {  	[smem:$0x3F8F] =	sst s10  }
0x38: {  	s10 =	sld [smem:$0x3F90]  }
0x39: {  	_ = 	snop;
	(pc) =	sbr.ind lr, $3  }
0x3a: {  	_ = 	snop  }
0x3b: {  	_ = 	snop  }
0x3c: {  	p2 =	seq.s32 s10, $0x1;
	s10 =	sld [smem:$0x3F8F]  }
0x3d: {  	_ =	shalt  }
0x3e: {  	_ =	shalt  }
0x3f: {  	_ =	shalt  }
0x40: {  	_ =	shalt  }
0x41: {  	_ =	shalt  }
0x42: {  	_ =	shalt  }
0x43: {  	_ =	shalt  }
0x44: {  	_ =	shalt  }
0x45: {  	_ =	shalt  }
0x46: {  	_ =	shalt  }
0x47: {  	_ =	shalt  }
0x48: {  	_ =	shalt  }
0x49: {  	_ =	shalt  }
0x4a: {  	_ =	shalt  }
0x4b: {  	_ =	shalt  }
0x4c: {  	_ =	shalt  }
0x4d: {  	_ =	shalt  }
0x4e: {  	_ =	shalt  }
0x4f: {  	_ =	shalt  }
0x50: {  	_ =	shalt  }
0x51: {  	_ =	shalt  }
0x52: {  	_ =	shalt  }
0x53: {  	_ =	shalt  }
0x54: {  	_ =	shalt  }
0x55: {  	_ =	shalt  }
0x56: {  	_ =	shalt  }
0x57: {  	_ =	shalt  }
0x58: {  	_ =	shalt  }
0x59: {  	_ =	shalt  }
0x5a: {  	_ =	shalt  }
0x5b: {  	_ =	shalt  }
0x5c: {  	_ =	shalt  }
0x5d: {  	_ =	shalt  }
0x5e: {  	_ =	shalt  }
0x5f: {  	_ =	shalt  }
0x60: {  	_ =	shalt  }
0x61: {  	_ =	shalt  }
0x62: {  	_ =	shalt  }
0x63: {  	_ =	shalt  }
0x64: {  	_ =	shalt  }
0x65: {  	_ =	shalt  }
0x66: {  	_ =	shalt  }
0x67: {  	_ =	shalt  }
0x68: {  	_ =	shalt  }
0x69: {  	_ =	shalt  }
0x6a: {  	_ =	shalt  }
0x6b: {  	_ =	shalt  }
0x6c: {  	_ =	shalt  }
0x6d: {  	_ =	shalt  }
0x6e: {  	_ =	shalt  }
0x6f: {  	_ =	shalt  }
0x70: {  	_ =	shalt  }
0x71: {  	_ =	shalt  }
0x72: {  	_ =	shalt  }
0x73: {  	_ =	shalt  }
0x74: {  	_ =	shalt  }
0x75: {  	_ =	shalt  }
0x76: {  	_ =	shalt  }
0x77: {  	_ =	shalt  }
0x78: {  	_ =	shalt  }
0x79: {  	_ =	shalt  }
0x7a: {  	_ =	shalt  }
0x7b: {  	_ =	shalt  }
0x7c: {  	_ =	shalt  }
0x7d: {  	_ =	shalt  }
0x7e: {  	_ =	shalt  }
0x7f: {  	_ =	shalt  }
0x80: {  	_ =	shalt  }
0x81: {  	_ =	shalt  }
0x82: {  	_ =	shalt  }
0x83: {  	_ =	shalt  }
0x84: {  	_ =	shalt  }
0x85: {  	_ =	shalt  }
0x86: {  	_ =	shalt  }
0x87: {  	_ =	shalt  }
.Lfunc_end0:
.L_simem_size_0:
called_computation.3_lowered:
.L_overlay_start_0:
0x88: {  	s2 =	sld [smem:$0x3FD9]  }
0x89: {  	s3 =	sld [smem:$0x3FFE];
	_ =	sdelay $0x1  }
0x8a: {  	s1 =	srdreg.scid  }
0x8b: {  	s0 =	sand.u32 $0x1, s1  }
0x8c: {  	s17 =	sshll.u32 s0, $0xA;
	s2 =	sadd.s32 s3, s2  }
0x8d: {  	s2 =	sadd.s32 s2, s17  }
0x8e: {  	[smem:$0x3F9B] =	sst s2  }
0x8f: {  	_ = 	snop  }
0x90: {  	(tm) =	ssettm $0x1  }
0x91: {  	s18 =	sld [smem:$0x3FFB];
	_ =	sdelay $0x3  }
0x92: {  	_ =	strace s18  }
0x93: {  	s2 =	sld [smem:$0x3FFC];
	_ =	sdelay $0x3  }
0x94: {  	_ =	strace s2  }
0x95: {  	s2 =	sld [smem:$0x3FFD];
	_ =	sdelay $0x3  }
0x96: {  	_ =	strace s2  }
0x97: {  	_ =	strace $0x8FFFFFFF  }
0x98: {  	s19 =	sld [smem:$0x3FDB];
	_ =	sdelay $0x1  }
0x99: {  	s20 =	simm.s32 $_scs_section_size  }
0x9a: {  	s4 =	simm.s32 $_size__tile_overlayer_lowered;
	s5 =	simm.s32 $_tile_overlayer_lowered  }
0x9b: {  	s6 =	simm.s32 $0x1BFF;
	s21 =	sshll.u32 s5, $0x1;
	s3 =	sadd.s32 s20, s19  }
0x9c: {  	s22 =	simm.s32 $0x0;
	s4 =	sshll.u32 s4, $0x1;
	s5 =	sadd.s32 s21, s3  }
0x9d: {  	[timem:s22], [sflag:s6] =	dma.local [hbm:s5], s4  }
0x9e: {  	_ =	swait.ge [sflag:s6], s4  }
0x9f: {  	s4 =	ssub.s32 $0x0, s4;
	[sflag:s6] =	ssyncset.done $0x0  }
0xa0: {  	[sflag:s6] =	ssyncadd.s32 s4;
	_ =	sdelay $0x1  }
0xa1: {  	s23 =	simm.s32 $0x1B8B  }
0xa2: {  	_ =	swait.ge [sflag:s23], $0x1  }
0xa3: {  	[sflag:s23] =	ssyncset.done $0x0  }
0xa4: {  	[sflag:s23] =	ssyncadd.s32 $0xFFFFFFFF  }
0xa5: {  	s4 =	sld [smem:$0x0]  }
0xa6: {  	s5 =	sand.u32 $0xFFFFFFFE, s1  }
0xa7: {  	p0 =	sne.s32 s1, s5  }
0xa8: {  	s5 =	sshll.u32 @p0 s5, $0xE  }
0xa9: {  	s5 =	sadd.s32 @p0 $0x11B8D, s5;
	s6 =	sshll.u32 @p0 s4, $0x11  }
0xaa: {  	s5 =	sor.u32 @p0 s6, s5  }
0xab: {  	[sflag:s5] =	ssyncadd.remote.s32 @p0 $0x1;
	_ =	sdelay $0x1  }
0xac: {  	s5 =	simm.s32 @p0 $0x1B8D  }
0xad: {  	_ =	swait.eq @p0 [sflag:s5], $0x1  }
0xae: {  	[sflag:s5] =	ssyncadd.s32 @p0 $0xFFFFFFFF  }
0xaf: {  	s6 =	sshll.u32 @!p0 s1, $0xE  }
0xb0: {  	s6 =	sor.u32 @!p0 $0x4000, s6;
	s5 =	simm.s32 @!p0 $0x1B8D  }
0xb1: {  	s4 =	sshll.u32 @!p0 s4, $0x11;
	s6 =	sadd.s32 @!p0 $0x11B8D, s6;
	_ =	swait.eq @!p0 [sflag:s5], $0x1  }
0xb2: {  	s4 =	sor.u32 @!p0 s4, s6;
	[sflag:s5] =	ssyncadd.s32 @!p0 $0xFFFFFFFF  }
0xb3: {  	s25 =	simm.s32 $0x1B8E;
	s24 =	sld [smem:$0x3FFE];
	[sflag:s4] =	ssyncadd.remote.s32 @!p0 $0x1  }
0xb4: {  	s26 =	simm.s32 $execute0_lowered;
	[smem:$0x3FD2] =	sst s25  }
0xb5: {  	s5 =	sshll.u32 s26, $0x1;
	_ =	strace $0x80000052;
	[dreg:$0x1] =	wrdreg $0xFFFFFFFF  }
0xb6: {  	s28 =	simm.s32 $_size_execute0_lowered;
	s3 =	sadd.s32 s3, s5;
	[dreg:$0x0] =	wrdreg $0x0  }
0xb7: {  	s5 =	sshll.u32 s28, $0x1;
	[dreg:$0x2] =	wrdreg s3  }
0xb8: {  	[dreg:$0x3] =	wrdreg s5  }
0xb9: {  	[dreg:$0x4] =	wrdreg $0xC0  }
0xba: {  	_ =	task [dreg:s22], $0x5FFFF  }
0xbb: {  	[dreg:$0x1] =	wrdreg $0xFFFFFFFF  }
0xbc: {  	[dreg:$0x0] =	wrdreg $0x60  }
0xbd: {  	[dreg:$0x2] =	wrdreg s24  }
0xbe: {  	[dreg:$0x3] =	wrdreg $0x9  }
0xbf: {  	_ =	task.clear_ibuf [dreg:s22], $0x4FFFF;
	_ =	strace $0x90000052  }
0xc0: {  	s29 =	simm.s32 $0x9;
	_ =	strace $0x80000054  }
0xc1: {  	_ =	swait.ge [sflag:s29], $0x1  }
0xc2: {  	[sflag:s29] =	ssyncadd.s32 $0xFFFFFFFF  }
0xc3: {  	_ =	strace $0x90000054  }
0xc4: {  	_ =	sfence  }
0xc5: {  	s30 =	sld [smem:$0x0];
	_ =	sdelay $0x2  }
0xc6: {  	s31 =	sshll.u32 s1, $0xD;
	s1 =	sshrl.u32 s1, $0x2  }
0xc7: {  	s4 =	sand.u32 $0x4000, s31;
	s1 =	sadd.s32 s1, s30  }
0xc8: {  	s0 =	sor.u32 s4, s0;
	s1 =	sshll.u32 s1, $0x11  }
0xc9: {  	s0 =	sor.u32 s1, s0  }
0xca: {  	s0 =	sadd.s32 $0x8F2B, s0  }
0xcb: {  	[sflag:s0] =	ssyncadd.remote.s32 $0x1  }
0xcc: {  	_ =	sfence.sel $0xFFFF  }
0xcd: {  	[dreg:$0x0] =	wrdreg $0xFFFFFFFF;
	(pc) =	sbr.abs _section_cstart, $3  }
0xce: {  	[dreg:$0x1] =	wrdreg $0xFFFFFFFF  }
0xcf: {  	_ =	task.clear_ibuf [dreg:s22], $0x2FFFF;
	_ =	strace $0x9FFFFFFF  }
0xd0: {  	(tm) =	ssettm $0x7FFFFFFF  }
0xd1: {  	_ =	shalt  }
tec
execute0_lowered:
.L_overlay_start_1:
0x0: {  	(tag) =	ssettag $0x1  }
0x1: {  	s1 =	srdreg.scid  }
0x2: {  	s0 =	stileid.u32;
	s4 =	rddreg [dreg:$0x0];
	s2 =	simm.s32 $0x0  }
0x3: {  	s10 =	simm.s32 $0x2800;
	s11 =	simm.s32 $0x80;
	s12 =	simm.s32 $0x5000  }
0x4: {  	s13 =	simm.s32 $0x9000;
	s14 =	simm.s32 $0x1;
	s15 =	simm.s32 $0x2  }
0x5: {  	s16 =	simm.s32 $0x0;
	s5 =	sand.u32 $0x1, s1;
	s3 =	sshll.u32 s0, $0x1  }
0x6: {  	[smem:$0x7FF] =	sst s2;
	s7 =	smul.u32 $0x50000, s0;
	s3 =	sor.u32 s5, s3  }
0x7: {  	s1 =	rddreg [dreg:$0x1];
	_ =	strace $0x80000053;
	s6 =	smul.u32 $0x2800, s3  }
0x8: {  	s8 =	ssub.s32 $0x2, s5;
	s5 =	smul.u32 $0x28000, s5;
	s3 =	sadd.s32 $0x1DC00, s4  }
0x9: {  	s7 =	sadd.s32 s7, s4;
	s31 =	sshrl.u32 s8, $0x1;
	s6 =	sshrl.u32 s6, $0x3  }
0xa: {  	s8 =	ssub.s32 s8, s31;
	s9 =	sadd.s32 s5, s7;
	s6 =	sadd.s32 s6, s4  }
0xb: {  	s7 =	sadd.s32 $0x251000, s9;
	s4 =	sadd.s32 $0x13C00, s6;
	s5 =	sadd.s32 $0x9C00, s6  }
0xc: {  	s6 =	smax.u32 s8, $0x1;
	s8 =	sadd.s32 $0x751000, s9;
	s9 =	simm.s32 $0x3  }
.LBB2_1:
0xd: {  	[tilespmem:s2], [sflag:$0x3] =	stream.linear.gather [hbm4b:s4+s2], $0x2800, $0x38;
	[tilespmem:$0xD000] =	vst v63  }
0xe: {  	_ =	swait.ge [sflag:s9], $0x2800  }
0xf: {  	[sflag:s9] =	ssyncset.done $0x0  }
0x10: {  	[sflag:s9] =	ssyncadd.s32 $0xFFFFD800  }
0x11: {  	[tilespmem:s10], [sflag:$0x3] =	stream.linear.gather [hbm4b:s5+s2], $0x2800, $0x38;
	[tilespmem:$0xD000] =	vst v63  }
0x12: {  	_ =	swait.ge [sflag:s9], $0x2800  }
0x13: {  	[sflag:s9] =	ssyncset.done $0x0  }
0x14: {  	s17 =	simm.s32 $0x0;
	[sflag:s9] =	ssyncadd.s32 $0xFFFFD800  }
0x15: {  	[tilespmem:s12], [sflag:$0x1] =	stream.indirect.gather [hbm4b:s3+s11], $0x80, s17, s11, $0xb8;
	[tilespmem:$0xD000] =	vst v63  }
0x16: {  	s31 =	simm.s32 $0x2800  }
0x17: {  	[tilespmem:s13], [sflag:$0x2] =	stream.indirect.gather [hbm4b:s3+s11], $0x80, s31, s11, $0xb8;
	[tilespmem:$0xD000] =	vst v63  }
0x18: {  	_ =	swait.ge [sflag:s14], $0x4000  }
0x19: {  	[sflag:s14] =	ssyncset.done $0x0  }
0x1a: {  	[sflag:s14] =	ssyncadd.s32 $0xFFFFC000  }
0x1b: {  	_ =	swait.ge [sflag:s15], $0x4000  }
0x1c: {  	[sflag:s15] =	ssyncset.done $0x0  }
0x1d: {  	[sflag:s15] =	ssyncadd.s32 $0xFFFFC000  }
0x1e: {  	[hbm4b:s7+s2] =	stream.linear.scatter [tilespmem:s12], [sflag:$0x3], $0x4000, $0x38;
	[tilespmem:$0xD000] =	vst v63  }
0x1f: {  	_ =	swait.ge [sflag:s9], $0x4000  }
0x20: {  	[sflag:s9] =	ssyncset.done $0x0  }
0x21: {  	[sflag:s9] =	ssyncadd.s32 $0xFFFFC000  }
0x22: {  	[hbm4b:s8+s2] =	stream.linear.scatter [tilespmem:s13], [sflag:$0x3], $0x4000, $0x38;
	[tilespmem:$0xD000] =	vst v63  }
0x23: {  	s19 =	simm.s32 $0x200;
	s20 =	simm.s32 $0x400;
	_ =	swait.ge [sflag:s9], $0x4000  }
0x24: {  	s18 =	sadd.s32 $0x800, s7;
	s17 =	sadd.s32 $0x800, s8;
	[sflag:s9] =	ssyncset.done $0x0  }
.LBB2_2:
0x25: {  	s21 =	sshra.s32 s19, $0x2  }
0x26: {  	[sflag:s9] =	ssyncadd.s32 $0xFFFFC000;
	s19 =	smov.u32 s20;
	s22 =	sadd.s32 $0x200, s20  }
0x27: {  	[tilespmem:s12], [sflag:$0x1] =	stream.indirect.gather [hbm4b:s3+s11], $0x80, s21, s11, $0xb8;
	[tilespmem:$0xD000] =	vst v63  }
0x28: {  	p0 =	sne.s32 s20, $0x9E00;
	s20 =	sadd.s32 $0x2800, s21  }
0x29: {  	[tilespmem:s13], [sflag:$0x2] =	stream.indirect.gather [hbm4b:s3+s11], $0x80, s20, s11, $0xb8;
	[tilespmem:$0xD000] =	vst v63  }
0x2a: {  	_ =	swait.ge [sflag:s14], $0x4000  }
0x2b: {  	[sflag:s14] =	ssyncset.done $0x0  }
0x2c: {  	[sflag:s14] =	ssyncadd.s32 $0xFFFFC000  }
0x2d: {  	_ =	swait.ge [sflag:s15], $0x4000  }
0x2e: {  	[sflag:s15] =	ssyncset.done $0x0  }
0x2f: {  	[sflag:s15] =	ssyncadd.s32 $0xFFFFC000  }
0x30: {  	[hbm4b:s18+s2] =	stream.linear.scatter [tilespmem:s12], [sflag:$0x3], $0x4000, $0x38;
	[tilespmem:$0xD000] =	vst v63  }
0x31: {  	_ =	swait.ge [sflag:s9], $0x4000  }
.Ltmp0:
0x32: {  	[sflag:s9] =	ssyncset.done $0x0;
	(pc) =	sbr.rel @p0 .LBB2_2-.Ltmp0, $4  }
0x33: {  	[sflag:s9] =	ssyncadd.s32 $0xFFFFC000  }
0x34: {  	[hbm4b:s17+s2] =	stream.linear.scatter [tilespmem:s13], [sflag:$0x3], $0x4000, $0x38;
	[tilespmem:$0xD000] =	vst v63  }
0x35: {  	s20 =	smov.u32 s22;
	_ =	swait.ge [sflag:s9], $0x4000  }
0x36: {  	s18 =	sadd.s32 $0x800, s18;
	s17 =	sadd.s32 $0x800, s17;
	[sflag:s9] =	ssyncset.done $0x0  }
0x37: {  	s19 =	sshra.s32 s19, $0x2;
	[sflag:s9] =	ssyncadd.s32 $0xFFFFC000  }
0x38: {  	[tilespmem:s12], [sflag:$0x1] =	stream.indirect.gather [hbm4b:s3+s11], $0x80, s19, s11, $0xb8;
	[tilespmem:$0xD000] =	vst v63  }
0x39: {  	s19 =	sadd.s32 $0x2800, s19  }
0x3a: {  	[tilespmem:s13], [sflag:$0x2] =	stream.indirect.gather [hbm4b:s3+s11], $0x80, s19, s11, $0xb8;
	[tilespmem:$0xD000] =	vst v63  }
0x3b: {  	_ =	swait.ge [sflag:s14], $0x4000  }
0x3c: {  	[sflag:s14] =	ssyncset.done $0x0  }
0x3d: {  	[sflag:s14] =	ssyncadd.s32 $0xFFFFC000  }
0x3e: {  	_ =	swait.ge [sflag:s15], $0x4000  }
0x3f: {  	[sflag:s15] =	ssyncset.done $0x0  }
0x40: {  	[sflag:s15] =	ssyncadd.s32 $0xFFFFC000  }
0x41: {  	[hbm4b:s18+s2] =	stream.linear.scatter [tilespmem:s12], [sflag:$0x3], $0x4000, $0x38;
	[tilespmem:$0xD000] =	vst v63  }
0x42: {  	s16 =	sadd.s32 $0x1, s16;
	_ =	swait.ge [sflag:s9], $0x4000  }
0x43: {  	p0 =	sne.s32 s16, s6;
	[sflag:s9] =	ssyncset.done $0x0  }
.Ltmp1:
0x44: {  	[sflag:s9] =	ssyncadd.s32 $0xFFFFC000;
	(pc) =	sbr.rel @p0 .LBB2_1-.Ltmp1, $4  }
0x45: {  	[hbm4b:s17+s2] =	stream.linear.scatter [tilespmem:s13], [sflag:$0x3], $0x4000, $0x38;
	[tilespmem:$0xD000] =	vst v63  }
0x46: {  	_ =	swait.ge [sflag:s9], $0x4000  }
0x47: {  	[sflag:s9] =	ssyncset.done $0x0  }
0x48: {  	[sflag:s9] =	ssyncadd.s32 $0xFFFFC000  }
0x49: {  	_ =	sfence.sel $0x180000  }
0x4a: {  	[bflag:$0x0] =	sbarrier.arrive $0xFFFF  }
0x4b: {  	p0 =	sne.s32 s0, $0x0;
	_ =	strace $0x90000053  }
0x4c: {  	s0 =	sadd.s32 @!p0 $0x100000, s1;
	[bflag:$0x2] =	sbarrier.arrive $0xFFFF  }
0x4d: {  	[sflag:s0] =	ssyncadd.tile.s32 @!p0 $0x1;
	_ =	shalt  }
.Lfunc_end2:
_tile_overlayer_lowered:
.L_overlay_start_2:
0x4e: {  	(tag) =	ssettag $0x2  }
0x4f: {  	s0 =	rddreg [dreg:$0x0];
	s2 =	stileid.u32  }
0x50: {  	s1 =	rddreg [dreg:$0x1];
	p0 =	sne.s32 s2, $0x0  }
0x51: {  	s3 =	rddreg [dreg:$0x2];
	[bflag:$0x3] =	sbarrier.arrive $0xFFFF;
	s2 =	simm.s32 @!p0 $0x1C03  }
0x52: {  	[timem:s3], [sflag:s2] =	dma.local @!p0 [hbm:s0], s1  }
0x53: {  	s0 =	simm.s32 @!p0 $0x3  }
0x54: {  	_ =	swait.ge @!p0 [sflag:s0], s1  }
0x55: {  	s1 =	ssub.s32 @!p0 $0x0, s1;
	[sflag:s0] =	ssyncset.done @!p0 $0x0  }
0x56: {  	[sflag:s0] =	ssyncadd.s32 @!p0 s1  }
0x57: {  	[bflag:$0x3] =	sbarrier.arrive $0xFFFF  }
0x58: {  	_ =	shalt  }

// kernel: kernel.26.cloned.1.call-start
scs
__scs_entry_jumppad:
0x0: {  	(pc) =	sbr.rel $0x88, $3  }
0x1: {  	(tag) =	ssettag $0x0;
	lr =	simm.s32 $0x1  }
0x2: {  	[smem:$0x3F74] =	sst lr;
	_ =	strace $0xD0000000  }
0x3: {  	_ = 	snop  }
0x4: {  	_ = 	snop  }
0x5: {  	_ = 	snop  }
0x6: {  	_ = 	snop  }
0x7: {  	_ = 	snop  }
__scs_overlays_trampoline_lowered:
0x8: {  	[smem:$0x3F83] =	sst s0  }
0x9: {  	[smem:$0x3F84] =	sst s1  }
0xa: {  	[smem:$0x3F85] =	sst s2  }
0xb: {  	[smem:$0x3F86] =	sst s3  }
0xc: {  	[smem:$0x3F87] =	sst s4  }
0xd: {  	[smem:$0x3F88] =	sst s5  }
0xe: {  	[smem:$0x3F89] =	sst s6  }
0xf: {  	[smem:$0x3F8A] =	sst s7  }
0x10: {  	[smem:$0x3F8B] =	sst s8  }
0x11: {  	[smem:$0x3F8C] =	sst s9;
	s0 =	simm.s32 @!p0 $0x0  }
0x12: {  	s1 =	sld [smem:$0x3F72];
	s0 =	simm.s32 @p0 $0x1  }
0x13: {  	[smem:$0x3F8D] =	sst s0;
	s0 =	simm.s32 @!p1 $0x0  }
0x14: {  	s2 =	sld [smem:$0x3F71];
	s0 =	simm.s32 @p1 $0x1  }
0x15: {  	[smem:$0x3F8E] =	sst s0;
	s0 =	simm.s32 @!p2 $0x0  }
0x16: {  	s3 =	sld [smem:$0x3FDB];
	s0 =	simm.s32 @p2 $0x1  }
0x17: {  	s4 =	simm.s32 $0x1BF5;
	[smem:$0x3F90] =	sst s0  }
0x18: {  	s0 =	sld [smem:$0x3F73];
	_ =	swait.ge [sflag:s4], $0x0  }
0x19: {  	s7 =	sld [smem:$0x3F74]  }
0x1a: {  	s8 =	sadd.s32 $0xFFFFE003, lr  }
0x1b: {  	s9 =	sadd.s32 $0xFFFFFEF7, lr;
	s5 =	simm.s32 $0xFFFFFFFF;
	p2 =	slt.u32 s8, $0xFFFFF086  }
0x1c: {  	p1 =	slt.u32 s9, $0xF7A;
	s5 =	simm.s32 @!p2 $0x0  }
0x1d: {  	s5 =	simm.s32 @p1 $0x1;
	p0 =	seq.s32 s7, s2  }
0x1e: {  	s7 =	smul.u32 @!p0 $0xF7A, s2;
	p2 =	seq.s32 @!p0 s5, $0x0  }
0x1f: {  	s9 =	smul.u32 $0xF7A, s1;
	s8 =	simm.s32 @!p0 $0x1BF5;
	p2 =	por !p2, p0  }
0x20: {  	[sflag:s8] =	ssyncset.s32 @!p0 $0xFFFFF086;
	s6 =	sadd.s32 @!p0 s3, s7;
	s7 =	simm.s32 @!p0 $0x108  }
0x21: {  	s3 =	sadd.s32 s3, s9;
	s6 =	sadd.s32 @!p0 $0x88, s6;
	s7 =	simm.s32 @p2 $0x1082  }
0x22: {  	[simem:s7], [sflag:s8] =	dma.local @!p0 [hbm:s6], $0xF7A  }
0x23: {  	s9 =	sor.u32 $0xD0000000, s2;
	s6 =	simm.s32 $0x108;
	_ =	swait.ge @!p0 [sflag:s8], $0x0  }
0x24: {  	s3 =	sadd.s32 $0x88, s3;
	s6 =	simm.s32 @!p1 $0x1082;
	[sflag:s4] =	ssyncset.s32 $0xFFFFF086  }
0x25: {  	[simem:s6], [sflag:s4] =	dma.local [hbm:s3], $0xF7A  }
0x26: {  	[smem:$0x3F74] =	sst s1;
	(tag) =	ssettag s2;
	_ =	strace s9  }
0x27: {  	s1 =	sld [smem:$0x3F84]  }
0x28: {  	s2 =	sld [smem:$0x3F85]  }
0x29: {  	s4 =	sld [smem:$0x3F87]  }
0x2a: {  	p0 =	seq.s32 s5, $0x0;
	s5 =	sld [smem:$0x3F88]  }
0x2b: {  	s6 =	sld [smem:$0x3F89]  }
0x2c: {  	s7 =	sld [smem:$0x3F8A]  }
0x2d: {  	s3 =	simm.s32 $0x108;
	s8 =	sld [smem:$0x3F8B]  }
0x2e: {  	s3 =	simm.s32 @!p0 $0x1082;
	s9 =	sld [smem:$0x3F8C]  }
0x2f: {  	lr =	sadd.s32 s0, s3;
	s0 =	sld [smem:$0x3F83]  }
0x30: {  	s3 =	sld [smem:$0x3F86]  }
0x31: {  	[smem:$0x3F8F] =	sst s10  }
0x32: {  	s10 =	sld [smem:$0x3F8D];
	_ =	sdelay $0x3  }
0x33: {  	p0 =	seq.s32 s10, $0x1;
	s10 =	sld [smem:$0x3F8F];
	_ =	sdelay $0x3  }
0x34: {  	[smem:$0x3F8F] =	sst s10  }
0x35: {  	s10 =	sld [smem:$0x3F8E];
	_ =	sdelay $0x3  }
0x36: {  	p1 =	seq.s32 s10, $0x1;
	s10 =	sld [smem:$0x3F8F];
	_ =	sdelay $0x3  }
0x37: {  	[smem:$0x3F8F] =	sst s10  }
0x38: {  	s10 =	sld [smem:$0x3F90]  }
0x39: {  	_ = 	snop;
	(pc) =	sbr.ind lr, $3  }
0x3a: {  	_ = 	snop  }
0x3b: {  	_ = 	snop  }
0x3c: {  	p2 =	seq.s32 s10, $0x1;
	s10 =	sld [smem:$0x3F8F]  }
0x3d: {  	_ =	shalt  }
0x3e: {  	_ =	shalt  }
0x3f: {  	_ =	shalt  }
0x40: {  	_ =	shalt  }
0x41: {  	_ =	shalt  }
0x42: {  	_ =	shalt  }
0x43: {  	_ =	shalt  }
0x44: {  	_ =	shalt  }
0x45: {  	_ =	shalt  }
0x46: {  	_ =	shalt  }
0x47: {  	_ =	shalt  }
0x48: {  	_ =	shalt  }
0x49: {  	_ =	shalt  }
0x4a: {  	_ =	shalt  }
0x4b: {  	_ =	shalt  }
0x4c: {  	_ =	shalt  }
0x4d: {  	_ =	shalt  }
0x4e: {  	_ =	shalt  }
0x4f: {  	_ =	shalt  }
0x50: {  	_ =	shalt  }
0x51: {  	_ =	shalt  }
0x52: {  	_ =	shalt  }
0x53: {  	_ =	shalt  }
0x54: {  	_ =	shalt  }
0x55: {  	_ =	shalt  }
0x56: {  	_ =	shalt  }
0x57: {  	_ =	shalt  }
0x58: {  	_ =	shalt  }
0x59: {  	_ =	shalt  }
0x5a: {  	_ =	shalt  }
0x5b: {  	_ =	shalt  }
0x5c: {  	_ =	shalt  }
0x5d: {  	_ =	shalt  }
0x5e: {  	_ =	shalt  }
0x5f: {  	_ =	shalt  }
0x60: {  	_ =	shalt  }
0x61: {  	_ =	shalt  }
0x62: {  	_ =	shalt  }
0x63: {  	_ =	shalt  }
0x64: {  	_ =	shalt  }
0x65: {  	_ =	shalt  }
0x66: {  	_ =	shalt  }
0x67: {  	_ =	shalt  }
0x68: {  	_ =	shalt  }
0x69: {  	_ =	shalt  }
0x6a: {  	_ =	shalt  }
0x6b: {  	_ =	shalt  }
0x6c: {  	_ =	shalt  }
0x6d: {  	_ =	shalt  }
0x6e: {  	_ =	shalt  }
0x6f: {  	_ =	shalt  }
0x70: {  	_ =	shalt  }
0x71: {  	_ =	shalt  }
0x72: {  	_ =	shalt  }
0x73: {  	_ =	shalt  }
0x74: {  	_ =	shalt  }
0x75: {  	_ =	shalt  }
0x76: {  	_ =	shalt  }
0x77: {  	_ =	shalt  }
0x78: {  	_ =	shalt  }
0x79: {  	_ =	shalt  }
0x7a: {  	_ =	shalt  }
0x7b: {  	_ =	shalt  }
0x7c: {  	_ =	shalt  }
0x7d: {  	_ =	shalt  }
0x7e: {  	_ =	shalt  }
0x7f: {  	_ =	shalt  }
0x80: {  	_ =	shalt  }
0x81: {  	_ =	shalt  }
0x82: {  	_ =	shalt  }
0x83: {  	_ =	shalt  }
0x84: {  	_ =	shalt  }
0x85: {  	_ =	shalt  }
0x86: {  	_ =	shalt  }
0x87: {  	_ =	shalt  }
.Lfunc_end0:
.L_simem_size_0:
called_computation.4_lowered:
.L_overlay_start_0:
0x88: {  	s2 =	sld [smem:$0x3FD9]  }
0x89: {  	s3 =	sld [smem:$0x3FFE];
	_ =	sdelay $0x1  }
0x8a: {  	s1 =	srdreg.scid  }
0x8b: {  	s0 =	sand.u32 $0x1, s1  }
0x8c: {  	s16 =	sshll.u32 s0, $0xA;
	s2 =	sadd.s32 s3, s2  }
0x8d: {  	s2 =	sadd.s32 s2, s16  }
0x8e: {  	[smem:$0x3F9B] =	sst s2  }
0x8f: {  	_ = 	snop  }
0x90: {  	(tm) =	ssettm $0x1  }
0x91: {  	s17 =	sld [smem:$0x3FFB];
	_ =	sdelay $0x3  }
0x92: {  	_ =	strace s17  }
0x93: {  	s2 =	sld [smem:$0x3FFC];
	_ =	sdelay $0x3  }
0x94: {  	_ =	strace s2  }
0x95: {  	s2 =	sld [smem:$0x3FFD];
	_ =	sdelay $0x3  }
0x96: {  	_ =	strace s2  }
0x97: {  	_ =	strace $0x8FFFFFFF  }
0x98: {  	s18 =	sld [smem:$0x3FDB];
	_ =	sdelay $0x1  }
0x99: {  	s19 =	simm.s32 $_scs_section_size  }
0x9a: {  	s4 =	simm.s32 $_size__tile_overlayer_lowered;
	s5 =	simm.s32 $_tile_overlayer_lowered  }
0x9b: {  	s22 =	simm.s32 $0x1BFF;
	s21 =	sshll.u32 s5, $0x1;
	s2 =	sadd.s32 s19, s18  }
0x9c: {  	s6 =	simm.s32 $0x0;
	s20 =	sshll.u32 s4, $0x1;
	s4 =	sadd.s32 s21, s2  }
0x9d: {  	[timem:s6], [sflag:s22] =	dma.local [hbm:s4], s20  }
0x9e: {  	_ =	swait.ge [sflag:s22], s20  }
0x9f: {  	s3 =	ssub.s32 $0x0, s20;
	[sflag:s22] =	ssyncset.done $0x0  }
0xa0: {  	[sflag:s22] =	ssyncadd.s32 s3;
	_ =	sdelay $0x1  }
0xa1: {  	s23 =	simm.s32 $0x1B8B  }
0xa2: {  	_ =	swait.ge [sflag:s23], $0x1  }
0xa3: {  	[sflag:s23] =	ssyncset.done $0x0  }
0xa4: {  	s25 =	simm.s32 $0x1B8E;
	s24 =	sld [smem:$0x3FFE];
	[sflag:s23] =	ssyncadd.s32 $0xFFFFFFFF  }
0xa5: {  	s26 =	simm.s32 $execute0_lowered;
	[smem:$0x3FD2] =	sst s25  }
0xa6: {  	s4 =	sshll.u32 s26, $0x1;
	_ =	strace $0x8000004F;
	[dreg:$0x1] =	wrdreg $0xFFFFFFFF  }
0xa7: {  	s28 =	simm.s32 $_size_execute0_lowered;
	s2 =	sadd.s32 s2, s4;
	[dreg:$0x0] =	wrdreg $0x0  }
0xa8: {  	s4 =	sshll.u32 s28, $0x1;
	[dreg:$0x2] =	wrdreg s2  }
0xa9: {  	[dreg:$0x3] =	wrdreg s4  }
0xaa: {  	[dreg:$0x4] =	wrdreg $0xC0  }
0xab: {  	_ =	task [dreg:s6], $0x5FFFF  }
0xac: {  	[dreg:$0x1] =	wrdreg $0xFFFFFFFF  }
0xad: {  	[dreg:$0x0] =	wrdreg $0x60  }
0xae: {  	[dreg:$0x2] =	wrdreg s24  }
0xaf: {  	[dreg:$0x3] =	wrdreg $0xA  }
0xb0: {  	_ =	task.clear_ibuf [dreg:s6], $0x4FFFF;
	_ =	strace $0x9000004F  }
0xb1: {  	s29 =	simm.s32 $0xA;
	_ =	strace $0x80000051  }
0xb2: {  	_ =	swait.ge [sflag:s29], $0x1  }
0xb3: {  	[sflag:s29] =	ssyncadd.s32 $0xFFFFFFFF  }
0xb4: {  	_ =	strace $0x90000051  }
0xb5: {  	_ =	sfence  }
0xb6: {  	s30 =	sld [smem:$0x0];
	_ =	sdelay $0x2  }
0xb7: {  	s31 =	sshll.u32 s1, $0xD;
	s1 =	sshrl.u32 s1, $0x2  }
0xb8: {  	s3 =	sand.u32 $0x4000, s31;
	s1 =	sadd.s32 s1, s30  }
0xb9: {  	s0 =	sor.u32 s3, s0;
	s1 =	sshll.u32 s1, $0x11  }
0xba: {  	s0 =	sor.u32 s1, s0  }
0xbb: {  	s0 =	sadd.s32 $0x8F2B, s0  }
0xbc: {  	[sflag:s0] =	ssyncadd.remote.s32 $0x1  }
0xbd: {  	_ =	sfence.sel $0xFFFF  }
0xbe: {  	[dreg:$0x0] =	wrdreg $0xFFFFFFFF;
	(pc) =	sbr.abs _section_cstart, $3  }
0xbf: {  	[dreg:$0x1] =	wrdreg $0xFFFFFFFF  }
0xc0: {  	_ =	task.clear_ibuf [dreg:s6], $0x2FFFF;
	_ =	strace $0x9FFFFFFF  }
0xc1: {  	(tm) =	ssettm $0x7FFFFFFF  }
tec
execute0_lowered:
.L_overlay_start_1:
0x0: {  	(tag) =	ssettag $0x1  }
0x1: {  	s1 =	srdreg.scid  }
0x2: {  	s0 =	stileid.u32;
	s4 =	rddreg [dreg:$0x0]  }
0x3: {  	s2 =	simm.s32 $0x0;
	s11 =	simm.s32 $0x5000;
	s12 =	simm.s32 $0x5800  }
0x4: {  	s13 =	simm.s32 $0x1;
	s14 =	simm.s32 $0x2;
	s15 =	simm.s32 $0x0  }
0x5: {  	s5 =	sand.u32 $0x1, s1;
	s3 =	sshll.u32 s0, $0x1;
	s1 =	rddreg [dreg:$0x1]  }
0x6: {  	[smem:$0x7FF] =	sst s2;
	s7 =	smul.u32 $0xA000, s0;
	s3 =	sor.u32 s5, s3  }
0x7: {  	_ =	strace $0x80000050;
	s8 =	ssub.s32 $0x2, s5;
	s6 =	smul.u32 $0x2800, s3  }
0x8: {  	s10 =	smul.u32 $0x5000, s5;
	s3 =	sadd.s32 $0x93200, s4;
	s9 =	sshrl.u32 s8, $0x1  }
0x9: {  	s7 =	sadd.s32 s7, s4;
	s8 =	ssub.s32 s8, s9;
	s6 =	sshrl.u32 s6, $0x3  }
0xa: {  	s31 =	sadd.s32 s10, s7;
	s9 =	simm.s32 $0x3;
	s6 =	sadd.s32 s6, s4  }
0xb: {  	s10 =	simm.s32 $0x80;
	s7 =	sadd.s32 $0x98200, s31;
	s4 =	sadd.s32 $0x13C00, s6  }
0xc: {  	s5 =	sadd.s32 $0x9C00, s6;
	s6 =	smax.u32 s8, $0x1;
	s8 =	sadd.s32 $0x1B1000, s31  }
.LBB2_1:
0xd: {  	[tilespmem:s2], [sflag:$0x3] =	stream.linear.gather [hbm4b:s4+s2], $0x2800, $0x38;
	[tilespmem:$0x6000] =	vst v63  }
0xe: {  	_ =	swait.ge [sflag:s9], $0x2800  }
0xf: {  	[sflag:s9] =	ssyncset.done $0x0  }
0x10: {  	s16 =	simm.s32 $0x2800;
	[sflag:s9] =	ssyncadd.s32 $0xFFFFD800  }
0x11: {  	[tilespmem:s16], [sflag:$0x3] =	stream.linear.gather [hbm4b:s5+s2], $0x2800, $0x38;
	[tilespmem:$0x6000] =	vst v63  }
0x12: {  	_ =	swait.ge [sflag:s9], $0x2800  }
0x13: {  	[sflag:s9] =	ssyncset.done $0x0  }
0x14: {  	[sflag:s9] =	ssyncadd.s32 $0xFFFFD800  }
0x15: {  	[tilespmem:s11], [sflag:$0x1] =	stream.indirect.gather [hbm4b:s3+s10], $0x10, s2, s10, $0xb8;
	[tilespmem:$0x6000] =	vst v63  }
0x16: {  	_ = 	snop  }
0x17: {  	[tilespmem:s12], [sflag:$0x2] =	stream.indirect.gather [hbm4b:s3+s10], $0x10, s16, s10, $0xb8;
	[tilespmem:$0x6000] =	vst v63  }
0x18: {  	_ =	swait.ge [sflag:s13], $0x800  }
0x19: {  	[sflag:s13] =	ssyncset.done $0x0  }
0x1a: {  	[sflag:s13] =	ssyncadd.s32 $0xFFFFF800  }
0x1b: {  	_ =	swait.ge [sflag:s14], $0x800  }
0x1c: {  	[sflag:s14] =	ssyncset.done $0x0  }
0x1d: {  	s17 =	sadd.s32 $0x0, s8;
	[sflag:s14] =	ssyncadd.s32 $0xFFFFF800  }
0x1e: {  	[hbm4b:s17+s2] =	stream.linear.scatter [tilespmem:s11], [sflag:$0x3], $0x800, $0x38;
	[tilespmem:$0x6000] =	vst v63  }
0x1f: {  	_ =	swait.ge [sflag:s9], $0x800  }
0x20: {  	[sflag:s9] =	ssyncset.done $0x0  }
0x21: {  	s31 =	sadd.s32 $0x0, s7;
	[sflag:s9] =	ssyncadd.s32 $0xFFFFF800  }
0x22: {  	[hbm4b:s31+s2] =	stream.linear.scatter [tilespmem:s12], [sflag:$0x3], $0x800, $0x38;
	[tilespmem:$0x6000] =	vst v63  }
0x23: {  	_ =	swait.ge [sflag:s9], $0x800  }
0x24: {  	s18 =	simm.s32 $0x0;
	s17 =	simm.s32 $0x100;
	[sflag:s9] =	ssyncset.done $0x0  }
.LBB2_2:
0x25: {  	[sflag:s9] =	ssyncadd.s32 $0xFFFFF800;
	s18 =	sadd.s32 $0x80, s18;
	s16 =	sadd.s32 $0x80, s16  }
0x26: {  	[tilespmem:s11], [sflag:$0x1] =	stream.indirect.gather [hbm4b:s3+s10], $0x10, s18, s10, $0xb8;
	[tilespmem:$0x6000] =	vst v63  }
0x27: {  	p0 =	sne.s32 s17, $0x4F00;
	s19 =	smov.u32 s17;
	s17 =	sadd.s32 $0x100, s17  }
0x28: {  	[tilespmem:s12], [sflag:$0x2] =	stream.indirect.gather [hbm4b:s3+s10], $0x10, s16, s10, $0xb8;
	[tilespmem:$0x6000] =	vst v63  }
0x29: {  	_ =	swait.ge [sflag:s13], $0x800  }
0x2a: {  	[sflag:s13] =	ssyncset.done $0x0  }
0x2b: {  	[sflag:s13] =	ssyncadd.s32 $0xFFFFF800  }
0x2c: {  	_ =	swait.ge [sflag:s14], $0x800  }
0x2d: {  	[sflag:s14] =	ssyncset.done $0x0  }
0x2e: {  	s20 =	sadd.s32 s19, s8;
	[sflag:s14] =	ssyncadd.s32 $0xFFFFF800  }
0x2f: {  	[hbm4b:s20+s2] =	stream.linear.scatter [tilespmem:s11], [sflag:$0x3], $0x800, $0x38;
	[tilespmem:$0x6000] =	vst v63  }
0x30: {  	_ =	swait.ge [sflag:s9], $0x800  }
.Ltmp0:
0x31: {  	[sflag:s9] =	ssyncset.done $0x0;
	(pc) =	sbr.rel @p0 .LBB2_2-.Ltmp0, $4  }
0x32: {  	s19 =	sadd.s32 s19, s7;
	[sflag:s9] =	ssyncadd.s32 $0xFFFFF800  }
0x33: {  	[hbm4b:s19+s2] =	stream.linear.scatter [tilespmem:s12], [sflag:$0x3], $0x800, $0x38;
	[tilespmem:$0x6000] =	vst v63  }
0x34: {  	_ =	swait.ge [sflag:s9], $0x800  }
0x35: {  	[sflag:s9] =	ssyncset.done $0x0  }
0x36: {  	s15 =	sadd.s32 $0x1, s15  }
0x37: {  	p0 =	sne.s32 s15, s6  }
.Ltmp1:
0x38: {  	_ = 	snop;
	(pc) =	sbr.rel @p0 .LBB2_1-.Ltmp1, $2  }
0x39: {  	_ =	sdelay $0x2  }
0x3a: {  	[sflag:s9] =	ssyncadd.s32 $0xFFFFF800  }
0x3b: {  	_ =	sfence.sel $0x180000  }
0x3c: {  	[bflag:$0x0] =	sbarrier.arrive $0xFFFF  }
0x3d: {  	p0 =	sne.s32 s0, $0x0;
	_ =	strace $0x90000050  }
0x3e: {  	s0 =	sadd.s32 @!p0 $0x100000, s1;
	[bflag:$0x2] =	sbarrier.arrive $0xFFFF  }
0x3f: {  	[sflag:s0] =	ssyncadd.tile.s32 @!p0 $0x1;
	_ =	shalt  }
.Lfunc_end2:
_tile_overlayer_lowered:
.L_overlay_start_2:
0x40: {  	(tag) =	ssettag $0x2  }
0x41: {  	s0 =	rddreg [dreg:$0x0];
	s2 =	stileid.u32  }
0x42: {  	s1 =	rddreg [dreg:$0x1];
	p0 =	sne.s32 s2, $0x0  }
0x43: {  	s3 =	rddreg [dreg:$0x2];
	[bflag:$0x3] =	sbarrier.arrive $0xFFFF;
	s2 =	simm.s32 @!p0 $0x1C03  }
0x44: {  	[timem:s3], [sflag:s2] =	dma.local @!p0 [hbm:s0], s1  }
0x45: {  	s0 =	simm.s32 @!p0 $0x3  }
0x46: {  	_ =	swait.ge @!p0 [sflag:s0], s1  }
0x47: {  	s1 =	ssub.s32 @!p0 $0x0, s1;
	[sflag:s0] =	ssyncset.done @!p0 $0x0  }
0x48: {  	[sflag:s0] =	ssyncadd.s32 @!p0 s1  }
0x49: {  	[bflag:$0x3] =	sbarrier.arrive $0xFFFF  }
0x4a: {  	_ =	shalt  }

// kernel: kernel.29.cloned.1.call-start
scs
__scs_entry_jumppad:
0x0: {  	(pc) =	sbr.rel $0x88, $3  }
0x1: {  	(tag) =	ssettag $0x0;
	lr =	simm.s32 $0x1  }
0x2: {  	[smem:$0x3F74] =	sst lr;
	_ =	strace $0xD0000000  }
0x3: {  	_ = 	snop  }
0x4: {  	_ = 	snop  }
0x5: {  	_ = 	snop  }
0x6: {  	_ = 	snop  }
0x7: {  	_ = 	snop  }
__scs_overlays_trampoline_lowered:
0x8: {  	[smem:$0x3F83] =	sst s0  }
0x9: {  	[smem:$0x3F84] =	sst s1  }
0xa: {  	[smem:$0x3F85] =	sst s2  }
0xb: {  	[smem:$0x3F86] =	sst s3  }
0xc: {  	[smem:$0x3F87] =	sst s4  }
0xd: {  	[smem:$0x3F88] =	sst s5  }
0xe: {  	[smem:$0x3F89] =	sst s6  }
0xf: {  	[smem:$0x3F8A] =	sst s7  }
0x10: {  	[smem:$0x3F8B] =	sst s8  }
0x11: {  	[smem:$0x3F8C] =	sst s9;
	s0 =	simm.s32 @!p0 $0x0  }
0x12: {  	s1 =	sld [smem:$0x3F72];
	s0 =	simm.s32 @p0 $0x1  }
0x13: {  	[smem:$0x3F8D] =	sst s0;
	s0 =	simm.s32 @!p1 $0x0  }
0x14: {  	s2 =	sld [smem:$0x3F71];
	s0 =	simm.s32 @p1 $0x1  }
0x15: {  	[smem:$0x3F8E] =	sst s0;
	s0 =	simm.s32 @!p2 $0x0  }
0x16: {  	s3 =	sld [smem:$0x3FDB];
	s0 =	simm.s32 @p2 $0x1  }
0x17: {  	s4 =	simm.s32 $0x1BF5;
	[smem:$0x3F90] =	sst s0  }
0x18: {  	s0 =	sld [smem:$0x3F73];
	_ =	swait.ge [sflag:s4], $0x0  }
0x19: {  	s7 =	sld [smem:$0x3F74]  }
0x1a: {  	s8 =	sadd.s32 $0xFFFFE003, lr  }
0x1b: {  	s9 =	sadd.s32 $0xFFFFFEF7, lr;
	s5 =	simm.s32 $0xFFFFFFFF;
	p2 =	slt.u32 s8, $0xFFFFF086  }
0x1c: {  	p1 =	slt.u32 s9, $0xF7A;
	s5 =	simm.s32 @!p2 $0x0  }
0x1d: {  	s5 =	simm.s32 @p1 $0x1;
	p0 =	seq.s32 s7, s2  }
0x1e: {  	s7 =	smul.u32 @!p0 $0xF7A, s2;
	p2 =	seq.s32 @!p0 s5, $0x0  }
0x1f: {  	s9 =	smul.u32 $0xF7A, s1;
	s8 =	simm.s32 @!p0 $0x1BF5;
	p2 =	por !p2, p0  }
0x20: {  	[sflag:s8] =	ssyncset.s32 @!p0 $0xFFFFF086;
	s6 =	sadd.s32 @!p0 s3, s7;
	s7 =	simm.s32 @!p0 $0x108  }
0x21: {  	s3 =	sadd.s32 s3, s9;
	s6 =	sadd.s32 @!p0 $0x88, s6;
	s7 =	simm.s32 @p2 $0x1082  }
0x22: {  	[simem:s7], [sflag:s8] =	dma.local @!p0 [hbm:s6], $0xF7A  }
0x23: {  	s9 =	sor.u32 $0xD0000000, s2;
	s6 =	simm.s32 $0x108;
	_ =	swait.ge @!p0 [sflag:s8], $0x0  }
0x24: {  	s3 =	sadd.s32 $0x88, s3;
	s6 =	simm.s32 @!p1 $0x1082;
	[sflag:s4] =	ssyncset.s32 $0xFFFFF086  }
0x25: {  	[simem:s6], [sflag:s4] =	dma.local [hbm:s3], $0xF7A  }
0x26: {  	[smem:$0x3F74] =	sst s1;
	(tag) =	ssettag s2;
	_ =	strace s9  }
0x27: {  	s1 =	sld [smem:$0x3F84]  }
0x28: {  	s2 =	sld [smem:$0x3F85]  }
0x29: {  	s4 =	sld [smem:$0x3F87]  }
0x2a: {  	p0 =	seq.s32 s5, $0x0;
	s5 =	sld [smem:$0x3F88]  }
0x2b: {  	s6 =	sld [smem:$0x3F89]  }
0x2c: {  	s7 =	sld [smem:$0x3F8A]  }
0x2d: {  	s3 =	simm.s32 $0x108;
	s8 =	sld [smem:$0x3F8B]  }
0x2e: {  	s3 =	simm.s32 @!p0 $0x1082;
	s9 =	sld [smem:$0x3F8C]  }
0x2f: {  	lr =	sadd.s32 s0, s3;
	s0 =	sld [smem:$0x3F83]  }
0x30: {  	s3 =	sld [smem:$0x3F86]  }
0x31: {  	[smem:$0x3F8F] =	sst s10  }
0x32: {  	s10 =	sld [smem:$0x3F8D];
	_ =	sdelay $0x3  }
0x33: {  	p0 =	seq.s32 s10, $0x1;
	s10 =	sld [smem:$0x3F8F];
	_ =	sdelay $0x3  }
0x34: {  	[smem:$0x3F8F] =	sst s10  }
0x35: {  	s10 =	sld [smem:$0x3F8E];
	_ =	sdelay $0x3  }
0x36: {  	p1 =	seq.s32 s10, $0x1;
	s10 =	sld [smem:$0x3F8F];
	_ =	sdelay $0x3  }
0x37: {  	[smem:$0x3F8F] =	sst s10  }
0x38: {  	s10 =	sld [smem:$0x3F90]  }
0x39: {  	_ = 	snop;
	(pc) =	sbr.ind lr, $3  }
0x3a: {  	_ = 	snop  }
0x3b: {  	_ = 	snop  }
0x3c: {  	p2 =	seq.s32 s10, $0x1;
	s10 =	sld [smem:$0x3F8F]  }
0x3d: {  	_ =	shalt  }
0x3e: {  	_ =	shalt  }
0x3f: {  	_ =	shalt  }
0x40: {  	_ =	shalt  }
0x41: {  	_ =	shalt  }
0x42: {  	_ =	shalt  }
0x43: {  	_ =	shalt  }
0x44: {  	_ =	shalt  }
0x45: {  	_ =	shalt  }
0x46: {  	_ =	shalt  }
0x47: {  	_ =	shalt  }
0x48: {  	_ =	shalt  }
0x49: {  	_ =	shalt  }
0x4a: {  	_ =	shalt  }
0x4b: {  	_ =	shalt  }
0x4c: {  	_ =	shalt  }
0x4d: {  	_ =	shalt  }
0x4e: {  	_ =	shalt  }
0x4f: {  	_ =	shalt  }
0x50: {  	_ =	shalt  }
0x51: {  	_ =	shalt  }
0x52: {  	_ =	shalt  }
0x53: {  	_ =	shalt  }
0x54: {  	_ =	shalt  }
0x55: {  	_ =	shalt  }
0x56: {  	_ =	shalt  }
0x57: {  	_ =	shalt  }
0x58: {  	_ =	shalt  }
0x59: {  	_ =	shalt  }
0x5a: {  	_ =	shalt  }
0x5b: {  	_ =	shalt  }
0x5c: {  	_ =	shalt  }
0x5d: {  	_ =	shalt  }
0x5e: {  	_ =	shalt  }
0x5f: {  	_ =	shalt  }
0x60: {  	_ =	shalt  }
0x61: {  	_ =	shalt  }
0x62: {  	_ =	shalt  }
0x63: {  	_ =	shalt  }
0x64: {  	_ =	shalt  }
0x65: {  	_ =	shalt  }
0x66: {  	_ =	shalt  }
0x67: {  	_ =	shalt  }
0x68: {  	_ =	shalt  }
0x69: {  	_ =	shalt  }
0x6a: {  	_ =	shalt  }
0x6b: {  	_ =	shalt  }
0x6c: {  	_ =	shalt  }
0x6d: {  	_ =	shalt  }
0x6e: {  	_ =	shalt  }
0x6f: {  	_ =	shalt  }
0x70: {  	_ =	shalt  }
0x71: {  	_ =	shalt  }
0x72: {  	_ =	shalt  }
0x73: {  	_ =	shalt  }
0x74: {  	_ =	shalt  }
0x75: {  	_ =	shalt  }
0x76: {  	_ =	shalt  }
0x77: {  	_ =	shalt  }
0x78: {  	_ =	shalt  }
0x79: {  	_ =	shalt  }
0x7a: {  	_ =	shalt  }
0x7b: {  	_ =	shalt  }
0x7c: {  	_ =	shalt  }
0x7d: {  	_ =	shalt  }
0x7e: {  	_ =	shalt  }
0x7f: {  	_ =	shalt  }
0x80: {  	_ =	shalt  }
0x81: {  	_ =	shalt  }
0x82: {  	_ =	shalt  }
0x83: {  	_ =	shalt  }
0x84: {  	_ =	shalt  }
0x85: {  	_ =	shalt  }
0x86: {  	_ =	shalt  }
0x87: {  	_ =	shalt  }
.Lfunc_end0:
.L_simem_size_0:
called_computation.5_lowered:
.L_overlay_start_0:
0x88: {  	s2 =	sld [smem:$0x3FD9]  }
0x89: {  	s3 =	sld [smem:$0x3FFE];
	_ =	sdelay $0x1  }
0x8a: {  	s1 =	srdreg.scid  }
0x8b: {  	s0 =	sand.u32 $0x1, s1  }
0x8c: {  	s16 =	sshll.u32 s0, $0xA;
	s2 =	sadd.s32 s3, s2  }
0x8d: {  	s2 =	sadd.s32 s2, s16  }
0x8e: {  	[smem:$0x3F9B] =	sst s2  }
0x8f: {  	_ = 	snop  }
0x90: {  	(tm) =	ssettm $0x1  }
0x91: {  	s17 =	sld [smem:$0x3FFB];
	_ =	sdelay $0x3  }
0x92: {  	_ =	strace s17  }
0x93: {  	s2 =	sld [smem:$0x3FFC];
	_ =	sdelay $0x3  }
0x94: {  	_ =	strace s2  }
0x95: {  	s2 =	sld [smem:$0x3FFD];
	_ =	sdelay $0x3  }
0x96: {  	_ =	strace s2  }
0x97: {  	_ =	strace $0x8FFFFFFF  }
0x98: {  	s18 =	sld [smem:$0x3FDB];
	_ =	sdelay $0x1  }
0x99: {  	s19 =	simm.s32 $_scs_section_size  }
0x9a: {  	s4 =	simm.s32 $_size__tile_overlayer_lowered;
	s5 =	simm.s32 $_tile_overlayer_lowered  }
0x9b: {  	s22 =	simm.s32 $0x1BFF;
	s21 =	sshll.u32 s5, $0x1;
	s2 =	sadd.s32 s19, s18  }
0x9c: {  	s6 =	simm.s32 $0x0;
	s20 =	sshll.u32 s4, $0x1;
	s4 =	sadd.s32 s21, s2  }
0x9d: {  	[timem:s6], [sflag:s22] =	dma.local [hbm:s4], s20  }
0x9e: {  	_ =	swait.ge [sflag:s22], s20  }
0x9f: {  	s3 =	ssub.s32 $0x0, s20;
	[sflag:s22] =	ssyncset.done $0x0  }
0xa0: {  	[sflag:s22] =	ssyncadd.s32 s3;
	_ =	sdelay $0x1  }
0xa1: {  	s23 =	simm.s32 $0x1B8B  }
0xa2: {  	_ =	swait.ge [sflag:s23], $0x1  }
0xa3: {  	[sflag:s23] =	ssyncset.done $0x0  }
0xa4: {  	s25 =	simm.s32 $0x1B8E;
	s24 =	sld [smem:$0x3FFE];
	[sflag:s23] =	ssyncadd.s32 $0xFFFFFFFF  }
0xa5: {  	s26 =	simm.s32 $execute0_lowered;
	[smem:$0x3FD2] =	sst s25  }
0xa6: {  	s4 =	sshll.u32 s26, $0x1;
	_ =	strace $0x80000055;
	[dreg:$0x1] =	wrdreg $0xFFFFFFFF  }
0xa7: {  	s28 =	simm.s32 $_size_execute0_lowered;
	s2 =	sadd.s32 s2, s4;
	[dreg:$0x0] =	wrdreg $0x0  }
0xa8: {  	s4 =	sshll.u32 s28, $0x1;
	[dreg:$0x2] =	wrdreg s2  }
0xa9: {  	[dreg:$0x3] =	wrdreg s4  }
0xaa: {  	[dreg:$0x4] =	wrdreg $0xC0  }
0xab: {  	_ =	task [dreg:s6], $0x5FFFF  }
0xac: {  	[dreg:$0x1] =	wrdreg $0xFFFFFFFF  }
0xad: {  	[dreg:$0x0] =	wrdreg $0x60  }
0xae: {  	[dreg:$0x2] =	wrdreg s24  }
0xaf: {  	[dreg:$0x3] =	wrdreg $0x68000  }
0xb0: {  	[dreg:$0x4] =	wrdreg $0x9  }
0xb1: {  	_ =	task.clear_ibuf [dreg:s6], $0x5FFFF;
	_ =	strace $0x90000055  }
0xb2: {  	s29 =	simm.s32 $0x9;
	_ =	strace $0x80000057  }
0xb3: {  	_ =	swait.ge [sflag:s29], $0x1  }
0xb4: {  	[sflag:s29] =	ssyncadd.s32 $0xFFFFFFFF  }
0xb5: {  	_ =	strace $0x90000057  }
0xb6: {  	_ =	sfence  }
0xb7: {  	s30 =	sld [smem:$0x0];
	_ =	sdelay $0x2  }
0xb8: {  	s31 =	sshll.u32 s1, $0xD;
	s1 =	sshrl.u32 s1, $0x2  }
0xb9: {  	s3 =	sand.u32 $0x4000, s31;
	s1 =	sadd.s32 s1, s30  }
0xba: {  	s0 =	sor.u32 s3, s0;
	s1 =	sshll.u32 s1, $0x11  }
0xbb: {  	s0 =	sor.u32 s1, s0  }
0xbc: {  	s0 =	sadd.s32 $0x8F2B, s0  }
0xbd: {  	[sflag:s0] =	ssyncadd.remote.s32 $0x1  }
0xbe: {  	_ =	sfence.sel $0xFFFF  }
0xbf: {  	[dreg:$0x0] =	wrdreg $0xFFFFFFFF;
	(pc) =	sbr.abs _section_cstart, $3  }
0xc0: {  	[dreg:$0x1] =	wrdreg $0xFFFFFFFF  }
0xc1: {  	_ =	task.clear_ibuf [dreg:s6], $0x2FFFF;
	_ =	strace $0x9FFFFFFF  }
0xc2: {  	(tm) =	ssettm $0x7FFFFFFF  }
0xc3: {  	_ =	shalt  }
tec
execute0_lowered:
.L_overlay_start_1:
0x0: {  	(tag) =	ssettag $0x1  }
0x1: {  	s0 =	stileid.u32  }
0x2: {  	s1 =	srdreg.scid;
	s7 =	rddreg [dreg:$0x0]  }
0x3: {  	s2 =	rddreg [dreg:$0x1];
	s5 =	smul.u32 $0x50000, s0  }
0x4: {  	s3 =	simm.s32 $0x0;
	s16 =	simm.s32 $0x80;
	s8 =	smul.u32 $0x2700, s0  }
0x5: {  	s17 =	simm.s32 $0x0;
	s6 =	sand.u32 $0x1, s1;
	s9 =	smul.u32 $0x4E000, s0  }
0x6: {  	[smem:$0x7FF] =	sst s3;
	s11 =	sadd.s32 $0x93200, s7;
	s28 =	smul.u32 $0x13800, s0  }
0x7: {  	s23 =	sshll.u32 s0, $0x1;
	s15 =	sadd.s32 $0x124800, s2;
	s13 =	smul.u32 $0x138800, s6  }
0x8: {  	p0 =	seq.s32 s0, $0xF;
	s1 =	sor.u32 s6, s23;
	s31 =	smul.u32 $0x28000, s6  }
0x9: {  	s25 =	ssub.s32 $0x2, s6;
	s6 =	sadd.s32 $0x69700, s7;
	s4 =	smul.u32 $0x2800, s1  }
0xa: {  	s1 =	rddreg [dreg:$0x2];
	_ =	strace $0x80000056;
	s10 =	sadd.s32 s5, s7  }
0xb: {  	s24 =	sadd.s32 s8, s7;
	s12 =	sshrl.u32 s25, $0x1;
	s26 =	sshrl.u32 s9, $0x2  }
0xc: {  	s12 =	ssub.s32 s25, s12;
	s14 =	sadd.s32 s26, s2;
	s5 =	sadd.s32 $0x44E00, s24  }
0xd: {  	s29 =	sadd.s32 s28, s13;
	s30 =	sshrl.u32 s13, $0x3;
	s10 =	sadd.s32 s31, s10  }
0xe: {  	s13 =	sshll.u32 @!p0 s0, $0x6;
	s4 =	sshrl.u32 s4, $0x3;
	s8 =	sshrl.u32 s29, $0x3  }
0xf: {  	s9 =	sadd.s32 s11, s30;
	s10 =	sadd.s32 $0x1651000, s10;
	s13 =	sor.u32 @!p0 $0x1C01, s13  }
0x10: {  	s14 =	sshrl.u32 @!p0 s14, $0x3;
	s4 =	sadd.s32 s4, s7;
	s7 =	sadd.s32 s11, s8  }
0x11: {  	s8 =	sadd.s32 $0x24900, s9;
	s9 =	smax.u32 s12, $0x1;
	s11 =	simm.s32 $0x1  }
0x12: {  	s12 =	sshrl.u32 @p0 s15, $0x3;
	s15 =	simm.s32 $0x2800;
	s4 =	sadd.s32 $0x9C00, s4  }
.LBB2_1:
0x13: {  	[tilespmem:s3], [sflag:$0x1] =	stream.linear.gather [hbm4b:s4+s3], $0x2800, $0x38;
	[tilespmem:$0x1A080] =	vst v63  }
0x14: {  	_ =	swait.ge [sflag:s11], $0x2800  }
0x15: {  	[sflag:s11] =	ssyncset.done $0x0  }
0x16: {  	s18 =	simm.s32 @p0 $0x1FC1;
	[sflag:s11] =	ssyncadd.s32 $0xFFFFD800  }
0x17: {  	[spmem:s12], [sflag:s18] =	dma.local @p0 [hbm:s6], $0x2800  }
0x18: {  	s18 =	simm.s32 @p0 $0x1  }
0x19: {  	_ =	swait.ge @p0 [sflag:s18], $0x2800  }
0x1a: {  	[sflag:s18] =	ssyncset.done @p0 $0x0  }
0x1b: {  	[sflag:s18] =	ssyncadd.s32 @p0 $0xFFFFD800;
	s18 =	simm.s32 @!p0 $0x1  }
0x1c: {  	[spmem:s14], [sflag:s13] =	dma.local @!p0 [hbm:s5], $0x2700  }
0x1d: {  	_ =	swait.ge @!p0 [sflag:s18], $0x2700  }
0x1e: {  	[sflag:s18] =	ssyncset.done @!p0 $0x0  }
0x1f: {  	[sflag:s18] =	ssyncadd.s32 @!p0 $0xFFFFD900  }
0x20: {  	[bflag:$0x0] =	sbarrier.arrive $0xFFFF  }
0x21: {  	[tilespmem:s15], [sflag:$0x1] =	stream.linear.gather [hbm4b:s10+s3], $0x4000, $0x38;
	[tilespmem:$0x1A080] =	vst v63  }
0x22: {  	_ =	swait.ge [sflag:s11], $0x4000  }
0x23: {  	[sflag:s11] =	ssyncset.done $0x0  }
0x24: {  	s31 =	simm.s32 $0x0;
	[sflag:s11] =	ssyncadd.s32 $0xFFFFC000  }
0x25: {  	[spmem:s2] =	stream.indirect.scatter.add.f32 [tilespmem:s15], [sflag:$0x1], $0x80, s31, s16, $0xb8;
	[tilespmem:$0x1A080] =	vst v63  }
0x26: {  	_ =	swait.ge [sflag:s11], $0x4000  }
0x27: {  	s19 =	smov.u32 s10;
	s18 =	simm.s32 $0x200;
	[sflag:s11] =	ssyncset.done $0x0  }
.LBB2_2:
0x28: {  	p1 =	sne.s32 s18, $0x9E00;
	[sflag:s11] =	ssyncadd.s32 $0xFFFFC000;
	s19 =	sadd.s32 $0x800, s19  }
0x29: {  	[tilespmem:s15], [sflag:$0x1] =	stream.linear.gather [hbm4b:s19+s3], $0x4000, $0x38;
	[tilespmem:$0x1A080] =	vst v63  }
0x2a: {  	s20 =	smov.u32 s18;
	s18 =	sadd.s32 $0x200, s18;
	_ =	swait.ge [sflag:s11], $0x4000  }
.Ltmp0:
0x2b: {  	[sflag:s11] =	ssyncset.done $0x0;
	(pc) =	sbr.rel @p1 .LBB2_2-.Ltmp0, $4  }
0x2c: {  	s20 =	sshra.s32 s20, $0x2;
	[sflag:s11] =	ssyncadd.s32 $0xFFFFC000  }
0x2d: {  	[spmem:s2] =	stream.indirect.scatter.add.f32 [tilespmem:s15], [sflag:$0x1], $0x80, s20, s16, $0xb8;
	[tilespmem:$0x1A080] =	vst v63  }
0x2e: {  	_ =	swait.ge [sflag:s11], $0x4000  }
0x2f: {  	[sflag:s11] =	ssyncset.done $0x0  }
0x30: {  	[sflag:s11] =	ssyncadd.s32 $0xFFFFC000  }
0x31: {  	s18 =	simm.s32 @p0 $0x1FC1;
	[bflag:$0x0] =	sbarrier.arrive $0xFFFF  }
0x32: {  	[hbm:s8], [sflag:s18] =	dma.local @p0 [spmem:s12], $0x2800  }
0x33: {  	s18 =	simm.s32 @p0 $0x1  }
0x34: {  	s17 =	sadd.s32 $0x1, s17;
	_ =	swait.ge @p0 [sflag:s18], $0x2800  }
0x35: {  	p1 =	sne.s32 s17, s9;
	[sflag:s18] =	ssyncset.done @p0 $0x0  }
.Ltmp1:
0x36: {  	[sflag:s18] =	ssyncadd.s32 @p0 $0xFFFFD800;
	s18 =	simm.s32 @!p0 $0x1;
	(pc) =	sbr.rel @p1 .LBB2_1-.Ltmp1, $4  }
0x37: {  	[hbm:s7], [sflag:s13] =	dma.local @!p0 [spmem:s14], $0x2700  }
0x38: {  	_ =	swait.ge @!p0 [sflag:s18], $0x2700  }
0x39: {  	[sflag:s18] =	ssyncset.done @!p0 $0x0  }
0x3a: {  	[sflag:s18] =	ssyncadd.s32 @!p0 $0xFFFFD900  }
0x3b: {  	_ =	sfence.sel $0x180000  }
0x3c: {  	[bflag:$0x0] =	sbarrier.arrive $0xFFFF  }
0x3d: {  	p0 =	sne.s32 s0, $0x0;
	_ =	strace $0x90000056  }
0x3e: {  	s0 =	sadd.s32 @!p0 $0x100000, s1;
	[bflag:$0x2] =	sbarrier.arrive $0xFFFF  }
0x3f: {  	[sflag:s0] =	ssyncadd.tile.s32 @!p0 $0x1;
	_ =	shalt  }
.Lfunc_end2:
_tile_overlayer_lowered:
.L_overlay_start_2:
0x40: {  	(tag) =	ssettag $0x2  }
0x41: {  	s0 =	rddreg [dreg:$0x0];
	s2 =	stileid.u32  }
0x42: {  	s1 =	rddreg [dreg:$0x1];
	p0 =	sne.s32 s2, $0x0  }
0x43: {  	s3 =	rddreg [dreg:$0x2];
	[bflag:$0x3] =	sbarrier.arrive $0xFFFF;
	s2 =	simm.s32 @!p0 $0x1C01  }
0x44: {  	[timem:s3], [sflag:s2] =	dma.local @!p0 [hbm:s0], s1  }
0x45: {  	s0 =	simm.s32 @!p0 $0x1  }
0x46: {  	_ =	swait.ge @!p0 [sflag:s0], s1  }
0x47: {  	s1 =	ssub.s32 @!p0 $0x0, s1;
	[sflag:s0] =	ssyncset.done @!p0 $0x0  }
0x48: {  	[sflag:s0] =	ssyncadd.s32 @!p0 s1  }
0x49: {  	[bflag:$0x3] =	sbarrier.arrive $0xFFFF  }
0x4a: {  	_ =	shalt  }

</sc_bundles>
